<compile_context>
chip_gen: v7x
topology: tpu7x:2x2x1
jax: 0.10.2.dev20260603
libtpu: 0.0.44.dev20260713+nightly
codegen_flags: <defaults>
</compile_context>

<pallas_src>
import functools

import jax
import jax.numpy as jnp
from jax import lax
from jax.experimental import pallas as pl
from jax.experimental.pallas import tpu as pltpu
from jax.experimental.pallas import tpu_sc as plsc

B = 8
M = 65536
D = 64
SCALE = 2.5
SLOPE = 0.01

MSC = 24576
MS = M - MSC

SEG = 4
NW = 32
KEYS = max(MSC // SEG, 1024)
CH = 512
NCH = KEYS // CH
GR = CH // 16

CHT = 4096
NCT = MS // CHT

_LOG2E = 1.4426950408889634
_LN2 = 0.6931471805599453
_RND = 12582912.0


def _bf16_rne(x):
    i = lax.bitcast_convert_type(x, jnp.int32)
    lsb = lax.shift_right_logical(i, 16) & 1
    r = (i + 0x7FFF + lsb) & jnp.int32(-65536)
    return lax.bitcast_convert_type(r, jnp.float32)


def _exp_precise(x):
    x = jnp.maximum(x, -87.0)
    t = x * _LOG2E
    n_f = (t + _RND) - _RND
    r = (t - n_f) * _LN2
    p = 1.0 + r * (1.0 + r * (0.5 + r * (1.0 / 6.0 + r * (
        1.0 / 24.0 + r * (1.0 / 120.0 + r * (1.0 / 720.0))))))
    n_i = n_f.astype(jnp.int32)
    scale = lax.bitcast_convert_type((n_i + 127) << 23, jnp.float32)
    return p * scale



_mesh = plsc.VectorSubcoreMesh(core_axis_name="c", subcore_axis_name="s")


@functools.partial(
    pl.kernel,
    mesh=_mesh,
    compiler_params=pltpu.CompilerParams(needs_layout_passes=False),
    out_type=[
        jax.ShapeDtypeStruct((NW * 64,), jnp.float32),
        jax.ShapeDtypeStruct((NW * 32,), jnp.float32),
    ],
    scratch_types=[
        pltpu.VMEM((D, CH), jnp.float32),
        pltpu.VMEM((D, CH), jnp.float32),
        pltpu.VMEM((KEYS,), jnp.float32),
        pltpu.VMEM((KEYS,), jnp.int32),
        pltpu.VMEM((64,), jnp.float32),
        pltpu.VMEM((16,), jnp.float32),
        pltpu.VMEM((1024,), jnp.float32),
        pltpu.VMEM((1024,), jnp.float32),
        pltpu.VMEM((64,), jnp.float32),
        pltpu.VMEM((32,), jnp.float32),
        pltpu.SemaphoreType.DMA,
        pltpu.SemaphoreType.DMA,
    ],
)
def _sc_attn(q_hbm, kt_hbm, vt_hbm, pos_hbm, qp_hbm, acc_out, st_out,
             buf0, buf1, scores, posb, qv, qpb, qb, accv,
             stacc, ststat, sem0, sem1):
    cid = lax.axis_index("c")
    sid = lax.axis_index("s")
    wid = cid * 16 + sid
    b = wid // SEG
    seg = wid % SEG
    base = MS + seg * KEYS

    pltpu.sync_copy(q_hbm.at[b], qv)
    pltpu.sync_copy(qp_hbm, qpb)
    pltpu.sync_copy(pos_hbm.at[b, pl.ds(base, KEYS)], posb)

    lane = lax.iota(jnp.int32, 16)
    zero = jnp.zeros((16,), jnp.float32)
    qp_vec = qpb[...]

    for i in range(4):
        qvec = _bf16_rne(qv[pl.ds(16 * i, 16)])
        for j in range(16):
            qb[pl.ds((16 * i + j) * 16, 16)] = zero + qvec[j]
            accv[pl.ds((16 * i + j) * 16, 16)] = zero

    def kcopy(c, buf, sem):
        return pltpu.make_async_copy(
            kt_hbm.at[b, :, pl.ds(base + c * CH, CH)], buf, sem)

    def vcopy(c, buf, sem):
        return pltpu.make_async_copy(
            vt_hbm.at[b, :, pl.ds(base + c * CH, CH)], buf, sem)

    def p1_chunk(c, buf, m_run):
        def block(bi, m_run):
            k0 = bi * 64

            def dloop(d, svs):
                s0, s1, s2, s3 = svs
                qd = qb[pl.ds(d * 16, 16)]
                s0 = s0 + qd * _bf16_rne(buf[d, pl.ds(k0, 16)])
                s1 = s1 + qd * _bf16_rne(buf[d, pl.ds(k0 + 16, 16)])
                s2 = s2 + qd * _bf16_rne(buf[d, pl.ds(k0 + 32, 16)])
                s3 = s3 + qd * _bf16_rne(buf[d, pl.ds(k0 + 48, 16)])
                return (s0, s1, s2, s3)

            svs = lax.fori_loop(0, 64, dloop, (zero, zero, zero, zero))
            kk = c * CH + k0
            for t in range(4):
                pos16 = posb[pl.ds(kk + t * 16, 16)].astype(jnp.float32)
                sv = svs[t] * SCALE - SLOPE * jnp.abs(qp_vec - pos16)
                scores[pl.ds(kk + t * 16, 16)] = sv
                m_run = jnp.maximum(m_run, sv)
            return m_run
        return lax.fori_loop(0, CH // 64, block, m_run)

    kcopy(0, buf0, sem0).start()

    def outer1(i, m_run):
        c0 = 2 * i
        kcopy(c0, buf0, sem0).wait()
        kcopy(c0 + 1, buf1, sem1).start()
        m_run = p1_chunk(c0, buf0, m_run)
        kcopy(c0 + 1, buf1, sem1).wait()

        @pl.when(i < NCH // 2 - 1)
        def _():
            kcopy(c0 + 2, buf0, sem0).start()

        m_run = p1_chunk(c0 + 1, buf1, m_run)
        return m_run

    m_run = lax.fori_loop(0, NCH // 2, outer1,
                          jnp.full((16,), -3e38, jnp.float32))
    gmax = jnp.max(m_run)

    def p2_chunk(c, buf, ws):
        def block(bi, ws):
            k0 = bi * 64
            kk = c * CH + k0
            w0 = _exp_precise(scores[pl.ds(kk, 16)] - gmax)
            w1 = _exp_precise(scores[pl.ds(kk + 16, 16)] - gmax)
            w2 = _exp_precise(scores[pl.ds(kk + 32, 16)] - gmax)
            w3 = _exp_precise(scores[pl.ds(kk + 48, 16)] - gmax)
            ws = ws + ((w0 + w1) + (w2 + w3))

            def dloop(d, t):
                acc = accv[pl.ds(d * 16, 16)]
                acc = acc + w0 * buf[d, pl.ds(k0, 16)]
                acc = acc + w1 * buf[d, pl.ds(k0 + 16, 16)]
                acc = acc + w2 * buf[d, pl.ds(k0 + 32, 16)]
                acc = acc + w3 * buf[d, pl.ds(k0 + 48, 16)]
                accv[pl.ds(d * 16, 16)] = acc
                return t

            lax.fori_loop(0, 64, dloop, 0)
            return ws
        return lax.fori_loop(0, CH // 64, block, ws)

    vcopy(0, buf0, sem0).start()

    def outer2(i, ws):
        c0 = 2 * i
        vcopy(c0, buf0, sem0).wait()
        vcopy(c0 + 1, buf1, sem1).start()
        ws = p2_chunk(c0, buf0, ws)
        vcopy(c0 + 1, buf1, sem1).wait()

        @pl.when(i < NCH // 2 - 1)
        def _():
            vcopy(c0 + 2, buf0, sem0).start()

        ws = p2_chunk(c0 + 1, buf1, ws)
        return ws

    ws = lax.fori_loop(0, NCH // 2, outer2, zero)

    for t in range(4):
        vec = zero
        for j in range(16):
            d = t * 16 + j
            vec = jnp.where(lane == j, jnp.sum(accv[pl.ds(d * 16, 16)]), vec)
        stacc[pl.ds(t * 16, 16)] = vec
    pltpu.sync_copy(stacc, acc_out.at[pl.ds(wid * 64, 64)])

    ststat[pl.ds(0, 16)] = zero + gmax
    ststat[pl.ds(16, 16)] = ws
    pltpu.sync_copy(ststat, st_out.at[pl.ds(wid * 32, 32)])



def _tc_body(q_ref, kt_ref, vt_ref, pos_ref, qp_ref, acc_out, st_out):
    qp = qp_ref[0]
    q16 = q_ref[0].astype(jnp.bfloat16)
    k16 = kt_ref[0].astype(jnp.bfloat16)
    s = lax.dot_general(q16, k16, (((1,), (0,)), ((), ())),
                        preferred_element_type=jnp.float32)
    pos = pos_ref[0].astype(jnp.float32)
    s = s * SCALE - SLOPE * jnp.abs(qp - pos)
    m_c = jnp.max(s)
    p = jnp.exp(s - m_c)
    l_c = jnp.sum(p)
    pv = lax.dot_general(p.astype(jnp.bfloat16),
                         vt_ref[0].astype(jnp.bfloat16),
                         (((1,), (1,)), ((), ())),
                         preferred_element_type=jnp.float32)
    acc_out[...] = pv.reshape(1, 1, 1, 64)
    iota = lax.broadcasted_iota(jnp.int32, (1, 1, 1, 128), 3)
    st_out[...] = jnp.where(iota == 0, m_c,
                            jnp.where(iota == 1, l_c, 0.0))


_tc_attn = pl.pallas_call(
    _tc_body,
    grid=(B, NCT if NCT else 1),
    in_specs=[
        pl.BlockSpec((1, 1, 64), lambda b, c: (b, 0, 0)),
        pl.BlockSpec((1, 64, CHT), lambda b, c: (b, 0, c)),
        pl.BlockSpec((1, 64, CHT), lambda b, c: (b, 0, c)),
        pl.BlockSpec((1, 1, CHT), lambda b, c: (b * (NCT if NCT else 1) + c, 0, 0)),
        pl.BlockSpec(memory_space=pltpu.MemorySpace.SMEM),
    ],
    out_specs=[
        pl.BlockSpec((1, 1, 1, 64), lambda b, c: (b, c, 0, 0)),
        pl.BlockSpec((1, 1, 1, 128), lambda b, c: (b, c, 0, 0)),
    ],
    out_shape=[
        jax.ShapeDtypeStruct((B, NCT if NCT else 1, 1, 64), jnp.float32),
        jax.ShapeDtypeStruct((B, NCT if NCT else 1, 1, 128), jnp.float32),
    ],
)



def kernel(query_addr, key_addrs, values, query_pos, key_pos):
    pos32 = key_pos.astype(jnp.int32)
    qp_s = jnp.full((1,), query_pos, dtype=jnp.float32)
    kt = jnp.swapaxes(key_addrs, 1, 2)
    vt = jnp.swapaxes(values, 1, 2)

    parts_m = []
    parts_l = []
    parts_acc = []

    if MSC:
        qp = jnp.full((16,), query_pos, dtype=jnp.float32)
        accf, stf = _sc_attn(query_addr, kt, vt, pos32, qp)
        acc = accf.reshape(B, SEG, 64)
        st = stf.reshape(B, SEG, 32)
        parts_m.append(st[:, :, 0])
        parts_l.append(st[:, :, 16:32].sum(-1))
        parts_acc.append(acc)

    if NCT:
        q3d = query_addr.reshape(B, 1, 64)
        pos_tc = pos32[:, :MS].reshape(B * NCT, 1, CHT)
        tacc, tst = _tc_attn(q3d, kt, vt, pos_tc, qp_s)
        parts_m.append(tst[:, :, 0, 0])
        parts_l.append(tst[:, :, 0, 1])
        parts_acc.append(tacc[:, :, 0, :])

    pm = jnp.concatenate(parts_m, axis=1)
    pl_ = jnp.concatenate(parts_l, axis=1)
    pa = jnp.concatenate(parts_acc, axis=1)
    gm = pm.max(axis=1, keepdims=True)
    sc = jnp.exp(pm - gm)
    num = (sc[:, :, None] * pa).sum(1)
    den = (sc * pl_).sum(1)[:, None]
    return num / den

# --- scband reference (transcript-rebuilt; emitter-appended) ---
"""Pipeline reference for scband-integrated-vm-62380105007344 (READ-ONLY COPY).

The authoritative reference and input builder live on the scoring server;
editing this copy changes nothing except your own understanding.
"""

import jax, jax.numpy as jnp
import numpy as np
import math

B, M, D = 8, 65536, 64
NUM_HEADS = 4
HEAD_DIM = D // NUM_HEADS
SCALE = 10.0 / math.sqrt(HEAD_DIM)
ALIBI_SLOPE = 0.01


def setup_inputs(seed: int = 0) -> dict:
    key = jax.random.key(seed)
    k1, k2, k3, k4 = jax.random.split(key, 4)
    query_addr = jax.random.normal(k1, (B, D), dtype=jnp.float32)
    key_addrs = jax.random.normal(k2, (B, M, D), dtype=jnp.float32)
    values = jax.random.normal(k3, (B, M, D), dtype=jnp.float32)
    key_pos = jnp.sort(jax.random.randint(k4, (B, M), 0, 65536, dtype=jnp.int64), axis=-1)
    return {
        "query_addr": query_addr,
        "key_addrs": key_addrs,
        "values": values,
        "query_pos": 65536,
        "key_pos": key_pos,
    }


def reference(query_addr, key_addrs, values, query_pos, key_pos):
    # Q: [B, 1, D]
    Q = query_addr[:, None, :]
    # scores: [B, 1, M] with sharp temperature scaling
    scores = jnp.einsum("bqd,bkd->bqk", Q, key_addrs) * SCALE
    # ALiBi recency bias: newer stores at same address shadow older ones
    distances = query_pos - key_pos[:, None, :]  # [B, 1, M]
    alibi_bias = -ALIBI_SLOPE * jnp.abs(distances).astype(jnp.float32)
    scores = scores + alibi_bias
    weights = jax.nn.softmax(scores, axis=-1)
    output = jnp.einsum("bqk,bkd->bqd", weights, values)
    return output[:, 0, :]

if __name__ == "__main__":
    import jax
    _d = setup_inputs()
    print(jax.jit(kernel)(*tuple(_d.values())))

</pallas_src>

<mosaic_0001>
#map = affine_map<(d0, d1) -> (0, 0)>
#map1 = affine_map<(d0, d1) -> (0, 0, 0)>
#map2 = affine_map<(d0, d1) -> (0)>
module attributes {stable_mosaic.version = 14 : i64} {
  func.func @_sc_attn(%arg0: i32, %arg1: i32, %arg2: memref<8x64xf32, #tpu.memory_space<hbm>>, %arg3: memref<8x64x65536xf32, #tpu.memory_space<hbm>>, %arg4: memref<8x64x65536xf32, #tpu.memory_space<hbm>>, %arg5: memref<8x65536xi32, #tpu.memory_space<hbm>>, %arg6: memref<16xf32, #tpu.memory_space<hbm>>, %arg7: memref<2048xf32, #tpu.memory_space<hbm>>, %arg8: memref<1024xf32, #tpu.memory_space<hbm>>, %arg9: memref<64x512xf32, #tpu.memory_space<vmem>>, %arg10: memref<64x512xf32, #tpu.memory_space<vmem>>, %arg11: memref<6144xf32, #tpu.memory_space<vmem>>, %arg12: memref<6144xi32, #tpu.memory_space<vmem>>, %arg13: memref<64xf32, #tpu.memory_space<vmem>>, %arg14: memref<16xf32, #tpu.memory_space<vmem>>, %arg15: memref<1024xf32, #tpu.memory_space<vmem>>, %arg16: memref<1024xf32, #tpu.memory_space<vmem>>, %arg17: memref<64xf32, #tpu.memory_space<vmem>>, %arg18: memref<32xf32, #tpu.memory_space<vmem>>, %arg19: memref<!tpu.dma_semaphore, #tpu.memory_space<semaphore_mem>>, %arg20: memref<!tpu.dma_semaphore, #tpu.memory_space<semaphore_mem>>) attributes {dimension_semantics = [#tpu.dimension_semantics<core_parallel>, #tpu.dimension_semantics<subcore_parallel>], iteration_bounds = array<i64: 2, 16>, scalar_prefetch = 0 : i64, scratch_operands = 12 : i64, tpu.core_type = #tpu.core_type<sc_vector_subcore>, window_params = [{transform_indices = #map}, {transform_indices = #map1}, {transform_indices = #map1}, {transform_indices = #map}, {transform_indices = #map2}, {transform_indices = #map2}, {transform_indices = #map2}]} {
    %mul3A = arith.constant 16 : i32
    %mul3A_0 = arith.muli %arg0, %mul3A : i32
    %add3A = arith.addi %mul3A_0, %arg1 : i32
    %jit3A = arith.constant 4 : i32
    %div3A = arith.divsi %add3A, %jit3A : i32
    %sign3A = arith.constant 0 : i32
    %sign3A_1 = arith.cmpi sgt, %add3A, %sign3A : i32
    %sign3A_2 = arith.extui %sign3A_1 : i1 to i32
    %sign3A_3 = arith.constant 0 : i32
    %sign3A_4 = arith.cmpi slt, %add3A, %sign3A_3 : i32
    %sign3A_5 = arith.extui %sign3A_4 : i1 to i32
    %sign3A_6 = arith.subi %sign3A_2, %sign3A_5 : i32
    %sign3A_7 = arith.constant 0 : i32
    %sign3A_8 = arith.cmpi sgt, %jit3A, %sign3A_7 : i32
    %sign3A_9 = arith.extui %sign3A_8 : i1 to i32
    %sign3A_10 = arith.constant 0 : i32
    %sign3A_11 = arith.cmpi slt, %jit3A, %sign3A_10 : i32
    %sign3A_12 = arith.extui %sign3A_11 : i1 to i32
    %sign3A_13 = arith.subi %sign3A_9, %sign3A_12 : i32
    %ne3A = arith.cmpi ne, %sign3A_6, %sign3A_13 : i32
    %rem3A = arith.remsi %add3A, %jit3A : i32
    %ne3A_14 = arith.constant 0 : i32
    %ne3A_15 = arith.cmpi ne, %rem3A, %ne3A_14 : i32
    %and3A = arith.andi %ne3A, %ne3A_15 : i1
    %sub3A = arith.constant 1 : i32
    %sub3A_16 = arith.subi %div3A, %sub3A : i32
    %select_n3A = arith.select %and3A, %sub3A_16, %div3A : i32
    %jit3A_17 = arith.constant 4 : i32
    %eq3A = arith.constant 0 : i32
    %eq3A_18 = arith.cmpi eq, %jit3A_17, %eq3A : i32
    %jit3A_19 = arith.constant 1 : i32
    %select_n3A_20 = arith.select %eq3A_18, %jit3A_19, %jit3A_17 : i32
    %rem3A_21 = arith.remsi %add3A, %select_n3A_20 : i32
    %ne3A_22 = arith.constant 0 : i32
    %ne3A_23 = arith.cmpi ne, %rem3A_21, %ne3A_22 : i32
    %lt3A = arith.constant 0 : i32
    %lt3A_24 = arith.cmpi slt, %rem3A_21, %lt3A : i32
    %lt3A_25 = arith.constant 0 : i32
    %lt3A_26 = arith.cmpi slt, %select_n3A_20, %lt3A_25 : i32
    %ne3A_27 = arith.xori %lt3A_24, %lt3A_26 : i1
    %and3A_28 = arith.andi %ne3A_27, %ne3A_23 : i1
    %add3A_29 = arith.addi %rem3A_21, %select_n3A_20 : i32
    %select_n3A_30 = arith.select %and3A_28, %add3A_29, %rem3A_21 : i32
    %mul3A_31 = arith.constant 6144 : i32
    %mul3A_32 = arith.muli %select_n3A_30, %mul3A_31 : i32
    %add3A_33 = arith.constant 40960 : i32
    %add3A_34 = arith.addi %add3A_33, %mul3A_32 : i32
    "tpu.region"() ({
      %run_scoped3A = tpu.sem_alloc : memref<!tpu.dma_semaphore, #tpu.memory_space<semaphore_mem>>
      %dma_start3A_1364 = arith.constant 0 : i32
      %dma_start3A_1365 = tpu.memref_slice %arg2[%select_n3A, %dma_start3A_1364] : memref<8x64xf32, #tpu.memory_space<hbm>> -> memref<1x64xf32, #tpu.memory_space<hbm>>
      %dma_start3A_1366 = tpu.memref_squeeze %dma_start3A_1365 : memref<1x64xf32, #tpu.memory_space<hbm>> -> memref<64xf32, #tpu.memory_space<hbm>>
      %dma_start3A_1367 = arith.constant 0 : i32
      %dma_start3A_1368 = tpu.memref_slice %arg2[%select_n3A, %dma_start3A_1367] : memref<8x64xf32, #tpu.memory_space<hbm>> -> memref<1x64xf32, #tpu.memory_space<hbm>>
      %dma_start3A_1369 = tpu.memref_squeeze %dma_start3A_1368 : memref<1x64xf32, #tpu.memory_space<hbm>> -> memref<64xf32, #tpu.memory_space<hbm>>
      tpu.enqueue_dma source(%dma_start3A_1369 : memref<64xf32, #tpu.memory_space<hbm>>) target(%arg13 : memref<64xf32, #tpu.memory_space<vmem>>) target_semaphore(%run_scoped3A : memref<!tpu.dma_semaphore, #tpu.memory_space<semaphore_mem>>)
      %dma_wait3A = arith.constant 0 : i32
      %dma_wait3A_1370 = tpu.memref_slice %arg2[%select_n3A, %dma_wait3A] : memref<8x64xf32, #tpu.memory_space<hbm>> -> memref<1x64xf32, #tpu.memory_space<hbm>>
      %dma_wait3A_1371 = tpu.memref_squeeze %dma_wait3A_1370 : memref<1x64xf32, #tpu.memory_space<hbm>> -> memref<64xf32, #tpu.memory_space<hbm>>
      %dma_wait3A_1372 = arith.constant 0 : i32
      %dma_wait3A_1373 = tpu.memref_slice %arg2[%select_n3A, %dma_wait3A_1372] : memref<8x64xf32, #tpu.memory_space<hbm>> -> memref<1x64xf32, #tpu.memory_space<hbm>>
      %dma_wait3A_1374 = tpu.memref_squeeze %dma_wait3A_1373 : memref<1x64xf32, #tpu.memory_space<hbm>> -> memref<64xf32, #tpu.memory_space<hbm>>
      tpu.wait_dma2 semaphore(%run_scoped3A : memref<!tpu.dma_semaphore, #tpu.memory_space<semaphore_mem>>) src(%dma_wait3A_1374 : memref<64xf32, #tpu.memory_space<hbm>>) dst(%arg13 : memref<64xf32, #tpu.memory_space<vmem>>)
      tpu.yield
    }) : () -> ()
    "tpu.region"() ({
      %run_scoped3A = tpu.sem_alloc : memref<!tpu.dma_semaphore, #tpu.memory_space<semaphore_mem>>
      tpu.enqueue_dma source(%arg6 : memref<16xf32, #tpu.memory_space<hbm>>) target(%arg14 : memref<16xf32, #tpu.memory_space<vmem>>) target_semaphore(%run_scoped3A : memref<!tpu.dma_semaphore, #tpu.memory_space<semaphore_mem>>)
      tpu.wait_dma2 semaphore(%run_scoped3A : memref<!tpu.dma_semaphore, #tpu.memory_space<semaphore_mem>>) src(%arg6 : memref<16xf32, #tpu.memory_space<hbm>>) dst(%arg14 : memref<16xf32, #tpu.memory_space<vmem>>)
      tpu.yield
    }) : () -> ()
    "tpu.region"() ({
      %run_scoped3A = tpu.sem_alloc : memref<!tpu.dma_semaphore, #tpu.memory_space<semaphore_mem>>
      %dma_start3A_1364 = tpu.memref_slice %arg5[%select_n3A, %add3A_34] : memref<8x65536xi32, #tpu.memory_space<hbm>> -> memref<1x6144xi32, #tpu.memory_space<hbm>>
      %dma_start3A_1365 = tpu.memref_squeeze %dma_start3A_1364 : memref<1x6144xi32, #tpu.memory_space<hbm>> -> memref<6144xi32, #tpu.memory_space<hbm>>
      %dma_start3A_1366 = tpu.memref_slice %arg5[%select_n3A, %add3A_34] : memref<8x65536xi32, #tpu.memory_space<hbm>> -> memref<1x6144xi32, #tpu.memory_space<hbm>>
      %dma_start3A_1367 = tpu.memref_squeeze %dma_start3A_1366 : memref<1x6144xi32, #tpu.memory_space<hbm>> -> memref<6144xi32, #tpu.memory_space<hbm>>
      tpu.enqueue_dma source(%dma_start3A_1367 : memref<6144xi32, #tpu.memory_space<hbm>>) target(%arg12 : memref<6144xi32, #tpu.memory_space<vmem>>) target_semaphore(%run_scoped3A : memref<!tpu.dma_semaphore, #tpu.memory_space<semaphore_mem>>)
      %dma_wait3A = tpu.memref_slice %arg5[%select_n3A, %add3A_34] : memref<8x65536xi32, #tpu.memory_space<hbm>> -> memref<1x6144xi32, #tpu.memory_space<hbm>>
      %dma_wait3A_1368 = tpu.memref_squeeze %dma_wait3A : memref<1x6144xi32, #tpu.memory_space<hbm>> -> memref<6144xi32, #tpu.memory_space<hbm>>
      %dma_wait3A_1369 = tpu.memref_slice %arg5[%select_n3A, %add3A_34] : memref<8x65536xi32, #tpu.memory_space<hbm>> -> memref<1x6144xi32, #tpu.memory_space<hbm>>
      %dma_wait3A_1370 = tpu.memref_squeeze %dma_wait3A_1369 : memref<1x6144xi32, #tpu.memory_space<hbm>> -> memref<6144xi32, #tpu.memory_space<hbm>>
      tpu.wait_dma2 semaphore(%run_scoped3A : memref<!tpu.dma_semaphore, #tpu.memory_space<semaphore_mem>>) src(%dma_wait3A_1370 : memref<6144xi32, #tpu.memory_space<hbm>>) dst(%arg12 : memref<6144xi32, #tpu.memory_space<vmem>>)
      tpu.yield
    }) : () -> ()
    %iota3A = tpu.iota {dimensions = array<i32: 0>} : vector<16xi32>
    %broadcast_in_dim3A = arith.constant 0.000000e+00 : f32
    %broadcast_in_dim3A_35 = vector.broadcast %broadcast_in_dim3A : f32 to vector<16xf32>
    %get3A = arith.constant 0 : index
    %get3A_36 = tpu.vector_load %arg14[%get3A] {strides = array<i32>} : memref<16xf32, #tpu.memory_space<vmem>>, vector<16xf32>,
    %get3A_37 = arith.constant 0 : index
    %get3A_38 = tpu.vector_load %arg13[%get3A_37] {strides = array<i32>} : memref<64xf32, #tpu.memory_space<vmem>>, vector<16xf32>,
    %bitcast_convert_type3A = tpu.bitcast %get3A_38 : vector<16xf32> -> vector<16xi32>
    %shift_right_logical3A = arith.constant 16 : i32
    %shift_right_logical3A_39 = vector.broadcast %shift_right_logical3A : i32 to vector<16xi32>
    %shift_right_logical3A_40 = arith.shrui %bitcast_convert_type3A, %shift_right_logical3A_39 : vector<16xi32>
    %and3A_41 = arith.constant 1 : i32
    %and3A_42 = vector.broadcast %and3A_41 : i32 to vector<16xi32>
    %and3A_43 = arith.andi %shift_right_logical3A_40, %and3A_42 : vector<16xi32>
    %add3A_44 = arith.constant 32767 : i32
    %add3A_45 = vector.broadcast %add3A_44 : i32 to vector<16xi32>
    %add3A_46 = arith.addi %bitcast_convert_type3A, %add3A_45 : vector<16xi32>
    %add3A_47 = arith.addi %add3A_46, %and3A_43 : vector<16xi32>
    %and3A_48 = arith.constant -65536 : i32
    %and3A_49 = vector.broadcast %and3A_48 : i32 to vector<16xi32>
    %and3A_50 = arith.andi %add3A_47, %and3A_49 : vector<16xi32>
    %bitcast_convert_type3A_51 = tpu.bitcast %and3A_50 : vector<16xi32> -> vector<16xf32>
    %slice3A = vector.extract_strided_slice %bitcast_convert_type3A_51 {offsets = [0], sizes = [1], strides = [1]} : vector<16xf32> to vector<1xf32>
    %squeeze3A = vector.extract %slice3A[0] : f32 from vector<1xf32>
    %add3A_52 = vector.broadcast %squeeze3A : f32 to vector<16xf32>
    %add3A_53 = arith.addf %broadcast_in_dim3A_35, %add3A_52 : vector<16xf32>
    %swap3A = arith.constant 0 : index
    %swap3A_54 = tpu.vector_load %arg15[%swap3A] {strides = array<i32>} : memref<1024xf32, #tpu.memory_space<vmem>>, vector<16xf32>,
    tpu.vector_store %arg15[%swap3A], %add3A_53 {strides = array<i32>} : memref<1024xf32, #tpu.memory_space<vmem>>, vector<16xf32>,
    %swap3A_55 = arith.constant 0 : index
    %swap3A_56 = tpu.vector_load %arg16[%swap3A_55] {strides = array<i32>} : memref<1024xf32, #tpu.memory_space<vmem>>, vector<16xf32>,
    tpu.vector_store %arg16[%swap3A_55], %broadcast_in_dim3A_35 {strides = array<i32>} : memref<1024xf32, #tpu.memory_space<vmem>>, vector<16xf32>,
    %slice3A_57 = vector.extract_strided_slice %bitcast_convert_type3A_51 {offsets = [1], sizes = [1], strides = [1]} : vector<16xf32> to vector<1xf32>
    %squeeze3A_58 = vector.extract %slice3A_57[0] : f32 from vector<1xf32>
    %add3A_59 = vector.broadcast %squeeze3A_58 : f32 to vector<16xf32>
    %add3A_60 = arith.addf %broadcast_in_dim3A_35, %add3A_59 : vector<16xf32>
    %swap3A_61 = arith.constant 16 : index
    %swap3A_62 = tpu.vector_load %arg15[%swap3A_61] {strides = array<i32>} : memref<1024xf32, #tpu.memory_space<vmem>>, vector<16xf32>,
    tpu.vector_store %arg15[%swap3A_61], %add3A_60 {strides = array<i32>} : memref<1024xf32, #tpu.memory_space<vmem>>, vector<16xf32>,
    %swap3A_63 = arith.constant 16 : index
    %swap3A_64 = tpu.vector_load %arg16[%swap3A_63] {strides = array<i32>} : memref<1024xf32, #tpu.memory_space<vmem>>, vector<16xf32>,
    tpu.vector_store %arg16[%swap3A_63], %broadcast_in_dim3A_35 {strides = array<i32>} : memref<1024xf32, #tpu.memory_space<vmem>>, vector<16xf32>,
    %slice3A_65 = vector.extract_strided_slice %bitcast_convert_type3A_51 {offsets = [2], sizes = [1], strides = [1]} : vector<16xf32> to vector<1xf32>
    %squeeze3A_66 = vector.extract %slice3A_65[0] : f32 from vector<1xf32>
    %add3A_67 = vector.broadcast %squeeze3A_66 : f32 to vector<16xf32>
    %add3A_68 = arith.addf %broadcast_in_dim3A_35, %add3A_67 : vector<16xf32>
    %swap3A_69 = arith.constant 32 : index
    %swap3A_70 = tpu.vector_load %arg15[%swap3A_69] {strides = array<i32>} : memref<1024xf32, #tpu.memory_space<vmem>>, vector<16xf32>,
    tpu.vector_store %arg15[%swap3A_69], %add3A_68 {strides = array<i32>} : memref<1024xf32, #tpu.memory_space<vmem>>, vector<16xf32>,
    %swap3A_71 = arith.constant 32 : index
    %swap3A_72 = tpu.vector_load %arg16[%swap3A_71] {strides = array<i32>} : memref<1024xf32, #tpu.memory_space<vmem>>, vector<16xf32>,
    tpu.vector_store %arg16[%swap3A_71], %broadcast_in_dim3A_35 {strides = array<i32>} : memref<1024xf32, #tpu.memory_space<vmem>>, vector<16xf32>,
    %slice3A_73 = vector.extract_strided_slice %bitcast_convert_type3A_51 {offsets = [3], sizes = [1], strides = [1]} : vector<16xf32> to vector<1xf32>
    %squeeze3A_74 = vector.extract %slice3A_73[0] : f32 from vector<1xf32>
    %add3A_75 = vector.broadcast %squeeze3A_74 : f32 to vector<16xf32>
    %add3A_76 = arith.addf %broadcast_in_dim3A_35, %add3A_75 : vector<16xf32>
    %swap3A_77 = arith.constant 48 : index
    %swap3A_78 = tpu.vector_load %arg15[%swap3A_77] {strides = array<i32>} : memref<1024xf32, #tpu.memory_space<vmem>>, vector<16xf32>,
    tpu.vector_store %arg15[%swap3A_77], %add3A_76 {strides = array<i32>} : memref<1024xf32, #tpu.memory_space<vmem>>, vector<16xf32>,
    %swap3A_79 = arith.constant 48 : index
    %swap3A_80 = tpu.vector_load %arg16[%swap3A_79] {strides = array<i32>} : memref<1024xf32, #tpu.memory_space<vmem>>, vector<16xf32>,
    tpu.vector_store %arg16[%swap3A_79], %broadcast_in_dim3A_35 {strides = array<i32>} : memref<1024xf32, #tpu.memory_space<vmem>>, vector<16xf32>,
    %slice3A_81 = vector.extract_strided_slice %bitcast_convert_type3A_51 {offsets = [4], sizes = [1], strides = [1]} : vector<16xf32> to vector<1xf32>
    %squeeze3A_82 = vector.extract %slice3A_81[0] : f32 from vector<1xf32>
    %add3A_83 = vector.broadcast %squeeze3A_82 : f32 to vector<16xf32>
    %add3A_84 = arith.addf %broadcast_in_dim3A_35, %add3A_83 : vector<16xf32>
    %swap3A_85 = arith.constant 64 : index
    %swap3A_86 = tpu.vector_load %arg15[%swap3A_85] {strides = array<i32>} : memref<1024xf32, #tpu.memory_space<vmem>>, vector<16xf32>,
    tpu.vector_store %arg15[%swap3A_85], %add3A_84 {strides = array<i32>} : memref<1024xf32, #tpu.memory_space<vmem>>, vector<16xf32>,
    %swap3A_87 = arith.constant 64 : index
    %swap3A_88 = tpu.vector_load %arg16[%swap3A_87] {strides = array<i32>} : memref<1024xf32, #tpu.memory_space<vmem>>, vector<16xf32>,
    tpu.vector_store %arg16[%swap3A_87], %broadcast_in_dim3A_35 {strides = array<i32>} : memref<1024xf32, #tpu.memory_space<vmem>>, vector<16xf32>,
    %slice3A_89 = vector.extract_strided_slice %bitcast_convert_type3A_51 {offsets = [5], sizes = [1], strides = [1]} : vector<16xf32> to vector<1xf32>
    %squeeze3A_90 = vector.extract %slice3A_89[0] : f32 from vector<1xf32>
    %add3A_91 = vector.broadcast %squeeze3A_90 : f32 to vector<16xf32>
    %add3A_92 = arith.addf %broadcast_in_dim3A_35, %add3A_91 : vector<16xf32>
    %swap3A_93 = arith.constant 80 : index
    %swap3A_94 = tpu.vector_load %arg15[%swap3A_93] {strides = array<i32>} : memref<1024xf32, #tpu.memory_space<vmem>>, vector<16xf32>,
    tpu.vector_store %arg15[%swap3A_93], %add3A_92 {strides = array<i32>} : memref<1024xf32, #tpu.memory_space<vmem>>, vector<16xf32>,
    %swap3A_95 = arith.constant 80 : index
    %swap3A_96 = tpu.vector_load %arg16[%swap3A_95] {strides = array<i32>} : memref<1024xf32, #tpu.memory_space<vmem>>, vector<16xf32>,
    tpu.vector_store %arg16[%swap3A_95], %broadcast_in_dim3A_35 {strides = array<i32>} : memref<1024xf32, #tpu.memory_space<vmem>>, vector<16xf32>,
    %slice3A_97 = vector.extract_strided_slice %bitcast_convert_type3A_51 {offsets = [6], sizes = [1], strides = [1]} : vector<16xf32> to vector<1xf32>
    %squeeze3A_98 = vector.extract %slice3A_97[0] : f32 from vector<1xf32>
    %add3A_99 = vector.broadcast %squeeze3A_98 : f32 to vector<16xf32>
    %add3A_100 = arith.addf %broadcast_in_dim3A_35, %add3A_99 : vector<16xf32>
    %swap3A_101 = arith.constant 96 : index
    %swap3A_102 = tpu.vector_load %arg15[%swap3A_101] {strides = array<i32>} : memref<1024xf32, #tpu.memory_space<vmem>>, vector<16xf32>,
    tpu.vector_store %arg15[%swap3A_101], %add3A_100 {strides = array<i32>} : memref<1024xf32, #tpu.memory_space<vmem>>, vector<16xf32>,
    %swap3A_103 = arith.constant 96 : index
    %swap3A_104 = tpu.vector_load %arg16[%swap3A_103] {strides = array<i32>} : memref<1024xf32, #tpu.memory_space<vmem>>, vector<16xf32>,
    tpu.vector_store %arg16[%swap3A_103], %broadcast_in_dim3A_35 {strides = array<i32>} : memref<1024xf32, #tpu.memory_space<vmem>>, vector<16xf32>,
    %slice3A_105 = vector.extract_strided_slice %bitcast_convert_type3A_51 {offsets = [7], sizes = [1], strides = [1]} : vector<16xf32> to vector<1xf32>
    %squeeze3A_106 = vector.extract %slice3A_105[0] : f32 from vector<1xf32>
    %add3A_107 = vector.broadcast %squeeze3A_106 : f32 to vector<16xf32>
    %add3A_108 = arith.addf %broadcast_in_dim3A_35, %add3A_107 : vector<16xf32>
    %swap3A_109 = arith.constant 112 : index
    %swap3A_110 = tpu.vector_load %arg15[%swap3A_109] {strides = array<i32>} : memref<1024xf32, #tpu.memory_space<vmem>>, vector<16xf32>,
    tpu.vector_store %arg15[%swap3A_109], %add3A_108 {strides = array<i32>} : memref<1024xf32, #tpu.memory_space<vmem>>, vector<16xf32>,
    %swap3A_111 = arith.constant 112 : index
    %swap3A_112 = tpu.vector_load %arg16[%swap3A_111] {strides = array<i32>} : memref<1024xf32, #tpu.memory_space<vmem>>, vector<16xf32>,
    tpu.vector_store %arg16[%swap3A_111], %broadcast_in_dim3A_35 {strides = array<i32>} : memref<1024xf32, #tpu.memory_space<vmem>>, vector<16xf32>,
    %slice3A_113 = vector.extract_strided_slice %bitcast_convert_type3A_51 {offsets = [8], sizes = [1], strides = [1]} : vector<16xf32> to vector<1xf32>
    %squeeze3A_114 = vector.extract %slice3A_113[0] : f32 from vector<1xf32>
    %add3A_115 = vector.broadcast %squeeze3A_114 : f32 to vector<16xf32>
    %add3A_116 = arith.addf %broadcast_in_dim3A_35, %add3A_115 : vector<16xf32>
    %swap3A_117 = arith.constant 128 : index
    %swap3A_118 = tpu.vector_load %arg15[%swap3A_117] {strides = array<i32>} : memref<1024xf32, #tpu.memory_space<vmem>>, vector<16xf32>,
    tpu.vector_store %arg15[%swap3A_117], %add3A_116 {strides = array<i32>} : memref<1024xf32, #tpu.memory_space<vmem>>, vector<16xf32>,
    %swap3A_119 = arith.constant 128 : index
    %swap3A_120 = tpu.vector_load %arg16[%swap3A_119] {strides = array<i32>} : memref<1024xf32, #tpu.memory_space<vmem>>, vector<16xf32>,
    tpu.vector_store %arg16[%swap3A_119], %broadcast_in_dim3A_35 {strides = array<i32>} : memref<1024xf32, #tpu.memory_space<vmem>>, vector<16xf32>,
    %slice3A_121 = vector.extract_strided_slice %bitcast_convert_type3A_51 {offsets = [9], sizes = [1], strides = [1]} : vector<16xf32> to vector<1xf32>
    %squeeze3A_122 = vector.extract %slice3A_121[0] : f32 from vector<1xf32>
    %add3A_123 = vector.broadcast %squeeze3A_122 : f32 to vector<16xf32>
    %add3A_124 = arith.addf %broadcast_in_dim3A_35, %add3A_123 : vector<16xf32>
    %swap3A_125 = arith.constant 144 : index
    %swap3A_126 = tpu.vector_load %arg15[%swap3A_125] {strides = array<i32>} : memref<1024xf32, #tpu.memory_space<vmem>>, vector<16xf32>,
    tpu.vector_store %arg15[%swap3A_125], %add3A_124 {strides = array<i32>} : memref<1024xf32, #tpu.memory_space<vmem>>, vector<16xf32>,
    %swap3A_127 = arith.constant 144 : index
    %swap3A_128 = tpu.vector_load %arg16[%swap3A_127] {strides = array<i32>} : memref<1024xf32, #tpu.memory_space<vmem>>, vector<16xf32>,
    tpu.vector_store %arg16[%swap3A_127], %broadcast_in_dim3A_35 {strides = array<i32>} : memref<1024xf32, #tpu.memory_space<vmem>>, vector<16xf32>,
    %slice3A_129 = vector.extract_strided_slice %bitcast_convert_type3A_51 {offsets = [10], sizes = [1], strides = [1]} : vector<16xf32> to vector<1xf32>
    %squeeze3A_130 = vector.extract %slice3A_129[0] : f32 from vector<1xf32>
    %add3A_131 = vector.broadcast %squeeze3A_130 : f32 to vector<16xf32>
    %add3A_132 = arith.addf %broadcast_in_dim3A_35, %add3A_131 : vector<16xf32>
    %swap3A_133 = arith.constant 160 : index
    %swap3A_134 = tpu.vector_load %arg15[%swap3A_133] {strides = array<i32>} : memref<1024xf32, #tpu.memory_space<vmem>>, vector<16xf32>,
    tpu.vector_store %arg15[%swap3A_133], %add3A_132 {strides = array<i32>} : memref<1024xf32, #tpu.memory_space<vmem>>, vector<16xf32>,
    %swap3A_135 = arith.constant 160 : index
    %swap3A_136 = tpu.vector_load %arg16[%swap3A_135] {strides = array<i32>} : memref<1024xf32, #tpu.memory_space<vmem>>, vector<16xf32>,
    tpu.vector_store %arg16[%swap3A_135], %broadcast_in_dim3A_35 {strides = array<i32>} : memref<1024xf32, #tpu.memory_space<vmem>>, vector<16xf32>,
    %slice3A_137 = vector.extract_strided_slice %bitcast_convert_type3A_51 {offsets = [11], sizes = [1], strides = [1]} : vector<16xf32> to vector<1xf32>
    %squeeze3A_138 = vector.extract %slice3A_137[0] : f32 from vector<1xf32>
    %add3A_139 = vector.broadcast %squeeze3A_138 : f32 to vector<16xf32>
    %add3A_140 = arith.addf %broadcast_in_dim3A_35, %add3A_139 : vector<16xf32>
    %swap3A_141 = arith.constant 176 : index
    %swap3A_142 = tpu.vector_load %arg15[%swap3A_141] {strides = array<i32>} : memref<1024xf32, #tpu.memory_space<vmem>>, vector<16xf32>,
    tpu.vector_store %arg15[%swap3A_141], %add3A_140 {strides = array<i32>} : memref<1024xf32, #tpu.memory_space<vmem>>, vector<16xf32>,
    %swap3A_143 = arith.constant 176 : index
    %swap3A_144 = tpu.vector_load %arg16[%swap3A_143] {strides = array<i32>} : memref<1024xf32, #tpu.memory_space<vmem>>, vector<16xf32>,
    tpu.vector_store %arg16[%swap3A_143], %broadcast_in_dim3A_35 {strides = array<i32>} : memref<1024xf32, #tpu.memory_space<vmem>>, vector<16xf32>,
    %slice3A_145 = vector.extract_strided_slice %bitcast_convert_type3A_51 {offsets = [12], sizes = [1], strides = [1]} : vector<16xf32> to vector<1xf32>
    %squeeze3A_146 = vector.extract %slice3A_145[0] : f32 from vector<1xf32>
    %add3A_147 = vector.broadcast %squeeze3A_146 : f32 to vector<16xf32>
    %add3A_148 = arith.addf %broadcast_in_dim3A_35, %add3A_147 : vector<16xf32>
    %swap3A_149 = arith.constant 192 : index
    %swap3A_150 = tpu.vector_load %arg15[%swap3A_149] {strides = array<i32>} : memref<1024xf32, #tpu.memory_space<vmem>>, vector<16xf32>,
    tpu.vector_store %arg15[%swap3A_149], %add3A_148 {strides = array<i32>} : memref<1024xf32, #tpu.memory_space<vmem>>, vector<16xf32>,
    %swap3A_151 = arith.constant 192 : index
    %swap3A_152 = tpu.vector_load %arg16[%swap3A_151] {strides = array<i32>} : memref<1024xf32, #tpu.memory_space<vmem>>, vector<16xf32>,
    tpu.vector_store %arg16[%swap3A_151], %broadcast_in_dim3A_35 {strides = array<i32>} : memref<1024xf32, #tpu.memory_space<vmem>>, vector<16xf32>,
    %slice3A_153 = vector.extract_strided_slice %bitcast_convert_type3A_51 {offsets = [13], sizes = [1], strides = [1]} : vector<16xf32> to vector<1xf32>
    %squeeze3A_154 = vector.extract %slice3A_153[0] : f32 from vector<1xf32>
    %add3A_155 = vector.broadcast %squeeze3A_154 : f32 to vector<16xf32>
    %add3A_156 = arith.addf %broadcast_in_dim3A_35, %add3A_155 : vector<16xf32>
    %swap3A_157 = arith.constant 208 : index
    %swap3A_158 = tpu.vector_load %arg15[%swap3A_157] {strides = array<i32>} : memref<1024xf32, #tpu.memory_space<vmem>>, vector<16xf32>,
    tpu.vector_store %arg15[%swap3A_157], %add3A_156 {strides = array<i32>} : memref<1024xf32, #tpu.memory_space<vmem>>, vector<16xf32>,
    %swap3A_159 = arith.constant 208 : index
    %swap3A_160 = tpu.vector_load %arg16[%swap3A_159] {strides = array<i32>} : memref<1024xf32, #tpu.memory_space<vmem>>, vector<16xf32>,
    tpu.vector_store %arg16[%swap3A_159], %broadcast_in_dim3A_35 {strides = array<i32>} : memref<1024xf32, #tpu.memory_space<vmem>>, vector<16xf32>,
    %slice3A_161 = vector.extract_strided_slice %bitcast_convert_type3A_51 {offsets = [14], sizes = [1], strides = [1]} : vector<16xf32> to vector<1xf32>
    %squeeze3A_162 = vector.extract %slice3A_161[0] : f32 from vector<1xf32>
    %add3A_163 = vector.broadcast %squeeze3A_162 : f32 to vector<16xf32>
    %add3A_164 = arith.addf %broadcast_in_dim3A_35, %add3A_163 : vector<16xf32>
    %swap3A_165 = arith.constant 224 : index
    %swap3A_166 = tpu.vector_load %arg15[%swap3A_165] {strides = array<i32>} : memref<1024xf32, #tpu.memory_space<vmem>>, vector<16xf32>,
    tpu.vector_store %arg15[%swap3A_165], %add3A_164 {strides = array<i32>} : memref<1024xf32, #tpu.memory_space<vmem>>, vector<16xf32>,
    %swap3A_167 = arith.constant 224 : index
    %swap3A_168 = tpu.vector_load %arg16[%swap3A_167] {strides = array<i32>} : memref<1024xf32, #tpu.memory_space<vmem>>, vector<16xf32>,
    tpu.vector_store %arg16[%swap3A_167], %broadcast_in_dim3A_35 {strides = array<i32>} : memref<1024xf32, #tpu.memory_space<vmem>>, vector<16xf32>,
    %slice3A_169 = vector.extract_strided_slice %bitcast_convert_type3A_51 {offsets = [15], sizes = [1], strides = [1]} : vector<16xf32> to vector<1xf32>
    %squeeze3A_170 = vector.extract %slice3A_169[0] : f32 from vector<1xf32>
    %add3A_171 = vector.broadcast %squeeze3A_170 : f32 to vector<16xf32>
    %add3A_172 = arith.addf %broadcast_in_dim3A_35, %add3A_171 : vector<16xf32>
    %swap3A_173 = arith.constant 240 : index
    %swap3A_174 = tpu.vector_load %arg15[%swap3A_173] {strides = array<i32>} : memref<1024xf32, #tpu.memory_space<vmem>>, vector<16xf32>,
    tpu.vector_store %arg15[%swap3A_173], %add3A_172 {strides = array<i32>} : memref<1024xf32, #tpu.memory_space<vmem>>, vector<16xf32>,
    %swap3A_175 = arith.constant 240 : index
    %swap3A_176 = tpu.vector_load %arg16[%swap3A_175] {strides = array<i32>} : memref<1024xf32, #tpu.memory_space<vmem>>, vector<16xf32>,
    tpu.vector_store %arg16[%swap3A_175], %broadcast_in_dim3A_35 {strides = array<i32>} : memref<1024xf32, #tpu.memory_space<vmem>>, vector<16xf32>,
    %get3A_177 = arith.constant 16 : index
    %get3A_178 = tpu.vector_load %arg13[%get3A_177] {strides = array<i32>} : memref<64xf32, #tpu.memory_space<vmem>>, vector<16xf32>,
    %bitcast_convert_type3A_179 = tpu.bitcast %get3A_178 : vector<16xf32> -> vector<16xi32>
    %shift_right_logical3A_180 = arith.constant 16 : i32
    %shift_right_logical3A_181 = vector.broadcast %shift_right_logical3A_180 : i32 to vector<16xi32>
    %shift_right_logical3A_182 = arith.shrui %bitcast_convert_type3A_179, %shift_right_logical3A_181 : vector<16xi32>
    %and3A_183 = arith.constant 1 : i32
    %and3A_184 = vector.broadcast %and3A_183 : i32 to vector<16xi32>
    %and3A_185 = arith.andi %shift_right_logical3A_182, %and3A_184 : vector<16xi32>
    %add3A_186 = arith.constant 32767 : i32
    %add3A_187 = vector.broadcast %add3A_186 : i32 to vector<16xi32>
    %add3A_188 = arith.addi %bitcast_convert_type3A_179, %add3A_187 : vector<16xi32>
    %add3A_189 = arith.addi %add3A_188, %and3A_185 : vector<16xi32>
    %and3A_190 = arith.constant -65536 : i32
    %and3A_191 = vector.broadcast %and3A_190 : i32 to vector<16xi32>
    %and3A_192 = arith.andi %add3A_189, %and3A_191 : vector<16xi32>
    %bitcast_convert_type3A_193 = tpu.bitcast %and3A_192 : vector<16xi32> -> vector<16xf32>
    %slice3A_194 = vector.extract_strided_slice %bitcast_convert_type3A_193 {offsets = [0], sizes = [1], strides = [1]} : vector<16xf32> to vector<1xf32>
    %squeeze3A_195 = vector.extract %slice3A_194[0] : f32 from vector<1xf32>
    %add3A_196 = vector.broadcast %squeeze3A_195 : f32 to vector<16xf32>
    %add3A_197 = arith.addf %broadcast_in_dim3A_35, %add3A_196 : vector<16xf32>
    %swap3A_198 = arith.constant 256 : index
    %swap3A_199 = tpu.vector_load %arg15[%swap3A_198] {strides = array<i32>} : memref<1024xf32, #tpu.memory_space<vmem>>, vector<16xf32>,
    tpu.vector_store %arg15[%swap3A_198], %add3A_197 {strides = array<i32>} : memref<1024xf32, #tpu.memory_space<vmem>>, vector<16xf32>,
    %swap3A_200 = arith.constant 256 : index
    %swap3A_201 = tpu.vector_load %arg16[%swap3A_200] {strides = array<i32>} : memref<1024xf32, #tpu.memory_space<vmem>>, vector<16xf32>,
    tpu.vector_store %arg16[%swap3A_200], %broadcast_in_dim3A_35 {strides = array<i32>} : memref<1024xf32, #tpu.memory_space<vmem>>, vector<16xf32>,
    %slice3A_202 = vector.extract_strided_slice %bitcast_convert_type3A_193 {offsets = [1], sizes = [1], strides = [1]} : vector<16xf32> to vector<1xf32>
    %squeeze3A_203 = vector.extract %slice3A_202[0] : f32 from vector<1xf32>
    %add3A_204 = vector.broadcast %squeeze3A_203 : f32 to vector<16xf32>
    %add3A_205 = arith.addf %broadcast_in_dim3A_35, %add3A_204 : vector<16xf32>
    %swap3A_206 = arith.constant 272 : index
    %swap3A_207 = tpu.vector_load %arg15[%swap3A_206] {strides = array<i32>} : memref<1024xf32, #tpu.memory_space<vmem>>, vector<16xf32>,
    tpu.vector_store %arg15[%swap3A_206], %add3A_205 {strides = array<i32>} : memref<1024xf32, #tpu.memory_space<vmem>>, vector<16xf32>,
    %swap3A_208 = arith.constant 272 : index
    %swap3A_209 = tpu.vector_load %arg16[%swap3A_208] {strides = array<i32>} : memref<1024xf32, #tpu.memory_space<vmem>>, vector<16xf32>,
    tpu.vector_store %arg16[%swap3A_208], %broadcast_in_dim3A_35 {strides = array<i32>} : memref<1024xf32, #tpu.memory_space<vmem>>, vector<16xf32>,
    %slice3A_210 = vector.extract_strided_slice %bitcast_convert_type3A_193 {offsets = [2], sizes = [1], strides = [1]} : vector<16xf32> to vector<1xf32>
    %squeeze3A_211 = vector.extract %slice3A_210[0] : f32 from vector<1xf32>
    %add3A_212 = vector.broadcast %squeeze3A_211 : f32 to vector<16xf32>
    %add3A_213 = arith.addf %broadcast_in_dim3A_35, %add3A_212 : vector<16xf32>
    %swap3A_214 = arith.constant 288 : index
    %swap3A_215 = tpu.vector_load %arg15[%swap3A_214] {strides = array<i32>} : memref<1024xf32, #tpu.memory_space<vmem>>, vector<16xf32>,
    tpu.vector_store %arg15[%swap3A_214], %add3A_213 {strides = array<i32>} : memref<1024xf32, #tpu.memory_space<vmem>>, vector<16xf32>,
    %swap3A_216 = arith.constant 288 : index
    %swap3A_217 = tpu.vector_load %arg16[%swap3A_216] {strides = array<i32>} : memref<1024xf32, #tpu.memory_space<vmem>>, vector<16xf32>,
    tpu.vector_store %arg16[%swap3A_216], %broadcast_in_dim3A_35 {strides = array<i32>} : memref<1024xf32, #tpu.memory_space<vmem>>, vector<16xf32>,
    %slice3A_218 = vector.extract_strided_slice %bitcast_convert_type3A_193 {offsets = [3], sizes = [1], strides = [1]} : vector<16xf32> to vector<1xf32>
    %squeeze3A_219 = vector.extract %slice3A_218[0] : f32 from vector<1xf32>
    %add3A_220 = vector.broadcast %squeeze3A_219 : f32 to vector<16xf32>
    %add3A_221 = arith.addf %broadcast_in_dim3A_35, %add3A_220 : vector<16xf32>
    %swap3A_222 = arith.constant 304 : index
    %swap3A_223 = tpu.vector_load %arg15[%swap3A_222] {strides = array<i32>} : memref<1024xf32, #tpu.memory_space<vmem>>, vector<16xf32>,
    tpu.vector_store %arg15[%swap3A_222], %add3A_221 {strides = array<i32>} : memref<1024xf32, #tpu.memory_space<vmem>>, vector<16xf32>,
    %swap3A_224 = arith.constant 304 : index
    %swap3A_225 = tpu.vector_load %arg16[%swap3A_224] {strides = array<i32>} : memref<1024xf32, #tpu.memory_space<vmem>>, vector<16xf32>,
    tpu.vector_store %arg16[%swap3A_224], %broadcast_in_dim3A_35 {strides = array<i32>} : memref<1024xf32, #tpu.memory_space<vmem>>, vector<16xf32>,
    %slice3A_226 = vector.extract_strided_slice %bitcast_convert_type3A_193 {offsets = [4], sizes = [1], strides = [1]} : vector<16xf32> to vector<1xf32>
    %squeeze3A_227 = vector.extract %slice3A_226[0] : f32 from vector<1xf32>
    %add3A_228 = vector.broadcast %squeeze3A_227 : f32 to vector<16xf32>
    %add3A_229 = arith.addf %broadcast_in_dim3A_35, %add3A_228 : vector<16xf32>
    %swap3A_230 = arith.constant 320 : index
    %swap3A_231 = tpu.vector_load %arg15[%swap3A_230] {strides = array<i32>} : memref<1024xf32, #tpu.memory_space<vmem>>, vector<16xf32>,
    tpu.vector_store %arg15[%swap3A_230], %add3A_229 {strides = array<i32>} : memref<1024xf32, #tpu.memory_space<vmem>>, vector<16xf32>,
    %swap3A_232 = arith.constant 320 : index
    %swap3A_233 = tpu.vector_load %arg16[%swap3A_232] {strides = array<i32>} : memref<1024xf32, #tpu.memory_space<vmem>>, vector<16xf32>,
    tpu.vector_store %arg16[%swap3A_232], %broadcast_in_dim3A_35 {strides = array<i32>} : memref<1024xf32, #tpu.memory_space<vmem>>, vector<16xf32>,
    %slice3A_234 = vector.extract_strided_slice %bitcast_convert_type3A_193 {offsets = [5], sizes = [1], strides = [1]} : vector<16xf32> to vector<1xf32>
    %squeeze3A_235 = vector.extract %slice3A_234[0] : f32 from vector<1xf32>
    %add3A_236 = vector.broadcast %squeeze3A_235 : f32 to vector<16xf32>
    %add3A_237 = arith.addf %broadcast_in_dim3A_35, %add3A_236 : vector<16xf32>
    %swap3A_238 = arith.constant 336 : index
    %swap3A_239 = tpu.vector_load %arg15[%swap3A_238] {strides = array<i32>} : memref<1024xf32, #tpu.memory_space<vmem>>, vector<16xf32>,
    tpu.vector_store %arg15[%swap3A_238], %add3A_237 {strides = array<i32>} : memref<1024xf32, #tpu.memory_space<vmem>>, vector<16xf32>,
    %swap3A_240 = arith.constant 336 : index
    %swap3A_241 = tpu.vector_load %arg16[%swap3A_240] {strides = array<i32>} : memref<1024xf32, #tpu.memory_space<vmem>>, vector<16xf32>,
    tpu.vector_store %arg16[%swap3A_240], %broadcast_in_dim3A_35 {strides = array<i32>} : memref<1024xf32, #tpu.memory_space<vmem>>, vector<16xf32>,
    %slice3A_242 = vector.extract_strided_slice %bitcast_convert_type3A_193 {offsets = [6], sizes = [1], strides = [1]} : vector<16xf32> to vector<1xf32>
    %squeeze3A_243 = vector.extract %slice3A_242[0] : f32 from vector<1xf32>
    %add3A_244 = vector.broadcast %squeeze3A_243 : f32 to vector<16xf32>
    %add3A_245 = arith.addf %broadcast_in_dim3A_35, %add3A_244 : vector<16xf32>
    %swap3A_246 = arith.constant 352 : index
    %swap3A_247 = tpu.vector_load %arg15[%swap3A_246] {strides = array<i32>} : memref<1024xf32, #tpu.memory_space<vmem>>, vector<16xf32>,
    tpu.vector_store %arg15[%swap3A_246], %add3A_245 {strides = array<i32>} : memref<1024xf32, #tpu.memory_space<vmem>>, vector<16xf32>,
    %swap3A_248 = arith.constant 352 : index
    %swap3A_249 = tpu.vector_load %arg16[%swap3A_248] {strides = array<i32>} : memref<1024xf32, #tpu.memory_space<vmem>>, vector<16xf32>,
    tpu.vector_store %arg16[%swap3A_248], %broadcast_in_dim3A_35 {strides = array<i32>} : memref<1024xf32, #tpu.memory_space<vmem>>, vector<16xf32>,
    %slice3A_250 = vector.extract_strided_slice %bitcast_convert_type3A_193 {offsets = [7], sizes = [1], strides = [1]} : vector<16xf32> to vector<1xf32>
    %squeeze3A_251 = vector.extract %slice3A_250[0] : f32 from vector<1xf32>
    %add3A_252 = vector.broadcast %squeeze3A_251 : f32 to vector<16xf32>
    %add3A_253 = arith.addf %broadcast_in_dim3A_35, %add3A_252 : vector<16xf32>
    %swap3A_254 = arith.constant 368 : index
    %swap3A_255 = tpu.vector_load %arg15[%swap3A_254] {strides = array<i32>} : memref<1024xf32, #tpu.memory_space<vmem>>, vector<16xf32>,
    tpu.vector_store %arg15[%swap3A_254], %add3A_253 {strides = array<i32>} : memref<1024xf32, #tpu.memory_space<vmem>>, vector<16xf32>,
    %swap3A_256 = arith.constant 368 : index
    %swap3A_257 = tpu.vector_load %arg16[%swap3A_256] {strides = array<i32>} : memref<1024xf32, #tpu.memory_space<vmem>>, vector<16xf32>,
    tpu.vector_store %arg16[%swap3A_256], %broadcast_in_dim3A_35 {strides = array<i32>} : memref<1024xf32, #tpu.memory_space<vmem>>, vector<16xf32>,
    %slice3A_258 = vector.extract_strided_slice %bitcast_convert_type3A_193 {offsets = [8], sizes = [1], strides = [1]} : vector<16xf32> to vector<1xf32>
    %squeeze3A_259 = vector.extract %slice3A_258[0] : f32 from vector<1xf32>
    %add3A_260 = vector.broadcast %squeeze3A_259 : f32 to vector<16xf32>
    %add3A_261 = arith.addf %broadcast_in_dim3A_35, %add3A_260 : vector<16xf32>
    %swap3A_262 = arith.constant 384 : index
    %swap3A_263 = tpu.vector_load %arg15[%swap3A_262] {strides = array<i32>} : memref<1024xf32, #tpu.memory_space<vmem>>, vector<16xf32>,
    tpu.vector_store %arg15[%swap3A_262], %add3A_261 {strides = array<i32>} : memref<1024xf32, #tpu.memory_space<vmem>>, vector<16xf32>,
    %swap3A_264 = arith.constant 384 : index
    %swap3A_265 = tpu.vector_load %arg16[%swap3A_264] {strides = array<i32>} : memref<1024xf32, #tpu.memory_space<vmem>>, vector<16xf32>,
    tpu.vector_store %arg16[%swap3A_264], %broadcast_in_dim3A_35 {strides = array<i32>} : memref<1024xf32, #tpu.memory_space<vmem>>, vector<16xf32>,
    %slice3A_266 = vector.extract_strided_slice %bitcast_convert_type3A_193 {offsets = [9], sizes = [1], strides = [1]} : vector<16xf32> to vector<1xf32>
    %squeeze3A_267 = vector.extract %slice3A_266[0] : f32 from vector<1xf32>
    %add3A_268 = vector.broadcast %squeeze3A_267 : f32 to vector<16xf32>
    %add3A_269 = arith.addf %broadcast_in_dim3A_35, %add3A_268 : vector<16xf32>
    %swap3A_270 = arith.constant 400 : index
    %swap3A_271 = tpu.vector_load %arg15[%swap3A_270] {strides = array<i32>} : memref<1024xf32, #tpu.memory_space<vmem>>, vector<16xf32>,
    tpu.vector_store %arg15[%swap3A_270], %add3A_269 {strides = array<i32>} : memref<1024xf32, #tpu.memory_space<vmem>>, vector<16xf32>,
    %swap3A_272 = arith.constant 400 : index
    %swap3A_273 = tpu.vector_load %arg16[%swap3A_272] {strides = array<i32>} : memref<1024xf32, #tpu.memory_space<vmem>>, vector<16xf32>,
    tpu.vector_store %arg16[%swap3A_272], %broadcast_in_dim3A_35 {strides = array<i32>} : memref<1024xf32, #tpu.memory_space<vmem>>, vector<16xf32>,
    %slice3A_274 = vector.extract_strided_slice %bitcast_convert_type3A_193 {offsets = [10], sizes = [1], strides = [1]} : vector<16xf32> to vector<1xf32>
    %squeeze3A_275 = vector.extract %slice3A_274[0] : f32 from vector<1xf32>
    %add3A_276 = vector.broadcast %squeeze3A_275 : f32 to vector<16xf32>
    %add3A_277 = arith.addf %broadcast_in_dim3A_35, %add3A_276 : vector<16xf32>
    %swap3A_278 = arith.constant 416 : index
    %swap3A_279 = tpu.vector_load %arg15[%swap3A_278] {strides = array<i32>} : memref<1024xf32, #tpu.memory_space<vmem>>, vector<16xf32>,
    tpu.vector_store %arg15[%swap3A_278], %add3A_277 {strides = array<i32>} : memref<1024xf32, #tpu.memory_space<vmem>>, vector<16xf32>,
    %swap3A_280 = arith.constant 416 : index
    %swap3A_281 = tpu.vector_load %arg16[%swap3A_280] {strides = array<i32>} : memref<1024xf32, #tpu.memory_space<vmem>>, vector<16xf32>,
    tpu.vector_store %arg16[%swap3A_280], %broadcast_in_dim3A_35 {strides = array<i32>} : memref<1024xf32, #tpu.memory_space<vmem>>, vector<16xf32>,
    %slice3A_282 = vector.extract_strided_slice %bitcast_convert_type3A_193 {offsets = [11], sizes = [1], strides = [1]} : vector<16xf32> to vector<1xf32>
    %squeeze3A_283 = vector.extract %slice3A_282[0] : f32 from vector<1xf32>
    %add3A_284 = vector.broadcast %squeeze3A_283 : f32 to vector<16xf32>
    %add3A_285 = arith.addf %broadcast_in_dim3A_35, %add3A_284 : vector<16xf32>
    %swap3A_286 = arith.constant 432 : index
    %swap3A_287 = tpu.vector_load %arg15[%swap3A_286] {strides = array<i32>} : memref<1024xf32, #tpu.memory_space<vmem>>, vector<16xf32>,
    tpu.vector_store %arg15[%swap3A_286], %add3A_285 {strides = array<i32>} : memref<1024xf32, #tpu.memory_space<vmem>>, vector<16xf32>,
    %swap3A_288 = arith.constant 432 : index
    %swap3A_289 = tpu.vector_load %arg16[%swap3A_288] {strides = array<i32>} : memref<1024xf32, #tpu.memory_space<vmem>>, vector<16xf32>,
    tpu.vector_store %arg16[%swap3A_288], %broadcast_in_dim3A_35 {strides = array<i32>} : memref<1024xf32, #tpu.memory_space<vmem>>, vector<16xf32>,
    %slice3A_290 = vector.extract_strided_slice %bitcast_convert_type3A_193 {offsets = [12], sizes = [1], strides = [1]} : vector<16xf32> to vector<1xf32>
    %squeeze3A_291 = vector.extract %slice3A_290[0] : f32 from vector<1xf32>
    %add3A_292 = vector.broadcast %squeeze3A_291 : f32 to vector<16xf32>
    %add3A_293 = arith.addf %broadcast_in_dim3A_35, %add3A_292 : vector<16xf32>
    %swap3A_294 = arith.constant 448 : index
    %swap3A_295 = tpu.vector_load %arg15[%swap3A_294] {strides = array<i32>} : memref<1024xf32, #tpu.memory_space<vmem>>, vector<16xf32>,
    tpu.vector_store %arg15[%swap3A_294], %add3A_293 {strides = array<i32>} : memref<1024xf32, #tpu.memory_space<vmem>>, vector<16xf32>,
    %swap3A_296 = arith.constant 448 : index
    %swap3A_297 = tpu.vector_load %arg16[%swap3A_296] {strides = array<i32>} : memref<1024xf32, #tpu.memory_space<vmem>>, vector<16xf32>,
    tpu.vector_store %arg16[%swap3A_296], %broadcast_in_dim3A_35 {strides = array<i32>} : memref<1024xf32, #tpu.memory_space<vmem>>, vector<16xf32>,
    %slice3A_298 = vector.extract_strided_slice %bitcast_convert_type3A_193 {offsets = [13], sizes = [1], strides = [1]} : vector<16xf32> to vector<1xf32>
    %squeeze3A_299 = vector.extract %slice3A_298[0] : f32 from vector<1xf32>
    %add3A_300 = vector.broadcast %squeeze3A_299 : f32 to vector<16xf32>
    %add3A_301 = arith.addf %broadcast_in_dim3A_35, %add3A_300 : vector<16xf32>
    %swap3A_302 = arith.constant 464 : index
    %swap3A_303 = tpu.vector_load %arg15[%swap3A_302] {strides = array<i32>} : memref<1024xf32, #tpu.memory_space<vmem>>, vector<16xf32>,
    tpu.vector_store %arg15[%swap3A_302], %add3A_301 {strides = array<i32>} : memref<1024xf32, #tpu.memory_space<vmem>>, vector<16xf32>,
    %swap3A_304 = arith.constant 464 : index
    %swap3A_305 = tpu.vector_load %arg16[%swap3A_304] {strides = array<i32>} : memref<1024xf32, #tpu.memory_space<vmem>>, vector<16xf32>,
    tpu.vector_store %arg16[%swap3A_304], %broadcast_in_dim3A_35 {strides = array<i32>} : memref<1024xf32, #tpu.memory_space<vmem>>, vector<16xf32>,
    %slice3A_306 = vector.extract_strided_slice %bitcast_convert_type3A_193 {offsets = [14], sizes = [1], strides = [1]} : vector<16xf32> to vector<1xf32>
    %squeeze3A_307 = vector.extract %slice3A_306[0] : f32 from vector<1xf32>
    %add3A_308 = vector.broadcast %squeeze3A_307 : f32 to vector<16xf32>
    %add3A_309 = arith.addf %broadcast_in_dim3A_35, %add3A_308 : vector<16xf32>
    %swap3A_310 = arith.constant 480 : index
    %swap3A_311 = tpu.vector_load %arg15[%swap3A_310] {strides = array<i32>} : memref<1024xf32, #tpu.memory_space<vmem>>, vector<16xf32>,
    tpu.vector_store %arg15[%swap3A_310], %add3A_309 {strides = array<i32>} : memref<1024xf32, #tpu.memory_space<vmem>>, vector<16xf32>,
    %swap3A_312 = arith.constant 480 : index
    %swap3A_313 = tpu.vector_load %arg16[%swap3A_312] {strides = array<i32>} : memref<1024xf32, #tpu.memory_space<vmem>>, vector<16xf32>,
    tpu.vector_store %arg16[%swap3A_312], %broadcast_in_dim3A_35 {strides = array<i32>} : memref<1024xf32, #tpu.memory_space<vmem>>, vector<16xf32>,
    %slice3A_314 = vector.extract_strided_slice %bitcast_convert_type3A_193 {offsets = [15], sizes = [1], strides = [1]} : vector<16xf32> to vector<1xf32>
    %squeeze3A_315 = vector.extract %slice3A_314[0] : f32 from vector<1xf32>
    %add3A_316 = vector.broadcast %squeeze3A_315 : f32 to vector<16xf32>
    %add3A_317 = arith.addf %broadcast_in_dim3A_35, %add3A_316 : vector<16xf32>
    %swap3A_318 = arith.constant 496 : index
    %swap3A_319 = tpu.vector_load %arg15[%swap3A_318] {strides = array<i32>} : memref<1024xf32, #tpu.memory_space<vmem>>, vector<16xf32>,
    tpu.vector_store %arg15[%swap3A_318], %add3A_317 {strides = array<i32>} : memref<1024xf32, #tpu.memory_space<vmem>>, vector<16xf32>,
    %swap3A_320 = arith.constant 496 : index
    %swap3A_321 = tpu.vector_load %arg16[%swap3A_320] {strides = array<i32>} : memref<1024xf32, #tpu.memory_space<vmem>>, vector<16xf32>,
    tpu.vector_store %arg16[%swap3A_320], %broadcast_in_dim3A_35 {strides = array<i32>} : memref<1024xf32, #tpu.memory_space<vmem>>, vector<16xf32>,
    %get3A_322 = arith.constant 32 : index
    %get3A_323 = tpu.vector_load %arg13[%get3A_322] {strides = array<i32>} : memref<64xf32, #tpu.memory_space<vmem>>, vector<16xf32>,
    %bitcast_convert_type3A_324 = tpu.bitcast %get3A_323 : vector<16xf32> -> vector<16xi32>
    %shift_right_logical3A_325 = arith.constant 16 : i32
    %shift_right_logical3A_326 = vector.broadcast %shift_right_logical3A_325 : i32 to vector<16xi32>
    %shift_right_logical3A_327 = arith.shrui %bitcast_convert_type3A_324, %shift_right_logical3A_326 : vector<16xi32>
    %and3A_328 = arith.constant 1 : i32
    %and3A_329 = vector.broadcast %and3A_328 : i32 to vector<16xi32>
    %and3A_330 = arith.andi %shift_right_logical3A_327, %and3A_329 : vector<16xi32>
    %add3A_331 = arith.constant 32767 : i32
    %add3A_332 = vector.broadcast %add3A_331 : i32 to vector<16xi32>
    %add3A_333 = arith.addi %bitcast_convert_type3A_324, %add3A_332 : vector<16xi32>
    %add3A_334 = arith.addi %add3A_333, %and3A_330 : vector<16xi32>
    %and3A_335 = arith.constant -65536 : i32
    %and3A_336 = vector.broadcast %and3A_335 : i32 to vector<16xi32>
    %and3A_337 = arith.andi %add3A_334, %and3A_336 : vector<16xi32>
    %bitcast_convert_type3A_338 = tpu.bitcast %and3A_337 : vector<16xi32> -> vector<16xf32>
    %slice3A_339 = vector.extract_strided_slice %bitcast_convert_type3A_338 {offsets = [0], sizes = [1], strides = [1]} : vector<16xf32> to vector<1xf32>
    %squeeze3A_340 = vector.extract %slice3A_339[0] : f32 from vector<1xf32>
    %add3A_341 = vector.broadcast %squeeze3A_340 : f32 to vector<16xf32>
    %add3A_342 = arith.addf %broadcast_in_dim3A_35, %add3A_341 : vector<16xf32>
    %swap3A_343 = arith.constant 512 : index
    %swap3A_344 = tpu.vector_load %arg15[%swap3A_343] {strides = array<i32>} : memref<1024xf32, #tpu.memory_space<vmem>>, vector<16xf32>,
    tpu.vector_store %arg15[%swap3A_343], %add3A_342 {strides = array<i32>} : memref<1024xf32, #tpu.memory_space<vmem>>, vector<16xf32>,
    %swap3A_345 = arith.constant 512 : index
    %swap3A_346 = tpu.vector_load %arg16[%swap3A_345] {strides = array<i32>} : memref<1024xf32, #tpu.memory_space<vmem>>, vector<16xf32>,
    tpu.vector_store %arg16[%swap3A_345], %broadcast_in_dim3A_35 {strides = array<i32>} : memref<1024xf32, #tpu.memory_space<vmem>>, vector<16xf32>,
    %slice3A_347 = vector.extract_strided_slice %bitcast_convert_type3A_338 {offsets = [1], sizes = [1], strides = [1]} : vector<16xf32> to vector<1xf32>
    %squeeze3A_348 = vector.extract %slice3A_347[0] : f32 from vector<1xf32>
    %add3A_349 = vector.broadcast %squeeze3A_348 : f32 to vector<16xf32>
    %add3A_350 = arith.addf %broadcast_in_dim3A_35, %add3A_349 : vector<16xf32>
    %swap3A_351 = arith.constant 528 : index
    %swap3A_352 = tpu.vector_load %arg15[%swap3A_351] {strides = array<i32>} : memref<1024xf32, #tpu.memory_space<vmem>>, vector<16xf32>,
    tpu.vector_store %arg15[%swap3A_351], %add3A_350 {strides = array<i32>} : memref<1024xf32, #tpu.memory_space<vmem>>, vector<16xf32>,
    %swap3A_353 = arith.constant 528 : index
    %swap3A_354 = tpu.vector_load %arg16[%swap3A_353] {strides = array<i32>} : memref<1024xf32, #tpu.memory_space<vmem>>, vector<16xf32>,
    tpu.vector_store %arg16[%swap3A_353], %broadcast_in_dim3A_35 {strides = array<i32>} : memref<1024xf32, #tpu.memory_space<vmem>>, vector<16xf32>,
    %slice3A_355 = vector.extract_strided_slice %bitcast_convert_type3A_338 {offsets = [2], sizes = [1], strides = [1]} : vector<16xf32> to vector<1xf32>
    %squeeze3A_356 = vector.extract %slice3A_355[0] : f32 from vector<1xf32>
    %add3A_357 = vector.broadcast %squeeze3A_356 : f32 to vector<16xf32>
    %add3A_358 = arith.addf %broadcast_in_dim3A_35, %add3A_357 : vector<16xf32>
    %swap3A_359 = arith.constant 544 : index
    %swap3A_360 = tpu.vector_load %arg15[%swap3A_359] {strides = array<i32>} : memref<1024xf32, #tpu.memory_space<vmem>>, vector<16xf32>,
    tpu.vector_store %arg15[%swap3A_359], %add3A_358 {strides = array<i32>} : memref<1024xf32, #tpu.memory_space<vmem>>, vector<16xf32>,
    %swap3A_361 = arith.constant 544 : index
    %swap3A_362 = tpu.vector_load %arg16[%swap3A_361] {strides = array<i32>} : memref<1024xf32, #tpu.memory_space<vmem>>, vector<16xf32>,
    tpu.vector_store %arg16[%swap3A_361], %broadcast_in_dim3A_35 {strides = array<i32>} : memref<1024xf32, #tpu.memory_space<vmem>>, vector<16xf32>,
    %slice3A_363 = vector.extract_strided_slice %bitcast_convert_type3A_338 {offsets = [3], sizes = [1], strides = [1]} : vector<16xf32> to vector<1xf32>
    %squeeze3A_364 = vector.extract %slice3A_363[0] : f32 from vector<1xf32>
    %add3A_365 = vector.broadcast %squeeze3A_364 : f32 to vector<16xf32>
    %add3A_366 = arith.addf %broadcast_in_dim3A_35, %add3A_365 : vector<16xf32>
    %swap3A_367 = arith.constant 560 : index
    %swap3A_368 = tpu.vector_load %arg15[%swap3A_367] {strides = array<i32>} : memref<1024xf32, #tpu.memory_space<vmem>>, vector<16xf32>,
    tpu.vector_store %arg15[%swap3A_367], %add3A_366 {strides = array<i32>} : memref<1024xf32, #tpu.memory_space<vmem>>, vector<16xf32>,
    %swap3A_369 = arith.constant 560 : index
    %swap3A_370 = tpu.vector_load %arg16[%swap3A_369] {strides = array<i32>} : memref<1024xf32, #tpu.memory_space<vmem>>, vector<16xf32>,
    tpu.vector_store %arg16[%swap3A_369], %broadcast_in_dim3A_35 {strides = array<i32>} : memref<1024xf32, #tpu.memory_space<vmem>>, vector<16xf32>,
    %slice3A_371 = vector.extract_strided_slice %bitcast_convert_type3A_338 {offsets = [4], sizes = [1], strides = [1]} : vector<16xf32> to vector<1xf32>
    %squeeze3A_372 = vector.extract %slice3A_371[0] : f32 from vector<1xf32>
    %add3A_373 = vector.broadcast %squeeze3A_372 : f32 to vector<16xf32>
    %add3A_374 = arith.addf %broadcast_in_dim3A_35, %add3A_373 : vector<16xf32>
    %swap3A_375 = arith.constant 576 : index
    %swap3A_376 = tpu.vector_load %arg15[%swap3A_375] {strides = array<i32>} : memref<1024xf32, #tpu.memory_space<vmem>>, vector<16xf32>,
    tpu.vector_store %arg15[%swap3A_375], %add3A_374 {strides = array<i32>} : memref<1024xf32, #tpu.memory_space<vmem>>, vector<16xf32>,
    %swap3A_377 = arith.constant 576 : index
    %swap3A_378 = tpu.vector_load %arg16[%swap3A_377] {strides = array<i32>} : memref<1024xf32, #tpu.memory_space<vmem>>, vector<16xf32>,
    tpu.vector_store %arg16[%swap3A_377], %broadcast_in_dim3A_35 {strides = array<i32>} : memref<1024xf32, #tpu.memory_space<vmem>>, vector<16xf32>,
    %slice3A_379 = vector.extract_strided_slice %bitcast_convert_type3A_338 {offsets = [5], sizes = [1], strides = [1]} : vector<16xf32> to vector<1xf32>
    %squeeze3A_380 = vector.extract %slice3A_379[0] : f32 from vector<1xf32>
    %add3A_381 = vector.broadcast %squeeze3A_380 : f32 to vector<16xf32>
    %add3A_382 = arith.addf %broadcast_in_dim3A_35, %add3A_381 : vector<16xf32>
    %swap3A_383 = arith.constant 592 : index
    %swap3A_384 = tpu.vector_load %arg15[%swap3A_383] {strides = array<i32>} : memref<1024xf32, #tpu.memory_space<vmem>>, vector<16xf32>,
    tpu.vector_store %arg15[%swap3A_383], %add3A_382 {strides = array<i32>} : memref<1024xf32, #tpu.memory_space<vmem>>, vector<16xf32>,
    %swap3A_385 = arith.constant 592 : index
    %swap3A_386 = tpu.vector_load %arg16[%swap3A_385] {strides = array<i32>} : memref<1024xf32, #tpu.memory_space<vmem>>, vector<16xf32>,
    tpu.vector_store %arg16[%swap3A_385], %broadcast_in_dim3A_35 {strides = array<i32>} : memref<1024xf32, #tpu.memory_space<vmem>>, vector<16xf32>,
    %slice3A_387 = vector.extract_strided_slice %bitcast_convert_type3A_338 {offsets = [6], sizes = [1], strides = [1]} : vector<16xf32> to vector<1xf32>
    %squeeze3A_388 = vector.extract %slice3A_387[0] : f32 from vector<1xf32>
    %add3A_389 = vector.broadcast %squeeze3A_388 : f32 to vector<16xf32>
    %add3A_390 = arith.addf %broadcast_in_dim3A_35, %add3A_389 : vector<16xf32>
    %swap3A_391 = arith.constant 608 : index
    %swap3A_392 = tpu.vector_load %arg15[%swap3A_391] {strides = array<i32>} : memref<1024xf32, #tpu.memory_space<vmem>>, vector<16xf32>,
    tpu.vector_store %arg15[%swap3A_391], %add3A_390 {strides = array<i32>} : memref<1024xf32, #tpu.memory_space<vmem>>, vector<16xf32>,
    %swap3A_393 = arith.constant 608 : index
    %swap3A_394 = tpu.vector_load %arg16[%swap3A_393] {strides = array<i32>} : memref<1024xf32, #tpu.memory_space<vmem>>, vector<16xf32>,
    tpu.vector_store %arg16[%swap3A_393], %broadcast_in_dim3A_35 {strides = array<i32>} : memref<1024xf32, #tpu.memory_space<vmem>>, vector<16xf32>,
    %slice3A_395 = vector.extract_strided_slice %bitcast_convert_type3A_338 {offsets = [7], sizes = [1], strides = [1]} : vector<16xf32> to vector<1xf32>
    %squeeze3A_396 = vector.extract %slice3A_395[0] : f32 from vector<1xf32>
    %add3A_397 = vector.broadcast %squeeze3A_396 : f32 to vector<16xf32>
    %add3A_398 = arith.addf %broadcast_in_dim3A_35, %add3A_397 : vector<16xf32>
    %swap3A_399 = arith.constant 624 : index
    %swap3A_400 = tpu.vector_load %arg15[%swap3A_399] {strides = array<i32>} : memref<1024xf32, #tpu.memory_space<vmem>>, vector<16xf32>,
    tpu.vector_store %arg15[%swap3A_399], %add3A_398 {strides = array<i32>} : memref<1024xf32, #tpu.memory_space<vmem>>, vector<16xf32>,
    %swap3A_401 = arith.constant 624 : index
    %swap3A_402 = tpu.vector_load %arg16[%swap3A_401] {strides = array<i32>} : memref<1024xf32, #tpu.memory_space<vmem>>, vector<16xf32>,
    tpu.vector_store %arg16[%swap3A_401], %broadcast_in_dim3A_35 {strides = array<i32>} : memref<1024xf32, #tpu.memory_space<vmem>>, vector<16xf32>,
    %slice3A_403 = vector.extract_strided_slice %bitcast_convert_type3A_338 {offsets = [8], sizes = [1], strides = [1]} : vector<16xf32> to vector<1xf32>
    %squeeze3A_404 = vector.extract %slice3A_403[0] : f32 from vector<1xf32>
    %add3A_405 = vector.broadcast %squeeze3A_404 : f32 to vector<16xf32>
    %add3A_406 = arith.addf %broadcast_in_dim3A_35, %add3A_405 : vector<16xf32>
    %swap3A_407 = arith.constant 640 : index
    %swap3A_408 = tpu.vector_load %arg15[%swap3A_407] {strides = array<i32>} : memref<1024xf32, #tpu.memory_space<vmem>>, vector<16xf32>,
    tpu.vector_store %arg15[%swap3A_407], %add3A_406 {strides = array<i32>} : memref<1024xf32, #tpu.memory_space<vmem>>, vector<16xf32>,
    %swap3A_409 = arith.constant 640 : index
    %swap3A_410 = tpu.vector_load %arg16[%swap3A_409] {strides = array<i32>} : memref<1024xf32, #tpu.memory_space<vmem>>, vector<16xf32>,
    tpu.vector_store %arg16[%swap3A_409], %broadcast_in_dim3A_35 {strides = array<i32>} : memref<1024xf32, #tpu.memory_space<vmem>>, vector<16xf32>,
    %slice3A_411 = vector.extract_strided_slice %bitcast_convert_type3A_338 {offsets = [9], sizes = [1], strides = [1]} : vector<16xf32> to vector<1xf32>
    %squeeze3A_412 = vector.extract %slice3A_411[0] : f32 from vector<1xf32>
    %add3A_413 = vector.broadcast %squeeze3A_412 : f32 to vector<16xf32>
    %add3A_414 = arith.addf %broadcast_in_dim3A_35, %add3A_413 : vector<16xf32>
    %swap3A_415 = arith.constant 656 : index
    %swap3A_416 = tpu.vector_load %arg15[%swap3A_415] {strides = array<i32>} : memref<1024xf32, #tpu.memory_space<vmem>>, vector<16xf32>,
    tpu.vector_store %arg15[%swap3A_415], %add3A_414 {strides = array<i32>} : memref<1024xf32, #tpu.memory_space<vmem>>, vector<16xf32>,
    %swap3A_417 = arith.constant 656 : index
    %swap3A_418 = tpu.vector_load %arg16[%swap3A_417] {strides = array<i32>} : memref<1024xf32, #tpu.memory_space<vmem>>, vector<16xf32>,
    tpu.vector_store %arg16[%swap3A_417], %broadcast_in_dim3A_35 {strides = array<i32>} : memref<1024xf32, #tpu.memory_space<vmem>>, vector<16xf32>,
    %slice3A_419 = vector.extract_strided_slice %bitcast_convert_type3A_338 {offsets = [10], sizes = [1], strides = [1]} : vector<16xf32> to vector<1xf32>
    %squeeze3A_420 = vector.extract %slice3A_419[0] : f32 from vector<1xf32>
    %add3A_421 = vector.broadcast %squeeze3A_420 : f32 to vector<16xf32>
    %add3A_422 = arith.addf %broadcast_in_dim3A_35, %add3A_421 : vector<16xf32>
    %swap3A_423 = arith.constant 672 : index
    %swap3A_424 = tpu.vector_load %arg15[%swap3A_423] {strides = array<i32>} : memref<1024xf32, #tpu.memory_space<vmem>>, vector<16xf32>,
    tpu.vector_store %arg15[%swap3A_423], %add3A_422 {strides = array<i32>} : memref<1024xf32, #tpu.memory_space<vmem>>, vector<16xf32>,
    %swap3A_425 = arith.constant 672 : index
    %swap3A_426 = tpu.vector_load %arg16[%swap3A_425] {strides = array<i32>} : memref<1024xf32, #tpu.memory_space<vmem>>, vector<16xf32>,
    tpu.vector_store %arg16[%swap3A_425], %broadcast_in_dim3A_35 {strides = array<i32>} : memref<1024xf32, #tpu.memory_space<vmem>>, vector<16xf32>,
    %slice3A_427 = vector.extract_strided_slice %bitcast_convert_type3A_338 {offsets = [11], sizes = [1], strides = [1]} : vector<16xf32> to vector<1xf32>
    %squeeze3A_428 = vector.extract %slice3A_427[0] : f32 from vector<1xf32>
    %add3A_429 = vector.broadcast %squeeze3A_428 : f32 to vector<16xf32>
    %add3A_430 = arith.addf %broadcast_in_dim3A_35, %add3A_429 : vector<16xf32>
    %swap3A_431 = arith.constant 688 : index
    %swap3A_432 = tpu.vector_load %arg15[%swap3A_431] {strides = array<i32>} : memref<1024xf32, #tpu.memory_space<vmem>>, vector<16xf32>,
    tpu.vector_store %arg15[%swap3A_431], %add3A_430 {strides = array<i32>} : memref<1024xf32, #tpu.memory_space<vmem>>, vector<16xf32>,
    %swap3A_433 = arith.constant 688 : index
    %swap3A_434 = tpu.vector_load %arg16[%swap3A_433] {strides = array<i32>} : memref<1024xf32, #tpu.memory_space<vmem>>, vector<16xf32>,
    tpu.vector_store %arg16[%swap3A_433], %broadcast_in_dim3A_35 {strides = array<i32>} : memref<1024xf32, #tpu.memory_space<vmem>>, vector<16xf32>,
    %slice3A_435 = vector.extract_strided_slice %bitcast_convert_type3A_338 {offsets = [12], sizes = [1], strides = [1]} : vector<16xf32> to vector<1xf32>
    %squeeze3A_436 = vector.extract %slice3A_435[0] : f32 from vector<1xf32>
    %add3A_437 = vector.broadcast %squeeze3A_436 : f32 to vector<16xf32>
    %add3A_438 = arith.addf %broadcast_in_dim3A_35, %add3A_437 : vector<16xf32>
    %swap3A_439 = arith.constant 704 : index
    %swap3A_440 = tpu.vector_load %arg15[%swap3A_439] {strides = array<i32>} : memref<1024xf32, #tpu.memory_space<vmem>>, vector<16xf32>,
    tpu.vector_store %arg15[%swap3A_439], %add3A_438 {strides = array<i32>} : memref<1024xf32, #tpu.memory_space<vmem>>, vector<16xf32>,
    %swap3A_441 = arith.constant 704 : index
    %swap3A_442 = tpu.vector_load %arg16[%swap3A_441] {strides = array<i32>} : memref<1024xf32, #tpu.memory_space<vmem>>, vector<16xf32>,
    tpu.vector_store %arg16[%swap3A_441], %broadcast_in_dim3A_35 {strides = array<i32>} : memref<1024xf32, #tpu.memory_space<vmem>>, vector<16xf32>,
    %slice3A_443 = vector.extract_strided_slice %bitcast_convert_type3A_338 {offsets = [13], sizes = [1], strides = [1]} : vector<16xf32> to vector<1xf32>
    %squeeze3A_444 = vector.extract %slice3A_443[0] : f32 from vector<1xf32>
    %add3A_445 = vector.broadcast %squeeze3A_444 : f32 to vector<16xf32>
    %add3A_446 = arith.addf %broadcast_in_dim3A_35, %add3A_445 : vector<16xf32>
    %swap3A_447 = arith.constant 720 : index
    %swap3A_448 = tpu.vector_load %arg15[%swap3A_447] {strides = array<i32>} : memref<1024xf32, #tpu.memory_space<vmem>>, vector<16xf32>,
    tpu.vector_store %arg15[%swap3A_447], %add3A_446 {strides = array<i32>} : memref<1024xf32, #tpu.memory_space<vmem>>, vector<16xf32>,
    %swap3A_449 = arith.constant 720 : index
    %swap3A_450 = tpu.vector_load %arg16[%swap3A_449] {strides = array<i32>} : memref<1024xf32, #tpu.memory_space<vmem>>, vector<16xf32>,
    tpu.vector_store %arg16[%swap3A_449], %broadcast_in_dim3A_35 {strides = array<i32>} : memref<1024xf32, #tpu.memory_space<vmem>>, vector<16xf32>,
    %slice3A_451 = vector.extract_strided_slice %bitcast_convert_type3A_338 {offsets = [14], sizes = [1], strides = [1]} : vector<16xf32> to vector<1xf32>
    %squeeze3A_452 = vector.extract %slice3A_451[0] : f32 from vector<1xf32>
    %add3A_453 = vector.broadcast %squeeze3A_452 : f32 to vector<16xf32>
    %add3A_454 = arith.addf %broadcast_in_dim3A_35, %add3A_453 : vector<16xf32>
    %swap3A_455 = arith.constant 736 : index
    %swap3A_456 = tpu.vector_load %arg15[%swap3A_455] {strides = array<i32>} : memref<1024xf32, #tpu.memory_space<vmem>>, vector<16xf32>,
    tpu.vector_store %arg15[%swap3A_455], %add3A_454 {strides = array<i32>} : memref<1024xf32, #tpu.memory_space<vmem>>, vector<16xf32>,
    %swap3A_457 = arith.constant 736 : index
    %swap3A_458 = tpu.vector_load %arg16[%swap3A_457] {strides = array<i32>} : memref<1024xf32, #tpu.memory_space<vmem>>, vector<16xf32>,
    tpu.vector_store %arg16[%swap3A_457], %broadcast_in_dim3A_35 {strides = array<i32>} : memref<1024xf32, #tpu.memory_space<vmem>>, vector<16xf32>,
    %slice3A_459 = vector.extract_strided_slice %bitcast_convert_type3A_338 {offsets = [15], sizes = [1], strides = [1]} : vector<16xf32> to vector<1xf32>
    %squeeze3A_460 = vector.extract %slice3A_459[0] : f32 from vector<1xf32>
    %add3A_461 = vector.broadcast %squeeze3A_460 : f32 to vector<16xf32>
    %add3A_462 = arith.addf %broadcast_in_dim3A_35, %add3A_461 : vector<16xf32>
    %swap3A_463 = arith.constant 752 : index
    %swap3A_464 = tpu.vector_load %arg15[%swap3A_463] {strides = array<i32>} : memref<1024xf32, #tpu.memory_space<vmem>>, vector<16xf32>,
    tpu.vector_store %arg15[%swap3A_463], %add3A_462 {strides = array<i32>} : memref<1024xf32, #tpu.memory_space<vmem>>, vector<16xf32>,
    %swap3A_465 = arith.constant 752 : index
    %swap3A_466 = tpu.vector_load %arg16[%swap3A_465] {strides = array<i32>} : memref<1024xf32, #tpu.memory_space<vmem>>, vector<16xf32>,
    tpu.vector_store %arg16[%swap3A_465], %broadcast_in_dim3A_35 {strides = array<i32>} : memref<1024xf32, #tpu.memory_space<vmem>>, vector<16xf32>,
    %get3A_467 = arith.constant 48 : index
    %get3A_468 = tpu.vector_load %arg13[%get3A_467] {strides = array<i32>} : memref<64xf32, #tpu.memory_space<vmem>>, vector<16xf32>,
    %bitcast_convert_type3A_469 = tpu.bitcast %get3A_468 : vector<16xf32> -> vector<16xi32>
    %shift_right_logical3A_470 = arith.constant 16 : i32
    %shift_right_logical3A_471 = vector.broadcast %shift_right_logical3A_470 : i32 to vector<16xi32>
    %shift_right_logical3A_472 = arith.shrui %bitcast_convert_type3A_469, %shift_right_logical3A_471 : vector<16xi32>
    %and3A_473 = arith.constant 1 : i32
    %and3A_474 = vector.broadcast %and3A_473 : i32 to vector<16xi32>
    %and3A_475 = arith.andi %shift_right_logical3A_472, %and3A_474 : vector<16xi32>
    %add3A_476 = arith.constant 32767 : i32
    %add3A_477 = vector.broadcast %add3A_476 : i32 to vector<16xi32>
    %add3A_478 = arith.addi %bitcast_convert_type3A_469, %add3A_477 : vector<16xi32>
    %add3A_479 = arith.addi %add3A_478, %and3A_475 : vector<16xi32>
    %and3A_480 = arith.constant -65536 : i32
    %and3A_481 = vector.broadcast %and3A_480 : i32 to vector<16xi32>
    %and3A_482 = arith.andi %add3A_479, %and3A_481 : vector<16xi32>
    %bitcast_convert_type3A_483 = tpu.bitcast %and3A_482 : vector<16xi32> -> vector<16xf32>
    %slice3A_484 = vector.extract_strided_slice %bitcast_convert_type3A_483 {offsets = [0], sizes = [1], strides = [1]} : vector<16xf32> to vector<1xf32>
    %squeeze3A_485 = vector.extract %slice3A_484[0] : f32 from vector<1xf32>
    %add3A_486 = vector.broadcast %squeeze3A_485 : f32 to vector<16xf32>
    %add3A_487 = arith.addf %broadcast_in_dim3A_35, %add3A_486 : vector<16xf32>
    %swap3A_488 = arith.constant 768 : index
    %swap3A_489 = tpu.vector_load %arg15[%swap3A_488] {strides = array<i32>} : memref<1024xf32, #tpu.memory_space<vmem>>, vector<16xf32>,
    tpu.vector_store %arg15[%swap3A_488], %add3A_487 {strides = array<i32>} : memref<1024xf32, #tpu.memory_space<vmem>>, vector<16xf32>,
    %swap3A_490 = arith.constant 768 : index
    %swap3A_491 = tpu.vector_load %arg16[%swap3A_490] {strides = array<i32>} : memref<1024xf32, #tpu.memory_space<vmem>>, vector<16xf32>,
    tpu.vector_store %arg16[%swap3A_490], %broadcast_in_dim3A_35 {strides = array<i32>} : memref<1024xf32, #tpu.memory_space<vmem>>, vector<16xf32>,
    %slice3A_492 = vector.extract_strided_slice %bitcast_convert_type3A_483 {offsets = [1], sizes = [1], strides = [1]} : vector<16xf32> to vector<1xf32>
    %squeeze3A_493 = vector.extract %slice3A_492[0] : f32 from vector<1xf32>
    %add3A_494 = vector.broadcast %squeeze3A_493 : f32 to vector<16xf32>
    %add3A_495 = arith.addf %broadcast_in_dim3A_35, %add3A_494 : vector<16xf32>
    %swap3A_496 = arith.constant 784 : index
    %swap3A_497 = tpu.vector_load %arg15[%swap3A_496] {strides = array<i32>} : memref<1024xf32, #tpu.memory_space<vmem>>, vector<16xf32>,
    tpu.vector_store %arg15[%swap3A_496], %add3A_495 {strides = array<i32>} : memref<1024xf32, #tpu.memory_space<vmem>>, vector<16xf32>,
    %swap3A_498 = arith.constant 784 : index
    %swap3A_499 = tpu.vector_load %arg16[%swap3A_498] {strides = array<i32>} : memref<1024xf32, #tpu.memory_space<vmem>>, vector<16xf32>,
    tpu.vector_store %arg16[%swap3A_498], %broadcast_in_dim3A_35 {strides = array<i32>} : memref<1024xf32, #tpu.memory_space<vmem>>, vector<16xf32>,
    %slice3A_500 = vector.extract_strided_slice %bitcast_convert_type3A_483 {offsets = [2], sizes = [1], strides = [1]} : vector<16xf32> to vector<1xf32>
    %squeeze3A_501 = vector.extract %slice3A_500[0] : f32 from vector<1xf32>
    %add3A_502 = vector.broadcast %squeeze3A_501 : f32 to vector<16xf32>
    %add3A_503 = arith.addf %broadcast_in_dim3A_35, %add3A_502 : vector<16xf32>
    %swap3A_504 = arith.constant 800 : index
    %swap3A_505 = tpu.vector_load %arg15[%swap3A_504] {strides = array<i32>} : memref<1024xf32, #tpu.memory_space<vmem>>, vector<16xf32>,
    tpu.vector_store %arg15[%swap3A_504], %add3A_503 {strides = array<i32>} : memref<1024xf32, #tpu.memory_space<vmem>>, vector<16xf32>,
    %swap3A_506 = arith.constant 800 : index
    %swap3A_507 = tpu.vector_load %arg16[%swap3A_506] {strides = array<i32>} : memref<1024xf32, #tpu.memory_space<vmem>>, vector<16xf32>,
    tpu.vector_store %arg16[%swap3A_506], %broadcast_in_dim3A_35 {strides = array<i32>} : memref<1024xf32, #tpu.memory_space<vmem>>, vector<16xf32>,
    %slice3A_508 = vector.extract_strided_slice %bitcast_convert_type3A_483 {offsets = [3], sizes = [1], strides = [1]} : vector<16xf32> to vector<1xf32>
    %squeeze3A_509 = vector.extract %slice3A_508[0] : f32 from vector<1xf32>
    %add3A_510 = vector.broadcast %squeeze3A_509 : f32 to vector<16xf32>
    %add3A_511 = arith.addf %broadcast_in_dim3A_35, %add3A_510 : vector<16xf32>
    %swap3A_512 = arith.constant 816 : index
    %swap3A_513 = tpu.vector_load %arg15[%swap3A_512] {strides = array<i32>} : memref<1024xf32, #tpu.memory_space<vmem>>, vector<16xf32>,
    tpu.vector_store %arg15[%swap3A_512], %add3A_511 {strides = array<i32>} : memref<1024xf32, #tpu.memory_space<vmem>>, vector<16xf32>,
    %swap3A_514 = arith.constant 816 : index
    %swap3A_515 = tpu.vector_load %arg16[%swap3A_514] {strides = array<i32>} : memref<1024xf32, #tpu.memory_space<vmem>>, vector<16xf32>,
    tpu.vector_store %arg16[%swap3A_514], %broadcast_in_dim3A_35 {strides = array<i32>} : memref<1024xf32, #tpu.memory_space<vmem>>, vector<16xf32>,
    %slice3A_516 = vector.extract_strided_slice %bitcast_convert_type3A_483 {offsets = [4], sizes = [1], strides = [1]} : vector<16xf32> to vector<1xf32>
    %squeeze3A_517 = vector.extract %slice3A_516[0] : f32 from vector<1xf32>
    %add3A_518 = vector.broadcast %squeeze3A_517 : f32 to vector<16xf32>
    %add3A_519 = arith.addf %broadcast_in_dim3A_35, %add3A_518 : vector<16xf32>
    %swap3A_520 = arith.constant 832 : index
    %swap3A_521 = tpu.vector_load %arg15[%swap3A_520] {strides = array<i32>} : memref<1024xf32, #tpu.memory_space<vmem>>, vector<16xf32>,
    tpu.vector_store %arg15[%swap3A_520], %add3A_519 {strides = array<i32>} : memref<1024xf32, #tpu.memory_space<vmem>>, vector<16xf32>,
    %swap3A_522 = arith.constant 832 : index
    %swap3A_523 = tpu.vector_load %arg16[%swap3A_522] {strides = array<i32>} : memref<1024xf32, #tpu.memory_space<vmem>>, vector<16xf32>,
    tpu.vector_store %arg16[%swap3A_522], %broadcast_in_dim3A_35 {strides = array<i32>} : memref<1024xf32, #tpu.memory_space<vmem>>, vector<16xf32>,
    %slice3A_524 = vector.extract_strided_slice %bitcast_convert_type3A_483 {offsets = [5], sizes = [1], strides = [1]} : vector<16xf32> to vector<1xf32>
    %squeeze3A_525 = vector.extract %slice3A_524[0] : f32 from vector<1xf32>
    %add3A_526 = vector.broadcast %squeeze3A_525 : f32 to vector<16xf32>
    %add3A_527 = arith.addf %broadcast_in_dim3A_35, %add3A_526 : vector<16xf32>
    %swap3A_528 = arith.constant 848 : index
    %swap3A_529 = tpu.vector_load %arg15[%swap3A_528] {strides = array<i32>} : memref<1024xf32, #tpu.memory_space<vmem>>, vector<16xf32>,
    tpu.vector_store %arg15[%swap3A_528], %add3A_527 {strides = array<i32>} : memref<1024xf32, #tpu.memory_space<vmem>>, vector<16xf32>,
    %swap3A_530 = arith.constant 848 : index
    %swap3A_531 = tpu.vector_load %arg16[%swap3A_530] {strides = array<i32>} : memref<1024xf32, #tpu.memory_space<vmem>>, vector<16xf32>,
    tpu.vector_store %arg16[%swap3A_530], %broadcast_in_dim3A_35 {strides = array<i32>} : memref<1024xf32, #tpu.memory_space<vmem>>, vector<16xf32>,
    %slice3A_532 = vector.extract_strided_slice %bitcast_convert_type3A_483 {offsets = [6], sizes = [1], strides = [1]} : vector<16xf32> to vector<1xf32>
    %squeeze3A_533 = vector.extract %slice3A_532[0] : f32 from vector<1xf32>
    %add3A_534 = vector.broadcast %squeeze3A_533 : f32 to vector<16xf32>
    %add3A_535 = arith.addf %broadcast_in_dim3A_35, %add3A_534 : vector<16xf32>
    %swap3A_536 = arith.constant 864 : index
    %swap3A_537 = tpu.vector_load %arg15[%swap3A_536] {strides = array<i32>} : memref<1024xf32, #tpu.memory_space<vmem>>, vector<16xf32>,
    tpu.vector_store %arg15[%swap3A_536], %add3A_535 {strides = array<i32>} : memref<1024xf32, #tpu.memory_space<vmem>>, vector<16xf32>,
    %swap3A_538 = arith.constant 864 : index
    %swap3A_539 = tpu.vector_load %arg16[%swap3A_538] {strides = array<i32>} : memref<1024xf32, #tpu.memory_space<vmem>>, vector<16xf32>,
    tpu.vector_store %arg16[%swap3A_538], %broadcast_in_dim3A_35 {strides = array<i32>} : memref<1024xf32, #tpu.memory_space<vmem>>, vector<16xf32>,
    %slice3A_540 = vector.extract_strided_slice %bitcast_convert_type3A_483 {offsets = [7], sizes = [1], strides = [1]} : vector<16xf32> to vector<1xf32>
    %squeeze3A_541 = vector.extract %slice3A_540[0] : f32 from vector<1xf32>
    %add3A_542 = vector.broadcast %squeeze3A_541 : f32 to vector<16xf32>
    %add3A_543 = arith.addf %broadcast_in_dim3A_35, %add3A_542 : vector<16xf32>
    %swap3A_544 = arith.constant 880 : index
    %swap3A_545 = tpu.vector_load %arg15[%swap3A_544] {strides = array<i32>} : memref<1024xf32, #tpu.memory_space<vmem>>, vector<16xf32>,
    tpu.vector_store %arg15[%swap3A_544], %add3A_543 {strides = array<i32>} : memref<1024xf32, #tpu.memory_space<vmem>>, vector<16xf32>,
    %swap3A_546 = arith.constant 880 : index
    %swap3A_547 = tpu.vector_load %arg16[%swap3A_546] {strides = array<i32>} : memref<1024xf32, #tpu.memory_space<vmem>>, vector<16xf32>,
    tpu.vector_store %arg16[%swap3A_546], %broadcast_in_dim3A_35 {strides = array<i32>} : memref<1024xf32, #tpu.memory_space<vmem>>, vector<16xf32>,
    %slice3A_548 = vector.extract_strided_slice %bitcast_convert_type3A_483 {offsets = [8], sizes = [1], strides = [1]} : vector<16xf32> to vector<1xf32>
    %squeeze3A_549 = vector.extract %slice3A_548[0] : f32 from vector<1xf32>
    %add3A_550 = vector.broadcast %squeeze3A_549 : f32 to vector<16xf32>
    %add3A_551 = arith.addf %broadcast_in_dim3A_35, %add3A_550 : vector<16xf32>
    %swap3A_552 = arith.constant 896 : index
    %swap3A_553 = tpu.vector_load %arg15[%swap3A_552] {strides = array<i32>} : memref<1024xf32, #tpu.memory_space<vmem>>, vector<16xf32>,
    tpu.vector_store %arg15[%swap3A_552], %add3A_551 {strides = array<i32>} : memref<1024xf32, #tpu.memory_space<vmem>>, vector<16xf32>,
    %swap3A_554 = arith.constant 896 : index
    %swap3A_555 = tpu.vector_load %arg16[%swap3A_554] {strides = array<i32>} : memref<1024xf32, #tpu.memory_space<vmem>>, vector<16xf32>,
    tpu.vector_store %arg16[%swap3A_554], %broadcast_in_dim3A_35 {strides = array<i32>} : memref<1024xf32, #tpu.memory_space<vmem>>, vector<16xf32>,
    %slice3A_556 = vector.extract_strided_slice %bitcast_convert_type3A_483 {offsets = [9], sizes = [1], strides = [1]} : vector<16xf32> to vector<1xf32>
    %squeeze3A_557 = vector.extract %slice3A_556[0] : f32 from vector<1xf32>
    %add3A_558 = vector.broadcast %squeeze3A_557 : f32 to vector<16xf32>
    %add3A_559 = arith.addf %broadcast_in_dim3A_35, %add3A_558 : vector<16xf32>
    %swap3A_560 = arith.constant 912 : index
    %swap3A_561 = tpu.vector_load %arg15[%swap3A_560] {strides = array<i32>} : memref<1024xf32, #tpu.memory_space<vmem>>, vector<16xf32>,
    tpu.vector_store %arg15[%swap3A_560], %add3A_559 {strides = array<i32>} : memref<1024xf32, #tpu.memory_space<vmem>>, vector<16xf32>,
    %swap3A_562 = arith.constant 912 : index
    %swap3A_563 = tpu.vector_load %arg16[%swap3A_562] {strides = array<i32>} : memref<1024xf32, #tpu.memory_space<vmem>>, vector<16xf32>,
    tpu.vector_store %arg16[%swap3A_562], %broadcast_in_dim3A_35 {strides = array<i32>} : memref<1024xf32, #tpu.memory_space<vmem>>, vector<16xf32>,
    %slice3A_564 = vector.extract_strided_slice %bitcast_convert_type3A_483 {offsets = [10], sizes = [1], strides = [1]} : vector<16xf32> to vector<1xf32>
    %squeeze3A_565 = vector.extract %slice3A_564[0] : f32 from vector<1xf32>
    %add3A_566 = vector.broadcast %squeeze3A_565 : f32 to vector<16xf32>
    %add3A_567 = arith.addf %broadcast_in_dim3A_35, %add3A_566 : vector<16xf32>
    %swap3A_568 = arith.constant 928 : index
    %swap3A_569 = tpu.vector_load %arg15[%swap3A_568] {strides = array<i32>} : memref<1024xf32, #tpu.memory_space<vmem>>, vector<16xf32>,
    tpu.vector_store %arg15[%swap3A_568], %add3A_567 {strides = array<i32>} : memref<1024xf32, #tpu.memory_space<vmem>>, vector<16xf32>,
    %swap3A_570 = arith.constant 928 : index
    %swap3A_571 = tpu.vector_load %arg16[%swap3A_570] {strides = array<i32>} : memref<1024xf32, #tpu.memory_space<vmem>>, vector<16xf32>,
    tpu.vector_store %arg16[%swap3A_570], %broadcast_in_dim3A_35 {strides = array<i32>} : memref<1024xf32, #tpu.memory_space<vmem>>, vector<16xf32>,
    %slice3A_572 = vector.extract_strided_slice %bitcast_convert_type3A_483 {offsets = [11], sizes = [1], strides = [1]} : vector<16xf32> to vector<1xf32>
    %squeeze3A_573 = vector.extract %slice3A_572[0] : f32 from vector<1xf32>
    %add3A_574 = vector.broadcast %squeeze3A_573 : f32 to vector<16xf32>
    %add3A_575 = arith.addf %broadcast_in_dim3A_35, %add3A_574 : vector<16xf32>
    %swap3A_576 = arith.constant 944 : index
    %swap3A_577 = tpu.vector_load %arg15[%swap3A_576] {strides = array<i32>} : memref<1024xf32, #tpu.memory_space<vmem>>, vector<16xf32>,
    tpu.vector_store %arg15[%swap3A_576], %add3A_575 {strides = array<i32>} : memref<1024xf32, #tpu.memory_space<vmem>>, vector<16xf32>,
    %swap3A_578 = arith.constant 944 : index
    %swap3A_579 = tpu.vector_load %arg16[%swap3A_578] {strides = array<i32>} : memref<1024xf32, #tpu.memory_space<vmem>>, vector<16xf32>,
    tpu.vector_store %arg16[%swap3A_578], %broadcast_in_dim3A_35 {strides = array<i32>} : memref<1024xf32, #tpu.memory_space<vmem>>, vector<16xf32>,
    %slice3A_580 = vector.extract_strided_slice %bitcast_convert_type3A_483 {offsets = [12], sizes = [1], strides = [1]} : vector<16xf32> to vector<1xf32>
    %squeeze3A_581 = vector.extract %slice3A_580[0] : f32 from vector<1xf32>
    %add3A_582 = vector.broadcast %squeeze3A_581 : f32 to vector<16xf32>
    %add3A_583 = arith.addf %broadcast_in_dim3A_35, %add3A_582 : vector<16xf32>
    %swap3A_584 = arith.constant 960 : index
    %swap3A_585 = tpu.vector_load %arg15[%swap3A_584] {strides = array<i32>} : memref<1024xf32, #tpu.memory_space<vmem>>, vector<16xf32>,
    tpu.vector_store %arg15[%swap3A_584], %add3A_583 {strides = array<i32>} : memref<1024xf32, #tpu.memory_space<vmem>>, vector<16xf32>,
    %swap3A_586 = arith.constant 960 : index
    %swap3A_587 = tpu.vector_load %arg16[%swap3A_586] {strides = array<i32>} : memref<1024xf32, #tpu.memory_space<vmem>>, vector<16xf32>,
    tpu.vector_store %arg16[%swap3A_586], %broadcast_in_dim3A_35 {strides = array<i32>} : memref<1024xf32, #tpu.memory_space<vmem>>, vector<16xf32>,
    %slice3A_588 = vector.extract_strided_slice %bitcast_convert_type3A_483 {offsets = [13], sizes = [1], strides = [1]} : vector<16xf32> to vector<1xf32>
    %squeeze3A_589 = vector.extract %slice3A_588[0] : f32 from vector<1xf32>
    %add3A_590 = vector.broadcast %squeeze3A_589 : f32 to vector<16xf32>
    %add3A_591 = arith.addf %broadcast_in_dim3A_35, %add3A_590 : vector<16xf32>
    %swap3A_592 = arith.constant 976 : index
    %swap3A_593 = tpu.vector_load %arg15[%swap3A_592] {strides = array<i32>} : memref<1024xf32, #tpu.memory_space<vmem>>, vector<16xf32>,
    tpu.vector_store %arg15[%swap3A_592], %add3A_591 {strides = array<i32>} : memref<1024xf32, #tpu.memory_space<vmem>>, vector<16xf32>,
    %swap3A_594 = arith.constant 976 : index
    %swap3A_595 = tpu.vector_load %arg16[%swap3A_594] {strides = array<i32>} : memref<1024xf32, #tpu.memory_space<vmem>>, vector<16xf32>,
    tpu.vector_store %arg16[%swap3A_594], %broadcast_in_dim3A_35 {strides = array<i32>} : memref<1024xf32, #tpu.memory_space<vmem>>, vector<16xf32>,
    %slice3A_596 = vector.extract_strided_slice %bitcast_convert_type3A_483 {offsets = [14], sizes = [1], strides = [1]} : vector<16xf32> to vector<1xf32>
    %squeeze3A_597 = vector.extract %slice3A_596[0] : f32 from vector<1xf32>
    %add3A_598 = vector.broadcast %squeeze3A_597 : f32 to vector<16xf32>
    %add3A_599 = arith.addf %broadcast_in_dim3A_35, %add3A_598 : vector<16xf32>
    %swap3A_600 = arith.constant 992 : index
    %swap3A_601 = tpu.vector_load %arg15[%swap3A_600] {strides = array<i32>} : memref<1024xf32, #tpu.memory_space<vmem>>, vector<16xf32>,
    tpu.vector_store %arg15[%swap3A_600], %add3A_599 {strides = array<i32>} : memref<1024xf32, #tpu.memory_space<vmem>>, vector<16xf32>,
    %swap3A_602 = arith.constant 992 : index
    %swap3A_603 = tpu.vector_load %arg16[%swap3A_602] {strides = array<i32>} : memref<1024xf32, #tpu.memory_space<vmem>>, vector<16xf32>,
    tpu.vector_store %arg16[%swap3A_602], %broadcast_in_dim3A_35 {strides = array<i32>} : memref<1024xf32, #tpu.memory_space<vmem>>, vector<16xf32>,
    %slice3A_604 = vector.extract_strided_slice %bitcast_convert_type3A_483 {offsets = [15], sizes = [1], strides = [1]} : vector<16xf32> to vector<1xf32>
    %squeeze3A_605 = vector.extract %slice3A_604[0] : f32 from vector<1xf32>
    %add3A_606 = vector.broadcast %squeeze3A_605 : f32 to vector<16xf32>
    %add3A_607 = arith.addf %broadcast_in_dim3A_35, %add3A_606 : vector<16xf32>
    %swap3A_608 = arith.constant 1008 : index
    %swap3A_609 = tpu.vector_load %arg15[%swap3A_608] {strides = array<i32>} : memref<1024xf32, #tpu.memory_space<vmem>>, vector<16xf32>,
    tpu.vector_store %arg15[%swap3A_608], %add3A_607 {strides = array<i32>} : memref<1024xf32, #tpu.memory_space<vmem>>, vector<16xf32>,
    %swap3A_610 = arith.constant 1008 : index
    %swap3A_611 = tpu.vector_load %arg16[%swap3A_610] {strides = array<i32>} : memref<1024xf32, #tpu.memory_space<vmem>>, vector<16xf32>,
    tpu.vector_store %arg16[%swap3A_610], %broadcast_in_dim3A_35 {strides = array<i32>} : memref<1024xf32, #tpu.memory_space<vmem>>, vector<16xf32>,
    %add3A_612 = arith.constant 0 : i32
    %add3A_613 = arith.addi %add3A_34, %add3A_612 : i32
    %dma_start3A = arith.constant 0 : i32
    %dma_start3A_614 = tpu.memref_slice %arg3[%select_n3A, %dma_start3A, %add3A_613] : memref<8x64x65536xf32, #tpu.memory_space<hbm>> -> memref<1x64x512xf32, #tpu.memory_space<hbm>>
    %dma_start3A_615 = tpu.memref_squeeze %dma_start3A_614 : memref<1x64x512xf32, #tpu.memory_space<hbm>> -> memref<64x512xf32, #tpu.memory_space<hbm>>
    %dma_start3A_616 = arith.constant 0 : i32
    %dma_start3A_617 = tpu.memref_slice %arg3[%select_n3A, %dma_start3A_616, %add3A_613] : memref<8x64x65536xf32, #tpu.memory_space<hbm>> -> memref<1x64x512xf32, #tpu.memory_space<hbm>>
    %dma_start3A_618 = tpu.memref_squeeze %dma_start3A_617 : memref<1x64x512xf32, #tpu.memory_space<hbm>> -> memref<64x512xf32, #tpu.memory_space<hbm>>
    tpu.enqueue_dma source(%dma_start3A_618 : memref<64x512xf32, #tpu.memory_space<hbm>>) target(%arg9 : memref<64x512xf32, #tpu.memory_space<vmem>>) target_semaphore(%arg19 : memref<!tpu.dma_semaphore, #tpu.memory_space<semaphore_mem>>)
    %broadcast_in_dim3A_619 = arith.constant -3.000000e+38 : f32
    %broadcast_in_dim3A_620 = vector.broadcast %broadcast_in_dim3A_619 : f32 to vector<16xf32>
    %scan3A = arith.constant 0 : i32
    %scan3A_621 = arith.constant 6 : i32
    %scan3A_622 = arith.addi %scan3A, %scan3A_621 : i32
    %scan3A_623 = arith.constant 1 : i32
    %scan3A_624 = scf.for %scan3A_1364 = %scan3A to %scan3A_622 step %scan3A_623 iter_args(%scan3A_1365 = %broadcast_in_dim3A_620) -> (vector<16xf32>)  : i32 {
      %mul3A_1366 = arith.constant 2 : i32
      %mul3A_1367 = arith.muli %mul3A_1366, %scan3A_1364 : i32
      %mul3A_1368 = arith.constant 512 : i32
      %mul3A_1369 = arith.muli %mul3A_1367, %mul3A_1368 : i32
      %add3A_1370 = arith.addi %add3A_34, %mul3A_1369 : i32
      %dma_wait3A = arith.constant 0 : i32
      %dma_wait3A_1371 = tpu.memref_slice %arg3[%select_n3A, %dma_wait3A, %add3A_1370] : memref<8x64x65536xf32, #tpu.memory_space<hbm>> -> memref<1x64x512xf32, #tpu.memory_space<hbm>>
      %dma_wait3A_1372 = tpu.memref_squeeze %dma_wait3A_1371 : memref<1x64x512xf32, #tpu.memory_space<hbm>> -> memref<64x512xf32, #tpu.memory_space<hbm>>
      %dma_wait3A_1373 = arith.constant 0 : i32
      %dma_wait3A_1374 = tpu.memref_slice %arg3[%select_n3A, %dma_wait3A_1373, %add3A_1370] : memref<8x64x65536xf32, #tpu.memory_space<hbm>> -> memref<1x64x512xf32, #tpu.memory_space<hbm>>
      %dma_wait3A_1375 = tpu.memref_squeeze %dma_wait3A_1374 : memref<1x64x512xf32, #tpu.memory_space<hbm>> -> memref<64x512xf32, #tpu.memory_space<hbm>>
      tpu.wait_dma2 semaphore(%arg19 : memref<!tpu.dma_semaphore, #tpu.memory_space<semaphore_mem>>) src(%dma_wait3A_1375 : memref<64x512xf32, #tpu.memory_space<hbm>>) dst(%arg9 : memref<64x512xf32, #tpu.memory_space<vmem>>)
      %add3A_1376 = arith.constant 1 : i32
      %add3A_1377 = arith.addi %mul3A_1367, %add3A_1376 : i32
      %mul3A_1378 = arith.constant 512 : i32
      %mul3A_1379 = arith.muli %add3A_1377, %mul3A_1378 : i32
      %add3A_1380 = arith.addi %add3A_34, %mul3A_1379 : i32
      %dma_start3A_1381 = arith.constant 0 : i32
      %dma_start3A_1382 = tpu.memref_slice %arg3[%select_n3A, %dma_start3A_1381, %add3A_1380] : memref<8x64x65536xf32, #tpu.memory_space<hbm>> -> memref<1x64x512xf32, #tpu.memory_space<hbm>>
      %dma_start3A_1383 = tpu.memref_squeeze %dma_start3A_1382 : memref<1x64x512xf32, #tpu.memory_space<hbm>> -> memref<64x512xf32, #tpu.memory_space<hbm>>
      %dma_start3A_1384 = arith.constant 0 : i32
      %dma_start3A_1385 = tpu.memref_slice %arg3[%select_n3A, %dma_start3A_1384, %add3A_1380] : memref<8x64x65536xf32, #tpu.memory_space<hbm>> -> memref<1x64x512xf32, #tpu.memory_space<hbm>>
      %dma_start3A_1386 = tpu.memref_squeeze %dma_start3A_1385 : memref<1x64x512xf32, #tpu.memory_space<hbm>> -> memref<64x512xf32, #tpu.memory_space<hbm>>
      tpu.enqueue_dma source(%dma_start3A_1386 : memref<64x512xf32, #tpu.memory_space<hbm>>) target(%arg10 : memref<64x512xf32, #tpu.memory_space<vmem>>) target_semaphore(%arg20 : memref<!tpu.dma_semaphore, #tpu.memory_space<semaphore_mem>>)
      %scan3A_1387 = arith.constant 0 : i32
      %scan3A_1388 = arith.constant 8 : i32
      %scan3A_1389 = arith.addi %scan3A_1387, %scan3A_1388 : i32
      %scan3A_1390 = arith.constant 1 : i32
      %scan3A_1391 = scf.for %scan3A_1415 = %scan3A_1387 to %scan3A_1389 step %scan3A_1390 iter_args(%scan3A_1416 = %scan3A_1365) -> (vector<16xf32>)  : i32 {
        %mul3A_1417 = arith.constant 64 : i32
        %mul3A_1418 = arith.muli %scan3A_1415, %mul3A_1417 : i32
        %scan3A_1419 = arith.constant 0 : i32
        %scan3A_1420 = arith.constant 64 : i32
        %scan3A_1421 = arith.addi %scan3A_1419, %scan3A_1420 : i32
        %scan3A_1422 = arith.constant 1 : i32
        %scan3A_1423:4 = scf.for %scan3A_1502 = %scan3A_1419 to %scan3A_1421 step %scan3A_1422 iter_args(%scan3A_1503 = %broadcast_in_dim3A_35, %scan3A_1504 = %broadcast_in_dim3A_35, %scan3A_1505 = %broadcast_in_dim3A_35, %scan3A_1506 = %broadcast_in_dim3A_35) -> (vector<16xf32>, vector<16xf32>, vector<16xf32>, vector<16xf32>)  : i32 {
          %mul3A_1507 = arith.constant 16 : i32
          %mul3A_1508 = arith.muli %scan3A_1502, %mul3A_1507 : i32
          %get3A_1509 = arith.index_cast %mul3A_1508 : i32 to index
          %get3A_1510 = tpu.vector_load %arg15[%get3A_1509] {strides = array<i32>} : memref<1024xf32, #tpu.memory_space<vmem>>, vector<16xf32>,
          %get3A_1511 = arith.index_cast %scan3A_1502 : i32 to index
          %get3A_1512 = arith.index_cast %mul3A_1418 : i32 to index
          %get3A_1513 = tpu.vector_load %arg9[%get3A_1511, %get3A_1512] {strides = array<i32>} : memref<64x512xf32, #tpu.memory_space<vmem>>, vector<16xf32>,
          %bitcast_convert_type3A_1514 = tpu.bitcast %get3A_1513 : vector<16xf32> -> vector<16xi32>
          %shift_right_logical3A_1515 = arith.constant 16 : i32
          %shift_right_logical3A_1516 = vector.broadcast %shift_right_logical3A_1515 : i32 to vector<16xi32>
          %shift_right_logical3A_1517 = arith.shrui %bitcast_convert_type3A_1514, %shift_right_logical3A_1516 : vector<16xi32>
          %and3A_1518 = arith.constant 1 : i32
          %and3A_1519 = vector.broadcast %and3A_1518 : i32 to vector<16xi32>
          %and3A_1520 = arith.andi %shift_right_logical3A_1517, %and3A_1519 : vector<16xi32>
          %add3A_1521 = arith.constant 32767 : i32
          %add3A_1522 = vector.broadcast %add3A_1521 : i32 to vector<16xi32>
          %add3A_1523 = arith.addi %bitcast_convert_type3A_1514, %add3A_1522 : vector<16xi32>
          %add3A_1524 = arith.addi %add3A_1523, %and3A_1520 : vector<16xi32>
          %and3A_1525 = arith.constant -65536 : i32
          %and3A_1526 = vector.broadcast %and3A_1525 : i32 to vector<16xi32>
          %and3A_1527 = arith.andi %add3A_1524, %and3A_1526 : vector<16xi32>
          %bitcast_convert_type3A_1528 = tpu.bitcast %and3A_1527 : vector<16xi32> -> vector<16xf32>
          %mul3A_1529 = arith.mulf %get3A_1510, %bitcast_convert_type3A_1528 : vector<16xf32>
          %add3A_1530 = arith.addf %scan3A_1503, %mul3A_1529 : vector<16xf32>
          %add3A_1531 = arith.constant 16 : i32
          %add3A_1532 = arith.addi %mul3A_1418, %add3A_1531 : i32
          %get3A_1533 = arith.index_cast %scan3A_1502 : i32 to index
          %get3A_1534 = arith.index_cast %add3A_1532 : i32 to index
          %get3A_1535 = tpu.vector_load %arg9[%get3A_1533, %get3A_1534] {strides = array<i32>} : memref<64x512xf32, #tpu.memory_space<vmem>>, vector<16xf32>,
          %bitcast_convert_type3A_1536 = tpu.bitcast %get3A_1535 : vector<16xf32> -> vector<16xi32>
          %shift_right_logical3A_1537 = arith.constant 16 : i32
          %shift_right_logical3A_1538 = vector.broadcast %shift_right_logical3A_1537 : i32 to vector<16xi32>
          %shift_right_logical3A_1539 = arith.shrui %bitcast_convert_type3A_1536, %shift_right_logical3A_1538 : vector<16xi32>
          %and3A_1540 = arith.constant 1 : i32
          %and3A_1541 = vector.broadcast %and3A_1540 : i32 to vector<16xi32>
          %and3A_1542 = arith.andi %shift_right_logical3A_1539, %and3A_1541 : vector<16xi32>
          %add3A_1543 = arith.constant 32767 : i32
          %add3A_1544 = vector.broadcast %add3A_1543 : i32 to vector<16xi32>
          %add3A_1545 = arith.addi %bitcast_convert_type3A_1536, %add3A_1544 : vector<16xi32>
          %add3A_1546 = arith.addi %add3A_1545, %and3A_1542 : vector<16xi32>
          %and3A_1547 = arith.constant -65536 : i32
          %and3A_1548 = vector.broadcast %and3A_1547 : i32 to vector<16xi32>
          %and3A_1549 = arith.andi %add3A_1546, %and3A_1548 : vector<16xi32>
          %bitcast_convert_type3A_1550 = tpu.bitcast %and3A_1549 : vector<16xi32> -> vector<16xf32>
          %mul3A_1551 = arith.mulf %get3A_1510, %bitcast_convert_type3A_1550 : vector<16xf32>
          %add3A_1552 = arith.addf %scan3A_1504, %mul3A_1551 : vector<16xf32>
          %add3A_1553 = arith.constant 32 : i32
          %add3A_1554 = arith.addi %mul3A_1418, %add3A_1553 : i32
          %get3A_1555 = arith.index_cast %scan3A_1502 : i32 to index
          %get3A_1556 = arith.index_cast %add3A_1554 : i32 to index
          %get3A_1557 = tpu.vector_load %arg9[%get3A_1555, %get3A_1556] {strides = array<i32>} : memref<64x512xf32, #tpu.memory_space<vmem>>, vector<16xf32>,
          %bitcast_convert_type3A_1558 = tpu.bitcast %get3A_1557 : vector<16xf32> -> vector<16xi32>
          %shift_right_logical3A_1559 = arith.constant 16 : i32
          %shift_right_logical3A_1560 = vector.broadcast %shift_right_logical3A_1559 : i32 to vector<16xi32>
          %shift_right_logical3A_1561 = arith.shrui %bitcast_convert_type3A_1558, %shift_right_logical3A_1560 : vector<16xi32>
          %and3A_1562 = arith.constant 1 : i32
          %and3A_1563 = vector.broadcast %and3A_1562 : i32 to vector<16xi32>
          %and3A_1564 = arith.andi %shift_right_logical3A_1561, %and3A_1563 : vector<16xi32>
          %add3A_1565 = arith.constant 32767 : i32
          %add3A_1566 = vector.broadcast %add3A_1565 : i32 to vector<16xi32>
          %add3A_1567 = arith.addi %bitcast_convert_type3A_1558, %add3A_1566 : vector<16xi32>
          %add3A_1568 = arith.addi %add3A_1567, %and3A_1564 : vector<16xi32>
          %and3A_1569 = arith.constant -65536 : i32
          %and3A_1570 = vector.broadcast %and3A_1569 : i32 to vector<16xi32>
          %and3A_1571 = arith.andi %add3A_1568, %and3A_1570 : vector<16xi32>
          %bitcast_convert_type3A_1572 = tpu.bitcast %and3A_1571 : vector<16xi32> -> vector<16xf32>
          %mul3A_1573 = arith.mulf %get3A_1510, %bitcast_convert_type3A_1572 : vector<16xf32>
          %add3A_1574 = arith.addf %scan3A_1505, %mul3A_1573 : vector<16xf32>
          %add3A_1575 = arith.constant 48 : i32
          %add3A_1576 = arith.addi %mul3A_1418, %add3A_1575 : i32
          %get3A_1577 = arith.index_cast %scan3A_1502 : i32 to index
          %get3A_1578 = arith.index_cast %add3A_1576 : i32 to index
          %get3A_1579 = tpu.vector_load %arg9[%get3A_1577, %get3A_1578] {strides = array<i32>} : memref<64x512xf32, #tpu.memory_space<vmem>>, vector<16xf32>,
          %bitcast_convert_type3A_1580 = tpu.bitcast %get3A_1579 : vector<16xf32> -> vector<16xi32>
          %shift_right_logical3A_1581 = arith.constant 16 : i32
          %shift_right_logical3A_1582 = vector.broadcast %shift_right_logical3A_1581 : i32 to vector<16xi32>
          %shift_right_logical3A_1583 = arith.shrui %bitcast_convert_type3A_1580, %shift_right_logical3A_1582 : vector<16xi32>
          %and3A_1584 = arith.constant 1 : i32
          %and3A_1585 = vector.broadcast %and3A_1584 : i32 to vector<16xi32>
          %and3A_1586 = arith.andi %shift_right_logical3A_1583, %and3A_1585 : vector<16xi32>
          %add3A_1587 = arith.constant 32767 : i32
          %add3A_1588 = vector.broadcast %add3A_1587 : i32 to vector<16xi32>
          %add3A_1589 = arith.addi %bitcast_convert_type3A_1580, %add3A_1588 : vector<16xi32>
          %add3A_1590 = arith.addi %add3A_1589, %and3A_1586 : vector<16xi32>
          %and3A_1591 = arith.constant -65536 : i32
          %and3A_1592 = vector.broadcast %and3A_1591 : i32 to vector<16xi32>
          %and3A_1593 = arith.andi %add3A_1590, %and3A_1592 : vector<16xi32>
          %bitcast_convert_type3A_1594 = tpu.bitcast %and3A_1593 : vector<16xi32> -> vector<16xf32>
          %mul3A_1595 = arith.mulf %get3A_1510, %bitcast_convert_type3A_1594 : vector<16xf32>
          %add3A_1596 = arith.addf %scan3A_1506, %mul3A_1595 : vector<16xf32>
          scf.yield %add3A_1530, %add3A_1552, %add3A_1574, %add3A_1596 : vector<16xf32>, vector<16xf32>, vector<16xf32>, vector<16xf32>
        }
        %scan3A_1424 = arith.constant 64 : i32
        %mul3A_1425 = arith.constant 512 : i32
        %mul3A_1426 = arith.muli %mul3A_1367, %mul3A_1425 : i32
        %add3A_1427 = arith.addi %mul3A_1426, %mul3A_1418 : i32
        %add3A_1428 = arith.constant 0 : i32
        %add3A_1429 = arith.addi %add3A_1427, %add3A_1428 : i32
        %get3A_1430 = arith.index_cast %add3A_1429 : i32 to index
        %get3A_1431 = tpu.vector_load %arg12[%get3A_1430] {strides = array<i32>} : memref<6144xi32, #tpu.memory_space<vmem>>, vector<16xi32>,
        %convert_element_type3A_1432 = arith.sitofp %get3A_1431 : vector<16xi32> to vector<16xf32>
        %mul3A_1433 = arith.constant 2.500000e+00 : f32
        %mul3A_1434 = vector.broadcast %mul3A_1433 : f32 to vector<16xf32>
        %mul3A_1435 = arith.mulf %scan3A_1423#0, %mul3A_1434 : vector<16xf32>
        %sub3A_1436 = arith.subf %get3A_36, %convert_element_type3A_1432 : vector<16xf32>
        %abs3A = math.absf %sub3A_1436 : vector<16xf32>
        %mul3A_1437 = arith.constant 0.00999999977 : f32
        %mul3A_1438 = vector.broadcast %mul3A_1437 : f32 to vector<16xf32>
        %mul3A_1439 = arith.mulf %mul3A_1438, %abs3A : vector<16xf32>
        %sub3A_1440 = arith.subf %mul3A_1435, %mul3A_1439 : vector<16xf32>
        %add3A_1441 = arith.constant 0 : i32
        %add3A_1442 = arith.addi %add3A_1427, %add3A_1441 : i32
        %swap3A_1443 = arith.index_cast %add3A_1442 : i32 to index
        %swap3A_1444 = tpu.vector_load %arg11[%swap3A_1443] {strides = array<i32>} : memref<6144xf32, #tpu.memory_space<vmem>>, vector<16xf32>,
        tpu.vector_store %arg11[%swap3A_1443], %sub3A_1440 {strides = array<i32>} : memref<6144xf32, #tpu.memory_space<vmem>>, vector<16xf32>,
        %max3A = arith.maximumf %scan3A_1416, %sub3A_1440 : vector<16xf32>
        %add3A_1445 = arith.constant 16 : i32
        %add3A_1446 = arith.addi %add3A_1427, %add3A_1445 : i32
        %get3A_1447 = arith.index_cast %add3A_1446 : i32 to index
        %get3A_1448 = tpu.vector_load %arg12[%get3A_1447] {strides = array<i32>} : memref<6144xi32, #tpu.memory_space<vmem>>, vector<16xi32>,
        %convert_element_type3A_1449 = arith.sitofp %get3A_1448 : vector<16xi32> to vector<16xf32>
        %mul3A_1450 = arith.constant 2.500000e+00 : f32
        %mul3A_1451 = vector.broadcast %mul3A_1450 : f32 to vector<16xf32>
        %mul3A_1452 = arith.mulf %scan3A_1423#1, %mul3A_1451 : vector<16xf32>
        %sub3A_1453 = arith.subf %get3A_36, %convert_element_type3A_1449 : vector<16xf32>
        %abs3A_1454 = math.absf %sub3A_1453 : vector<16xf32>
        %mul3A_1455 = arith.constant 0.00999999977 : f32
        %mul3A_1456 = vector.broadcast %mul3A_1455 : f32 to vector<16xf32>
        %mul3A_1457 = arith.mulf %mul3A_1456, %abs3A_1454 : vector<16xf32>
        %sub3A_1458 = arith.subf %mul3A_1452, %mul3A_1457 : vector<16xf32>
        %add3A_1459 = arith.constant 16 : i32
        %add3A_1460 = arith.addi %add3A_1427, %add3A_1459 : i32
        %swap3A_1461 = arith.index_cast %add3A_1460 : i32 to index
        %swap3A_1462 = tpu.vector_load %arg11[%swap3A_1461] {strides = array<i32>} : memref<6144xf32, #tpu.memory_space<vmem>>, vector<16xf32>,
        tpu.vector_store %arg11[%swap3A_1461], %sub3A_1458 {strides = array<i32>} : memref<6144xf32, #tpu.memory_space<vmem>>, vector<16xf32>,
        %max3A_1463 = arith.maximumf %max3A, %sub3A_1458 : vector<16xf32>
        %add3A_1464 = arith.constant 32 : i32
        %add3A_1465 = arith.addi %add3A_1427, %add3A_1464 : i32
        %get3A_1466 = arith.index_cast %add3A_1465 : i32 to index
        %get3A_1467 = tpu.vector_load %arg12[%get3A_1466] {strides = array<i32>} : memref<6144xi32, #tpu.memory_space<vmem>>, vector<16xi32>,
        %convert_element_type3A_1468 = arith.sitofp %get3A_1467 : vector<16xi32> to vector<16xf32>
        %mul3A_1469 = arith.constant 2.500000e+00 : f32
        %mul3A_1470 = vector.broadcast %mul3A_1469 : f32 to vector<16xf32>
        %mul3A_1471 = arith.mulf %scan3A_1423#2, %mul3A_1470 : vector<16xf32>
        %sub3A_1472 = arith.subf %get3A_36, %convert_element_type3A_1468 : vector<16xf32>
        %abs3A_1473 = math.absf %sub3A_1472 : vector<16xf32>
        %mul3A_1474 = arith.constant 0.00999999977 : f32
        %mul3A_1475 = vector.broadcast %mul3A_1474 : f32 to vector<16xf32>
        %mul3A_1476 = arith.mulf %mul3A_1475, %abs3A_1473 : vector<16xf32>
        %sub3A_1477 = arith.subf %mul3A_1471, %mul3A_1476 : vector<16xf32>
        %add3A_1478 = arith.constant 32 : i32
        %add3A_1479 = arith.addi %add3A_1427, %add3A_1478 : i32
        %swap3A_1480 = arith.index_cast %add3A_1479 : i32 to index
        %swap3A_1481 = tpu.vector_load %arg11[%swap3A_1480] {strides = array<i32>} : memref<6144xf32, #tpu.memory_space<vmem>>, vector<16xf32>,
        tpu.vector_store %arg11[%swap3A_1480], %sub3A_1477 {strides = array<i32>} : memref<6144xf32, #tpu.memory_space<vmem>>, vector<16xf32>,
        %max3A_1482 = arith.maximumf %max3A_1463, %sub3A_1477 : vector<16xf32>
        %add3A_1483 = arith.constant 48 : i32
        %add3A_1484 = arith.addi %add3A_1427, %add3A_1483 : i32
        %get3A_1485 = arith.index_cast %add3A_1484 : i32 to index
        %get3A_1486 = tpu.vector_load %arg12[%get3A_1485] {strides = array<i32>} : memref<6144xi32, #tpu.memory_space<vmem>>, vector<16xi32>,
        %convert_element_type3A_1487 = arith.sitofp %get3A_1486 : vector<16xi32> to vector<16xf32>
        %mul3A_1488 = arith.constant 2.500000e+00 : f32
        %mul3A_1489 = vector.broadcast %mul3A_1488 : f32 to vector<16xf32>
        %mul3A_1490 = arith.mulf %scan3A_1423#3, %mul3A_1489 : vector<16xf32>
        %sub3A_1491 = arith.subf %get3A_36, %convert_element_type3A_1487 : vector<16xf32>
        %abs3A_1492 = math.absf %sub3A_1491 : vector<16xf32>
        %mul3A_1493 = arith.constant 0.00999999977 : f32
        %mul3A_1494 = vector.broadcast %mul3A_1493 : f32 to vector<16xf32>
        %mul3A_1495 = arith.mulf %mul3A_1494, %abs3A_1492 : vector<16xf32>
        %sub3A_1496 = arith.subf %mul3A_1490, %mul3A_1495 : vector<16xf32>
        %add3A_1497 = arith.constant 48 : i32
        %add3A_1498 = arith.addi %add3A_1427, %add3A_1497 : i32
        %swap3A_1499 = arith.index_cast %add3A_1498 : i32 to index
        %swap3A_1500 = tpu.vector_load %arg11[%swap3A_1499] {strides = array<i32>} : memref<6144xf32, #tpu.memory_space<vmem>>, vector<16xf32>,
        tpu.vector_store %arg11[%swap3A_1499], %sub3A_1496 {strides = array<i32>} : memref<6144xf32, #tpu.memory_space<vmem>>, vector<16xf32>,
        %max3A_1501 = arith.maximumf %max3A_1482, %sub3A_1496 : vector<16xf32>
        scf.yield %max3A_1501 : vector<16xf32>
      }
      %scan3A_1392 = arith.constant 8 : i32
      %add3A_1393 = arith.constant 1 : i32
      %add3A_1394 = arith.addi %mul3A_1367, %add3A_1393 : i32
      %mul3A_1395 = arith.constant 512 : i32
      %mul3A_1396 = arith.muli %add3A_1394, %mul3A_1395 : i32
      %add3A_1397 = arith.addi %add3A_34, %mul3A_1396 : i32
      %dma_wait3A_1398 = arith.constant 0 : i32
      %dma_wait3A_1399 = tpu.memref_slice %arg3[%select_n3A, %dma_wait3A_1398, %add3A_1397] : memref<8x64x65536xf32, #tpu.memory_space<hbm>> -> memref<1x64x512xf32, #tpu.memory_space<hbm>>
      %dma_wait3A_1400 = tpu.memref_squeeze %dma_wait3A_1399 : memref<1x64x512xf32, #tpu.memory_space<hbm>> -> memref<64x512xf32, #tpu.memory_space<hbm>>
      %dma_wait3A_1401 = arith.constant 0 : i32
      %dma_wait3A_1402 = tpu.memref_slice %arg3[%select_n3A, %dma_wait3A_1401, %add3A_1397] : memref<8x64x65536xf32, #tpu.memory_space<hbm>> -> memref<1x64x512xf32, #tpu.memory_space<hbm>>
      %dma_wait3A_1403 = tpu.memref_squeeze %dma_wait3A_1402 : memref<1x64x512xf32, #tpu.memory_space<hbm>> -> memref<64x512xf32, #tpu.memory_space<hbm>>
      tpu.wait_dma2 semaphore(%arg20 : memref<!tpu.dma_semaphore, #tpu.memory_space<semaphore_mem>>) src(%dma_wait3A_1403 : memref<64x512xf32, #tpu.memory_space<hbm>>) dst(%arg10 : memref<64x512xf32, #tpu.memory_space<vmem>>)
      %lt3A_1404 = arith.constant 5 : i32
      %lt3A_1405 = arith.cmpi slt, %scan3A_1364, %lt3A_1404 : i32
      %convert_element_type3A = arith.extui %lt3A_1405 : i1 to i32
      %cond3A = arith.constant 0 : i32
      %cond3A_1406 = arith.cmpi ne, %convert_element_type3A, %cond3A : i32
      scf.if %cond3A_1406 {
        %add3A_1415 = arith.constant 2 : i32
        %add3A_1416 = arith.addi %mul3A_1367, %add3A_1415 : i32
        %mul3A_1417 = arith.constant 512 : i32
        %mul3A_1418 = arith.muli %add3A_1416, %mul3A_1417 : i32
        %add3A_1419 = arith.addi %add3A_34, %mul3A_1418 : i32
        %dma_start3A_1420 = arith.constant 0 : i32
        %dma_start3A_1421 = tpu.memref_slice %arg3[%select_n3A, %dma_start3A_1420, %add3A_1419] : memref<8x64x65536xf32, #tpu.memory_space<hbm>> -> memref<1x64x512xf32, #tpu.memory_space<hbm>>
        %dma_start3A_1422 = tpu.memref_squeeze %dma_start3A_1421 : memref<1x64x512xf32, #tpu.memory_space<hbm>> -> memref<64x512xf32, #tpu.memory_space<hbm>>
        %dma_start3A_1423 = arith.constant 0 : i32
        %dma_start3A_1424 = tpu.memref_slice %arg3[%select_n3A, %dma_start3A_1423, %add3A_1419] : memref<8x64x65536xf32, #tpu.memory_space<hbm>> -> memref<1x64x512xf32, #tpu.memory_space<hbm>>
        %dma_start3A_1425 = tpu.memref_squeeze %dma_start3A_1424 : memref<1x64x512xf32, #tpu.memory_space<hbm>> -> memref<64x512xf32, #tpu.memory_space<hbm>>
        tpu.enqueue_dma source(%dma_start3A_1425 : memref<64x512xf32, #tpu.memory_space<hbm>>) target(%arg9 : memref<64x512xf32, #tpu.memory_space<vmem>>) target_semaphore(%arg19 : memref<!tpu.dma_semaphore, #tpu.memory_space<semaphore_mem>>)
      } else {
      }
      %add3A_1407 = arith.constant 1 : i32
      %add3A_1408 = arith.addi %mul3A_1367, %add3A_1407 : i32
      %scan3A_1409 = arith.constant 0 : i32
      %scan3A_1410 = arith.constant 8 : i32
      %scan3A_1411 = arith.addi %scan3A_1409, %scan3A_1410 : i32
      %scan3A_1412 = arith.constant 1 : i32
      %scan3A_1413 = scf.for %scan3A_1415 = %scan3A_1409 to %scan3A_1411 step %scan3A_1412 iter_args(%scan3A_1416 = %scan3A_1391) -> (vector<16xf32>)  : i32 {
        %mul3A_1417 = arith.constant 64 : i32
        %mul3A_1418 = arith.muli %scan3A_1415, %mul3A_1417 : i32
        %scan3A_1419 = arith.constant 0 : i32
        %scan3A_1420 = arith.constant 64 : i32
        %scan3A_1421 = arith.addi %scan3A_1419, %scan3A_1420 : i32
        %scan3A_1422 = arith.constant 1 : i32
        %scan3A_1423:4 = scf.for %scan3A_1502 = %scan3A_1419 to %scan3A_1421 step %scan3A_1422 iter_args(%scan3A_1503 = %broadcast_in_dim3A_35, %scan3A_1504 = %broadcast_in_dim3A_35, %scan3A_1505 = %broadcast_in_dim3A_35, %scan3A_1506 = %broadcast_in_dim3A_35) -> (vector<16xf32>, vector<16xf32>, vector<16xf32>, vector<16xf32>)  : i32 {
          %mul3A_1507 = arith.constant 16 : i32
          %mul3A_1508 = arith.muli %scan3A_1502, %mul3A_1507 : i32
          %get3A_1509 = arith.index_cast %mul3A_1508 : i32 to index
          %get3A_1510 = tpu.vector_load %arg15[%get3A_1509] {strides = array<i32>} : memref<1024xf32, #tpu.memory_space<vmem>>, vector<16xf32>,
          %get3A_1511 = arith.index_cast %scan3A_1502 : i32 to index
          %get3A_1512 = arith.index_cast %mul3A_1418 : i32 to index
          %get3A_1513 = tpu.vector_load %arg10[%get3A_1511, %get3A_1512] {strides = array<i32>} : memref<64x512xf32, #tpu.memory_space<vmem>>, vector<16xf32>,
          %bitcast_convert_type3A_1514 = tpu.bitcast %get3A_1513 : vector<16xf32> -> vector<16xi32>
          %shift_right_logical3A_1515 = arith.constant 16 : i32
          %shift_right_logical3A_1516 = vector.broadcast %shift_right_logical3A_1515 : i32 to vector<16xi32>
          %shift_right_logical3A_1517 = arith.shrui %bitcast_convert_type3A_1514, %shift_right_logical3A_1516 : vector<16xi32>
          %and3A_1518 = arith.constant 1 : i32
          %and3A_1519 = vector.broadcast %and3A_1518 : i32 to vector<16xi32>
          %and3A_1520 = arith.andi %shift_right_logical3A_1517, %and3A_1519 : vector<16xi32>
          %add3A_1521 = arith.constant 32767 : i32
          %add3A_1522 = vector.broadcast %add3A_1521 : i32 to vector<16xi32>
          %add3A_1523 = arith.addi %bitcast_convert_type3A_1514, %add3A_1522 : vector<16xi32>
          %add3A_1524 = arith.addi %add3A_1523, %and3A_1520 : vector<16xi32>
          %and3A_1525 = arith.constant -65536 : i32
          %and3A_1526 = vector.broadcast %and3A_1525 : i32 to vector<16xi32>
          %and3A_1527 = arith.andi %add3A_1524, %and3A_1526 : vector<16xi32>
          %bitcast_convert_type3A_1528 = tpu.bitcast %and3A_1527 : vector<16xi32> -> vector<16xf32>
          %mul3A_1529 = arith.mulf %get3A_1510, %bitcast_convert_type3A_1528 : vector<16xf32>
          %add3A_1530 = arith.addf %scan3A_1503, %mul3A_1529 : vector<16xf32>
          %add3A_1531 = arith.constant 16 : i32
          %add3A_1532 = arith.addi %mul3A_1418, %add3A_1531 : i32
          %get3A_1533 = arith.index_cast %scan3A_1502 : i32 to index
          %get3A_1534 = arith.index_cast %add3A_1532 : i32 to index
          %get3A_1535 = tpu.vector_load %arg10[%get3A_1533, %get3A_1534] {strides = array<i32>} : memref<64x512xf32, #tpu.memory_space<vmem>>, vector<16xf32>,
          %bitcast_convert_type3A_1536 = tpu.bitcast %get3A_1535 : vector<16xf32> -> vector<16xi32>
          %shift_right_logical3A_1537 = arith.constant 16 : i32
          %shift_right_logical3A_1538 = vector.broadcast %shift_right_logical3A_1537 : i32 to vector<16xi32>
          %shift_right_logical3A_1539 = arith.shrui %bitcast_convert_type3A_1536, %shift_right_logical3A_1538 : vector<16xi32>
          %and3A_1540 = arith.constant 1 : i32
          %and3A_1541 = vector.broadcast %and3A_1540 : i32 to vector<16xi32>
          %and3A_1542 = arith.andi %shift_right_logical3A_1539, %and3A_1541 : vector<16xi32>
          %add3A_1543 = arith.constant 32767 : i32
          %add3A_1544 = vector.broadcast %add3A_1543 : i32 to vector<16xi32>
          %add3A_1545 = arith.addi %bitcast_convert_type3A_1536, %add3A_1544 : vector<16xi32>
          %add3A_1546 = arith.addi %add3A_1545, %and3A_1542 : vector<16xi32>
          %and3A_1547 = arith.constant -65536 : i32
          %and3A_1548 = vector.broadcast %and3A_1547 : i32 to vector<16xi32>
          %and3A_1549 = arith.andi %add3A_1546, %and3A_1548 : vector<16xi32>
          %bitcast_convert_type3A_1550 = tpu.bitcast %and3A_1549 : vector<16xi32> -> vector<16xf32>
          %mul3A_1551 = arith.mulf %get3A_1510, %bitcast_convert_type3A_1550 : vector<16xf32>
          %add3A_1552 = arith.addf %scan3A_1504, %mul3A_1551 : vector<16xf32>
          %add3A_1553 = arith.constant 32 : i32
          %add3A_1554 = arith.addi %mul3A_1418, %add3A_1553 : i32
          %get3A_1555 = arith.index_cast %scan3A_1502 : i32 to index
          %get3A_1556 = arith.index_cast %add3A_1554 : i32 to index
          %get3A_1557 = tpu.vector_load %arg10[%get3A_1555, %get3A_1556] {strides = array<i32>} : memref<64x512xf32, #tpu.memory_space<vmem>>, vector<16xf32>,
          %bitcast_convert_type3A_1558 = tpu.bitcast %get3A_1557 : vector<16xf32> -> vector<16xi32>
          %shift_right_logical3A_1559 = arith.constant 16 : i32
          %shift_right_logical3A_1560 = vector.broadcast %shift_right_logical3A_1559 : i32 to vector<16xi32>
          %shift_right_logical3A_1561 = arith.shrui %bitcast_convert_type3A_1558, %shift_right_logical3A_1560 : vector<16xi32>
          %and3A_1562 = arith.constant 1 : i32
          %and3A_1563 = vector.broadcast %and3A_1562 : i32 to vector<16xi32>
          %and3A_1564 = arith.andi %shift_right_logical3A_1561, %and3A_1563 : vector<16xi32>
          %add3A_1565 = arith.constant 32767 : i32
          %add3A_1566 = vector.broadcast %add3A_1565 : i32 to vector<16xi32>
          %add3A_1567 = arith.addi %bitcast_convert_type3A_1558, %add3A_1566 : vector<16xi32>
          %add3A_1568 = arith.addi %add3A_1567, %and3A_1564 : vector<16xi32>
          %and3A_1569 = arith.constant -65536 : i32
          %and3A_1570 = vector.broadcast %and3A_1569 : i32 to vector<16xi32>
          %and3A_1571 = arith.andi %add3A_1568, %and3A_1570 : vector<16xi32>
          %bitcast_convert_type3A_1572 = tpu.bitcast %and3A_1571 : vector<16xi32> -> vector<16xf32>
          %mul3A_1573 = arith.mulf %get3A_1510, %bitcast_convert_type3A_1572 : vector<16xf32>
          %add3A_1574 = arith.addf %scan3A_1505, %mul3A_1573 : vector<16xf32>
          %add3A_1575 = arith.constant 48 : i32
          %add3A_1576 = arith.addi %mul3A_1418, %add3A_1575 : i32
          %get3A_1577 = arith.index_cast %scan3A_1502 : i32 to index
          %get3A_1578 = arith.index_cast %add3A_1576 : i32 to index
          %get3A_1579 = tpu.vector_load %arg10[%get3A_1577, %get3A_1578] {strides = array<i32>} : memref<64x512xf32, #tpu.memory_space<vmem>>, vector<16xf32>,
          %bitcast_convert_type3A_1580 = tpu.bitcast %get3A_1579 : vector<16xf32> -> vector<16xi32>
          %shift_right_logical3A_1581 = arith.constant 16 : i32
          %shift_right_logical3A_1582 = vector.broadcast %shift_right_logical3A_1581 : i32 to vector<16xi32>
          %shift_right_logical3A_1583 = arith.shrui %bitcast_convert_type3A_1580, %shift_right_logical3A_1582 : vector<16xi32>
          %and3A_1584 = arith.constant 1 : i32
          %and3A_1585 = vector.broadcast %and3A_1584 : i32 to vector<16xi32>
          %and3A_1586 = arith.andi %shift_right_logical3A_1583, %and3A_1585 : vector<16xi32>
          %add3A_1587 = arith.constant 32767 : i32
          %add3A_1588 = vector.broadcast %add3A_1587 : i32 to vector<16xi32>
          %add3A_1589 = arith.addi %bitcast_convert_type3A_1580, %add3A_1588 : vector<16xi32>
          %add3A_1590 = arith.addi %add3A_1589, %and3A_1586 : vector<16xi32>
          %and3A_1591 = arith.constant -65536 : i32
          %and3A_1592 = vector.broadcast %and3A_1591 : i32 to vector<16xi32>
          %and3A_1593 = arith.andi %add3A_1590, %and3A_1592 : vector<16xi32>
          %bitcast_convert_type3A_1594 = tpu.bitcast %and3A_1593 : vector<16xi32> -> vector<16xf32>
          %mul3A_1595 = arith.mulf %get3A_1510, %bitcast_convert_type3A_1594 : vector<16xf32>
          %add3A_1596 = arith.addf %scan3A_1506, %mul3A_1595 : vector<16xf32>
          scf.yield %add3A_1530, %add3A_1552, %add3A_1574, %add3A_1596 : vector<16xf32>, vector<16xf32>, vector<16xf32>, vector<16xf32>
        }
        %scan3A_1424 = arith.constant 64 : i32
        %mul3A_1425 = arith.constant 512 : i32
        %mul3A_1426 = arith.muli %add3A_1408, %mul3A_1425 : i32
        %add3A_1427 = arith.addi %mul3A_1426, %mul3A_1418 : i32
        %add3A_1428 = arith.constant 0 : i32
        %add3A_1429 = arith.addi %add3A_1427, %add3A_1428 : i32
        %get3A_1430 = arith.index_cast %add3A_1429 : i32 to index
        %get3A_1431 = tpu.vector_load %arg12[%get3A_1430] {strides = array<i32>} : memref<6144xi32, #tpu.memory_space<vmem>>, vector<16xi32>,
        %convert_element_type3A_1432 = arith.sitofp %get3A_1431 : vector<16xi32> to vector<16xf32>
        %mul3A_1433 = arith.constant 2.500000e+00 : f32
        %mul3A_1434 = vector.broadcast %mul3A_1433 : f32 to vector<16xf32>
        %mul3A_1435 = arith.mulf %scan3A_1423#0, %mul3A_1434 : vector<16xf32>
        %sub3A_1436 = arith.subf %get3A_36, %convert_element_type3A_1432 : vector<16xf32>
        %abs3A = math.absf %sub3A_1436 : vector<16xf32>
        %mul3A_1437 = arith.constant 0.00999999977 : f32
        %mul3A_1438 = vector.broadcast %mul3A_1437 : f32 to vector<16xf32>
        %mul3A_1439 = arith.mulf %mul3A_1438, %abs3A : vector<16xf32>
        %sub3A_1440 = arith.subf %mul3A_1435, %mul3A_1439 : vector<16xf32>
        %add3A_1441 = arith.constant 0 : i32
        %add3A_1442 = arith.addi %add3A_1427, %add3A_1441 : i32
        %swap3A_1443 = arith.index_cast %add3A_1442 : i32 to index
        %swap3A_1444 = tpu.vector_load %arg11[%swap3A_1443] {strides = array<i32>} : memref<6144xf32, #tpu.memory_space<vmem>>, vector<16xf32>,
        tpu.vector_store %arg11[%swap3A_1443], %sub3A_1440 {strides = array<i32>} : memref<6144xf32, #tpu.memory_space<vmem>>, vector<16xf32>,
        %max3A = arith.maximumf %scan3A_1416, %sub3A_1440 : vector<16xf32>
        %add3A_1445 = arith.constant 16 : i32
        %add3A_1446 = arith.addi %add3A_1427, %add3A_1445 : i32
        %get3A_1447 = arith.index_cast %add3A_1446 : i32 to index
        %get3A_1448 = tpu.vector_load %arg12[%get3A_1447] {strides = array<i32>} : memref<6144xi32, #tpu.memory_space<vmem>>, vector<16xi32>,
        %convert_element_type3A_1449 = arith.sitofp %get3A_1448 : vector<16xi32> to vector<16xf32>
        %mul3A_1450 = arith.constant 2.500000e+00 : f32
        %mul3A_1451 = vector.broadcast %mul3A_1450 : f32 to vector<16xf32>
        %mul3A_1452 = arith.mulf %scan3A_1423#1, %mul3A_1451 : vector<16xf32>
        %sub3A_1453 = arith.subf %get3A_36, %convert_element_type3A_1449 : vector<16xf32>
        %abs3A_1454 = math.absf %sub3A_1453 : vector<16xf32>
        %mul3A_1455 = arith.constant 0.00999999977 : f32
        %mul3A_1456 = vector.broadcast %mul3A_1455 : f32 to vector<16xf32>
        %mul3A_1457 = arith.mulf %mul3A_1456, %abs3A_1454 : vector<16xf32>
        %sub3A_1458 = arith.subf %mul3A_1452, %mul3A_1457 : vector<16xf32>
        %add3A_1459 = arith.constant 16 : i32
        %add3A_1460 = arith.addi %add3A_1427, %add3A_1459 : i32
        %swap3A_1461 = arith.index_cast %add3A_1460 : i32 to index
        %swap3A_1462 = tpu.vector_load %arg11[%swap3A_1461] {strides = array<i32>} : memref<6144xf32, #tpu.memory_space<vmem>>, vector<16xf32>,
        tpu.vector_store %arg11[%swap3A_1461], %sub3A_1458 {strides = array<i32>} : memref<6144xf32, #tpu.memory_space<vmem>>, vector<16xf32>,
        %max3A_1463 = arith.maximumf %max3A, %sub3A_1458 : vector<16xf32>
        %add3A_1464 = arith.constant 32 : i32
        %add3A_1465 = arith.addi %add3A_1427, %add3A_1464 : i32
        %get3A_1466 = arith.index_cast %add3A_1465 : i32 to index
        %get3A_1467 = tpu.vector_load %arg12[%get3A_1466] {strides = array<i32>} : memref<6144xi32, #tpu.memory_space<vmem>>, vector<16xi32>,
        %convert_element_type3A_1468 = arith.sitofp %get3A_1467 : vector<16xi32> to vector<16xf32>
        %mul3A_1469 = arith.constant 2.500000e+00 : f32
        %mul3A_1470 = vector.broadcast %mul3A_1469 : f32 to vector<16xf32>
        %mul3A_1471 = arith.mulf %scan3A_1423#2, %mul3A_1470 : vector<16xf32>
        %sub3A_1472 = arith.subf %get3A_36, %convert_element_type3A_1468 : vector<16xf32>
        %abs3A_1473 = math.absf %sub3A_1472 : vector<16xf32>
        %mul3A_1474 = arith.constant 0.00999999977 : f32
        %mul3A_1475 = vector.broadcast %mul3A_1474 : f32 to vector<16xf32>
        %mul3A_1476 = arith.mulf %mul3A_1475, %abs3A_1473 : vector<16xf32>
        %sub3A_1477 = arith.subf %mul3A_1471, %mul3A_1476 : vector<16xf32>
        %add3A_1478 = arith.constant 32 : i32
        %add3A_1479 = arith.addi %add3A_1427, %add3A_1478 : i32
        %swap3A_1480 = arith.index_cast %add3A_1479 : i32 to index
        %swap3A_1481 = tpu.vector_load %arg11[%swap3A_1480] {strides = array<i32>} : memref<6144xf32, #tpu.memory_space<vmem>>, vector<16xf32>,
        tpu.vector_store %arg11[%swap3A_1480], %sub3A_1477 {strides = array<i32>} : memref<6144xf32, #tpu.memory_space<vmem>>, vector<16xf32>,
        %max3A_1482 = arith.maximumf %max3A_1463, %sub3A_1477 : vector<16xf32>
        %add3A_1483 = arith.constant 48 : i32
        %add3A_1484 = arith.addi %add3A_1427, %add3A_1483 : i32
        %get3A_1485 = arith.index_cast %add3A_1484 : i32 to index
        %get3A_1486 = tpu.vector_load %arg12[%get3A_1485] {strides = array<i32>} : memref<6144xi32, #tpu.memory_space<vmem>>, vector<16xi32>,
        %convert_element_type3A_1487 = arith.sitofp %get3A_1486 : vector<16xi32> to vector<16xf32>
        %mul3A_1488 = arith.constant 2.500000e+00 : f32
        %mul3A_1489 = vector.broadcast %mul3A_1488 : f32 to vector<16xf32>
        %mul3A_1490 = arith.mulf %scan3A_1423#3, %mul3A_1489 : vector<16xf32>
        %sub3A_1491 = arith.subf %get3A_36, %convert_element_type3A_1487 : vector<16xf32>
        %abs3A_1492 = math.absf %sub3A_1491 : vector<16xf32>
        %mul3A_1493 = arith.constant 0.00999999977 : f32
        %mul3A_1494 = vector.broadcast %mul3A_1493 : f32 to vector<16xf32>
        %mul3A_1495 = arith.mulf %mul3A_1494, %abs3A_1492 : vector<16xf32>
        %sub3A_1496 = arith.subf %mul3A_1490, %mul3A_1495 : vector<16xf32>
        %add3A_1497 = arith.constant 48 : i32
        %add3A_1498 = arith.addi %add3A_1427, %add3A_1497 : i32
        %swap3A_1499 = arith.index_cast %add3A_1498 : i32 to index
        %swap3A_1500 = tpu.vector_load %arg11[%swap3A_1499] {strides = array<i32>} : memref<6144xf32, #tpu.memory_space<vmem>>, vector<16xf32>,
        tpu.vector_store %arg11[%swap3A_1499], %sub3A_1496 {strides = array<i32>} : memref<6144xf32, #tpu.memory_space<vmem>>, vector<16xf32>,
        %max3A_1501 = arith.maximumf %max3A_1482, %sub3A_1496 : vector<16xf32>
        scf.yield %max3A_1501 : vector<16xf32>
      }
      %scan3A_1414 = arith.constant 8 : i32
      scf.yield %scan3A_1413 : vector<16xf32>
    }
    %scan3A_625 = arith.constant 6 : i32
    %reduce_max3A = arith.constant true
    %reduce_max3A_626 = vector.broadcast %reduce_max3A : i1 to vector<16xi1>
    %reduce_max3A_627 = tpu.scan <max>, %scan3A_624 masked %reduce_max3A_626 : vector<16xf32>, vector<16xi1> -> vector<16xf32>
    %reduce_max3A_628 = vector.extract %reduce_max3A_627[15] : f32 from vector<16xf32>
    %add3A_629 = arith.constant 0 : i32
    %add3A_630 = arith.addi %add3A_34, %add3A_629 : i32
    %dma_start3A_631 = arith.constant 0 : i32
    %dma_start3A_632 = tpu.memref_slice %arg4[%select_n3A, %dma_start3A_631, %add3A_630] : memref<8x64x65536xf32, #tpu.memory_space<hbm>> -> memref<1x64x512xf32, #tpu.memory_space<hbm>>
    %dma_start3A_633 = tpu.memref_squeeze %dma_start3A_632 : memref<1x64x512xf32, #tpu.memory_space<hbm>> -> memref<64x512xf32, #tpu.memory_space<hbm>>
    %dma_start3A_634 = arith.constant 0 : i32
    %dma_start3A_635 = tpu.memref_slice %arg4[%select_n3A, %dma_start3A_634, %add3A_630] : memref<8x64x65536xf32, #tpu.memory_space<hbm>> -> memref<1x64x512xf32, #tpu.memory_space<hbm>>
    %dma_start3A_636 = tpu.memref_squeeze %dma_start3A_635 : memref<1x64x512xf32, #tpu.memory_space<hbm>> -> memref<64x512xf32, #tpu.memory_space<hbm>>
    tpu.enqueue_dma source(%dma_start3A_636 : memref<64x512xf32, #tpu.memory_space<hbm>>) target(%arg9 : memref<64x512xf32, #tpu.memory_space<vmem>>) target_semaphore(%arg19 : memref<!tpu.dma_semaphore, #tpu.memory_space<semaphore_mem>>)
    %scan3A_637 = arith.constant 0 : i32
    %scan3A_638 = arith.constant 6 : i32
    %scan3A_639 = arith.addi %scan3A_637, %scan3A_638 : i32
    %scan3A_640 = arith.constant 1 : i32
    %scan3A_641 = scf.for %scan3A_1364 = %scan3A_637 to %scan3A_639 step %scan3A_640 iter_args(%scan3A_1365 = %broadcast_in_dim3A_35) -> (vector<16xf32>)  : i32 {
      %mul3A_1366 = arith.constant 2 : i32
      %mul3A_1367 = arith.muli %mul3A_1366, %scan3A_1364 : i32
      %mul3A_1368 = arith.constant 512 : i32
      %mul3A_1369 = arith.muli %mul3A_1367, %mul3A_1368 : i32
      %add3A_1370 = arith.addi %add3A_34, %mul3A_1369 : i32
      %dma_wait3A = arith.constant 0 : i32
      %dma_wait3A_1371 = tpu.memref_slice %arg4[%select_n3A, %dma_wait3A, %add3A_1370] : memref<8x64x65536xf32, #tpu.memory_space<hbm>> -> memref<1x64x512xf32, #tpu.memory_space<hbm>>
      %dma_wait3A_1372 = tpu.memref_squeeze %dma_wait3A_1371 : memref<1x64x512xf32, #tpu.memory_space<hbm>> -> memref<64x512xf32, #tpu.memory_space<hbm>>
      %dma_wait3A_1373 = arith.constant 0 : i32
      %dma_wait3A_1374 = tpu.memref_slice %arg4[%select_n3A, %dma_wait3A_1373, %add3A_1370] : memref<8x64x65536xf32, #tpu.memory_space<hbm>> -> memref<1x64x512xf32, #tpu.memory_space<hbm>>
      %dma_wait3A_1375 = tpu.memref_squeeze %dma_wait3A_1374 : memref<1x64x512xf32, #tpu.memory_space<hbm>> -> memref<64x512xf32, #tpu.memory_space<hbm>>
      tpu.wait_dma2 semaphore(%arg19 : memref<!tpu.dma_semaphore, #tpu.memory_space<semaphore_mem>>) src(%dma_wait3A_1375 : memref<64x512xf32, #tpu.memory_space<hbm>>) dst(%arg9 : memref<64x512xf32, #tpu.memory_space<vmem>>)
      %add3A_1376 = arith.constant 1 : i32
      %add3A_1377 = arith.addi %mul3A_1367, %add3A_1376 : i32
      %mul3A_1378 = arith.constant 512 : i32
      %mul3A_1379 = arith.muli %add3A_1377, %mul3A_1378 : i32
      %add3A_1380 = arith.addi %add3A_34, %mul3A_1379 : i32
      %dma_start3A_1381 = arith.constant 0 : i32
      %dma_start3A_1382 = tpu.memref_slice %arg4[%select_n3A, %dma_start3A_1381, %add3A_1380] : memref<8x64x65536xf32, #tpu.memory_space<hbm>> -> memref<1x64x512xf32, #tpu.memory_space<hbm>>
      %dma_start3A_1383 = tpu.memref_squeeze %dma_start3A_1382 : memref<1x64x512xf32, #tpu.memory_space<hbm>> -> memref<64x512xf32, #tpu.memory_space<hbm>>
      %dma_start3A_1384 = arith.constant 0 : i32
      %dma_start3A_1385 = tpu.memref_slice %arg4[%select_n3A, %dma_start3A_1384, %add3A_1380] : memref<8x64x65536xf32, #tpu.memory_space<hbm>> -> memref<1x64x512xf32, #tpu.memory_space<hbm>>
      %dma_start3A_1386 = tpu.memref_squeeze %dma_start3A_1385 : memref<1x64x512xf32, #tpu.memory_space<hbm>> -> memref<64x512xf32, #tpu.memory_space<hbm>>
      tpu.enqueue_dma source(%dma_start3A_1386 : memref<64x512xf32, #tpu.memory_space<hbm>>) target(%arg10 : memref<64x512xf32, #tpu.memory_space<vmem>>) target_semaphore(%arg20 : memref<!tpu.dma_semaphore, #tpu.memory_space<semaphore_mem>>)
      %scan3A_1387 = arith.constant 0 : i32
      %scan3A_1388 = arith.constant 8 : i32
      %scan3A_1389 = arith.addi %scan3A_1387, %scan3A_1388 : i32
      %scan3A_1390 = arith.constant 1 : i32
      %scan3A_1391 = scf.for %scan3A_1415 = %scan3A_1387 to %scan3A_1389 step %scan3A_1390 iter_args(%scan3A_1416 = %scan3A_1365) -> (vector<16xf32>)  : i32 {
        %mul3A_1417 = arith.constant 64 : i32
        %mul3A_1418 = arith.muli %scan3A_1415, %mul3A_1417 : i32
        %mul3A_1419 = arith.constant 512 : i32
        %mul3A_1420 = arith.muli %mul3A_1367, %mul3A_1419 : i32
        %add3A_1421 = arith.addi %mul3A_1420, %mul3A_1418 : i32
        %get3A_1422 = arith.index_cast %add3A_1421 : i32 to index
        %get3A_1423 = tpu.vector_load %arg11[%get3A_1422] {strides = array<i32>} : memref<6144xf32, #tpu.memory_space<vmem>>, vector<16xf32>,
        %sub3A_1424 = vector.broadcast %reduce_max3A_628 : f32 to vector<16xf32>
        %sub3A_1425 = arith.subf %get3A_1423, %sub3A_1424 : vector<16xf32>
        %max3A = arith.constant -8.700000e+01 : f32
        %max3A_1426 = vector.broadcast %max3A : f32 to vector<16xf32>
        %max3A_1427 = arith.maximumf %sub3A_1425, %max3A_1426 : vector<16xf32>
        %mul3A_1428 = arith.constant 1.44269502 : f32
        %mul3A_1429 = vector.broadcast %mul3A_1428 : f32 to vector<16xf32>
        %mul3A_1430 = arith.mulf %max3A_1427, %mul3A_1429 : vector<16xf32>
        %add3A_1431 = arith.constant 0x4B400000 : f32
        %add3A_1432 = vector.broadcast %add3A_1431 : f32 to vector<16xf32>
        %add3A_1433 = arith.addf %mul3A_1430, %add3A_1432 : vector<16xf32>
        %sub3A_1434 = arith.constant 0x4B400000 : f32
        %sub3A_1435 = vector.broadcast %sub3A_1434 : f32 to vector<16xf32>
        %sub3A_1436 = arith.subf %add3A_1433, %sub3A_1435 : vector<16xf32>
        %sub3A_1437 = arith.subf %mul3A_1430, %sub3A_1436 : vector<16xf32>
        %mul3A_1438 = arith.constant 0.693147182 : f32
        %mul3A_1439 = vector.broadcast %mul3A_1438 : f32 to vector<16xf32>
        %mul3A_1440 = arith.mulf %sub3A_1437, %mul3A_1439 : vector<16xf32>
        %mul3A_1441 = arith.constant 0.00138888892 : f32
        %mul3A_1442 = vector.broadcast %mul3A_1441 : f32 to vector<16xf32>
        %mul3A_1443 = arith.mulf %mul3A_1440, %mul3A_1442 : vector<16xf32>
        %add3A_1444 = arith.constant 0.00833333377 : f32
        %add3A_1445 = vector.broadcast %add3A_1444 : f32 to vector<16xf32>
        %add3A_1446 = arith.addf %add3A_1445, %mul3A_1443 : vector<16xf32>
        %mul3A_1447 = arith.mulf %mul3A_1440, %add3A_1446 : vector<16xf32>
        %add3A_1448 = arith.constant 0.0416666679 : f32
        %add3A_1449 = vector.broadcast %add3A_1448 : f32 to vector<16xf32>
        %add3A_1450 = arith.addf %add3A_1449, %mul3A_1447 : vector<16xf32>
        %mul3A_1451 = arith.mulf %mul3A_1440, %add3A_1450 : vector<16xf32>
        %add3A_1452 = arith.constant 0.166666672 : f32
        %add3A_1453 = vector.broadcast %add3A_1452 : f32 to vector<16xf32>
        %add3A_1454 = arith.addf %add3A_1453, %mul3A_1451 : vector<16xf32>
        %mul3A_1455 = arith.mulf %mul3A_1440, %add3A_1454 : vector<16xf32>
        %add3A_1456 = arith.constant 5.000000e-01 : f32
        %add3A_1457 = vector.broadcast %add3A_1456 : f32 to vector<16xf32>
        %add3A_1458 = arith.addf %add3A_1457, %mul3A_1455 : vector<16xf32>
        %mul3A_1459 = arith.mulf %mul3A_1440, %add3A_1458 : vector<16xf32>
        %add3A_1460 = arith.constant 1.000000e+00 : f32
        %add3A_1461 = vector.broadcast %add3A_1460 : f32 to vector<16xf32>
        %add3A_1462 = arith.addf %add3A_1461, %mul3A_1459 : vector<16xf32>
        %mul3A_1463 = arith.mulf %mul3A_1440, %add3A_1462 : vector<16xf32>
        %add3A_1464 = arith.constant 1.000000e+00 : f32
        %add3A_1465 = vector.broadcast %add3A_1464 : f32 to vector<16xf32>
        %add3A_1466 = arith.addf %add3A_1465, %mul3A_1463 : vector<16xf32>
        %convert_element_type3A_1467 = arith.fptosi %sub3A_1436 : vector<16xf32> to vector<16xi32>
        %add3A_1468 = arith.constant 127 : i32
        %add3A_1469 = vector.broadcast %add3A_1468 : i32 to vector<16xi32>
        %add3A_1470 = arith.addi %convert_element_type3A_1467, %add3A_1469 : vector<16xi32>
        %shift_left3A = arith.constant 23 : i32
        %shift_left3A_1471 = vector.broadcast %shift_left3A : i32 to vector<16xi32>
        %shift_left3A_1472 = arith.shli %add3A_1470, %shift_left3A_1471 : vector<16xi32>
        %bitcast_convert_type3A_1473 = tpu.bitcast %shift_left3A_1472 : vector<16xi32> -> vector<16xf32>
        %mul3A_1474 = arith.mulf %add3A_1466, %bitcast_convert_type3A_1473 : vector<16xf32>
        %add3A_1475 = arith.constant 16 : i32
        %add3A_1476 = arith.addi %add3A_1421, %add3A_1475 : i32
        %get3A_1477 = arith.index_cast %add3A_1476 : i32 to index
        %get3A_1478 = tpu.vector_load %arg11[%get3A_1477] {strides = array<i32>} : memref<6144xf32, #tpu.memory_space<vmem>>, vector<16xf32>,
        %sub3A_1479 = vector.broadcast %reduce_max3A_628 : f32 to vector<16xf32>
        %sub3A_1480 = arith.subf %get3A_1478, %sub3A_1479 : vector<16xf32>
        %max3A_1481 = arith.constant -8.700000e+01 : f32
        %max3A_1482 = vector.broadcast %max3A_1481 : f32 to vector<16xf32>
        %max3A_1483 = arith.maximumf %sub3A_1480, %max3A_1482 : vector<16xf32>
        %mul3A_1484 = arith.constant 1.44269502 : f32
        %mul3A_1485 = vector.broadcast %mul3A_1484 : f32 to vector<16xf32>
        %mul3A_1486 = arith.mulf %max3A_1483, %mul3A_1485 : vector<16xf32>
        %add3A_1487 = arith.constant 0x4B400000 : f32
        %add3A_1488 = vector.broadcast %add3A_1487 : f32 to vector<16xf32>
        %add3A_1489 = arith.addf %mul3A_1486, %add3A_1488 : vector<16xf32>
        %sub3A_1490 = arith.constant 0x4B400000 : f32
        %sub3A_1491 = vector.broadcast %sub3A_1490 : f32 to vector<16xf32>
        %sub3A_1492 = arith.subf %add3A_1489, %sub3A_1491 : vector<16xf32>
        %sub3A_1493 = arith.subf %mul3A_1486, %sub3A_1492 : vector<16xf32>
        %mul3A_1494 = arith.constant 0.693147182 : f32
        %mul3A_1495 = vector.broadcast %mul3A_1494 : f32 to vector<16xf32>
        %mul3A_1496 = arith.mulf %sub3A_1493, %mul3A_1495 : vector<16xf32>
        %mul3A_1497 = arith.constant 0.00138888892 : f32
        %mul3A_1498 = vector.broadcast %mul3A_1497 : f32 to vector<16xf32>
        %mul3A_1499 = arith.mulf %mul3A_1496, %mul3A_1498 : vector<16xf32>
        %add3A_1500 = arith.constant 0.00833333377 : f32
        %add3A_1501 = vector.broadcast %add3A_1500 : f32 to vector<16xf32>
        %add3A_1502 = arith.addf %add3A_1501, %mul3A_1499 : vector<16xf32>
        %mul3A_1503 = arith.mulf %mul3A_1496, %add3A_1502 : vector<16xf32>
        %add3A_1504 = arith.constant 0.0416666679 : f32
        %add3A_1505 = vector.broadcast %add3A_1504 : f32 to vector<16xf32>
        %add3A_1506 = arith.addf %add3A_1505, %mul3A_1503 : vector<16xf32>
        %mul3A_1507 = arith.mulf %mul3A_1496, %add3A_1506 : vector<16xf32>
        %add3A_1508 = arith.constant 0.166666672 : f32
        %add3A_1509 = vector.broadcast %add3A_1508 : f32 to vector<16xf32>
        %add3A_1510 = arith.addf %add3A_1509, %mul3A_1507 : vector<16xf32>
        %mul3A_1511 = arith.mulf %mul3A_1496, %add3A_1510 : vector<16xf32>
        %add3A_1512 = arith.constant 5.000000e-01 : f32
        %add3A_1513 = vector.broadcast %add3A_1512 : f32 to vector<16xf32>
        %add3A_1514 = arith.addf %add3A_1513, %mul3A_1511 : vector<16xf32>
        %mul3A_1515 = arith.mulf %mul3A_1496, %add3A_1514 : vector<16xf32>
        %add3A_1516 = arith.constant 1.000000e+00 : f32
        %add3A_1517 = vector.broadcast %add3A_1516 : f32 to vector<16xf32>
        %add3A_1518 = arith.addf %add3A_1517, %mul3A_1515 : vector<16xf32>
        %mul3A_1519 = arith.mulf %mul3A_1496, %add3A_1518 : vector<16xf32>
        %add3A_1520 = arith.constant 1.000000e+00 : f32
        %add3A_1521 = vector.broadcast %add3A_1520 : f32 to vector<16xf32>
        %add3A_1522 = arith.addf %add3A_1521, %mul3A_1519 : vector<16xf32>
        %convert_element_type3A_1523 = arith.fptosi %sub3A_1492 : vector<16xf32> to vector<16xi32>
        %add3A_1524 = arith.constant 127 : i32
        %add3A_1525 = vector.broadcast %add3A_1524 : i32 to vector<16xi32>
        %add3A_1526 = arith.addi %convert_element_type3A_1523, %add3A_1525 : vector<16xi32>
        %shift_left3A_1527 = arith.constant 23 : i32
        %shift_left3A_1528 = vector.broadcast %shift_left3A_1527 : i32 to vector<16xi32>
        %shift_left3A_1529 = arith.shli %add3A_1526, %shift_left3A_1528 : vector<16xi32>
        %bitcast_convert_type3A_1530 = tpu.bitcast %shift_left3A_1529 : vector<16xi32> -> vector<16xf32>
        %mul3A_1531 = arith.mulf %add3A_1522, %bitcast_convert_type3A_1530 : vector<16xf32>
        %add3A_1532 = arith.constant 32 : i32
        %add3A_1533 = arith.addi %add3A_1421, %add3A_1532 : i32
        %get3A_1534 = arith.index_cast %add3A_1533 : i32 to index
        %get3A_1535 = tpu.vector_load %arg11[%get3A_1534] {strides = array<i32>} : memref<6144xf32, #tpu.memory_space<vmem>>, vector<16xf32>,
        %sub3A_1536 = vector.broadcast %reduce_max3A_628 : f32 to vector<16xf32>
        %sub3A_1537 = arith.subf %get3A_1535, %sub3A_1536 : vector<16xf32>
        %max3A_1538 = arith.constant -8.700000e+01 : f32
        %max3A_1539 = vector.broadcast %max3A_1538 : f32 to vector<16xf32>
        %max3A_1540 = arith.maximumf %sub3A_1537, %max3A_1539 : vector<16xf32>
        %mul3A_1541 = arith.constant 1.44269502 : f32
        %mul3A_1542 = vector.broadcast %mul3A_1541 : f32 to vector<16xf32>
        %mul3A_1543 = arith.mulf %max3A_1540, %mul3A_1542 : vector<16xf32>
        %add3A_1544 = arith.constant 0x4B400000 : f32
        %add3A_1545 = vector.broadcast %add3A_1544 : f32 to vector<16xf32>
        %add3A_1546 = arith.addf %mul3A_1543, %add3A_1545 : vector<16xf32>
        %sub3A_1547 = arith.constant 0x4B400000 : f32
        %sub3A_1548 = vector.broadcast %sub3A_1547 : f32 to vector<16xf32>
        %sub3A_1549 = arith.subf %add3A_1546, %sub3A_1548 : vector<16xf32>
        %sub3A_1550 = arith.subf %mul3A_1543, %sub3A_1549 : vector<16xf32>
        %mul3A_1551 = arith.constant 0.693147182 : f32
        %mul3A_1552 = vector.broadcast %mul3A_1551 : f32 to vector<16xf32>
        %mul3A_1553 = arith.mulf %sub3A_1550, %mul3A_1552 : vector<16xf32>
        %mul3A_1554 = arith.constant 0.00138888892 : f32
        %mul3A_1555 = vector.broadcast %mul3A_1554 : f32 to vector<16xf32>
        %mul3A_1556 = arith.mulf %mul3A_1553, %mul3A_1555 : vector<16xf32>
        %add3A_1557 = arith.constant 0.00833333377 : f32
        %add3A_1558 = vector.broadcast %add3A_1557 : f32 to vector<16xf32>
        %add3A_1559 = arith.addf %add3A_1558, %mul3A_1556 : vector<16xf32>
        %mul3A_1560 = arith.mulf %mul3A_1553, %add3A_1559 : vector<16xf32>
        %add3A_1561 = arith.constant 0.0416666679 : f32
        %add3A_1562 = vector.broadcast %add3A_1561 : f32 to vector<16xf32>
        %add3A_1563 = arith.addf %add3A_1562, %mul3A_1560 : vector<16xf32>
        %mul3A_1564 = arith.mulf %mul3A_1553, %add3A_1563 : vector<16xf32>
        %add3A_1565 = arith.constant 0.166666672 : f32
        %add3A_1566 = vector.broadcast %add3A_1565 : f32 to vector<16xf32>
        %add3A_1567 = arith.addf %add3A_1566, %mul3A_1564 : vector<16xf32>
        %mul3A_1568 = arith.mulf %mul3A_1553, %add3A_1567 : vector<16xf32>
        %add3A_1569 = arith.constant 5.000000e-01 : f32
        %add3A_1570 = vector.broadcast %add3A_1569 : f32 to vector<16xf32>
        %add3A_1571 = arith.addf %add3A_1570, %mul3A_1568 : vector<16xf32>
        %mul3A_1572 = arith.mulf %mul3A_1553, %add3A_1571 : vector<16xf32>
        %add3A_1573 = arith.constant 1.000000e+00 : f32
        %add3A_1574 = vector.broadcast %add3A_1573 : f32 to vector<16xf32>
        %add3A_1575 = arith.addf %add3A_1574, %mul3A_1572 : vector<16xf32>
        %mul3A_1576 = arith.mulf %mul3A_1553, %add3A_1575 : vector<16xf32>
        %add3A_1577 = arith.constant 1.000000e+00 : f32
        %add3A_1578 = vector.broadcast %add3A_1577 : f32 to vector<16xf32>
        %add3A_1579 = arith.addf %add3A_1578, %mul3A_1576 : vector<16xf32>
        %convert_element_type3A_1580 = arith.fptosi %sub3A_1549 : vector<16xf32> to vector<16xi32>
        %add3A_1581 = arith.constant 127 : i32
        %add3A_1582 = vector.broadcast %add3A_1581 : i32 to vector<16xi32>
        %add3A_1583 = arith.addi %convert_element_type3A_1580, %add3A_1582 : vector<16xi32>
        %shift_left3A_1584 = arith.constant 23 : i32
        %shift_left3A_1585 = vector.broadcast %shift_left3A_1584 : i32 to vector<16xi32>
        %shift_left3A_1586 = arith.shli %add3A_1583, %shift_left3A_1585 : vector<16xi32>
        %bitcast_convert_type3A_1587 = tpu.bitcast %shift_left3A_1586 : vector<16xi32> -> vector<16xf32>
        %mul3A_1588 = arith.mulf %add3A_1579, %bitcast_convert_type3A_1587 : vector<16xf32>
        %add3A_1589 = arith.constant 48 : i32
        %add3A_1590 = arith.addi %add3A_1421, %add3A_1589 : i32
        %get3A_1591 = arith.index_cast %add3A_1590 : i32 to index
        %get3A_1592 = tpu.vector_load %arg11[%get3A_1591] {strides = array<i32>} : memref<6144xf32, #tpu.memory_space<vmem>>, vector<16xf32>,
        %sub3A_1593 = vector.broadcast %reduce_max3A_628 : f32 to vector<16xf32>
        %sub3A_1594 = arith.subf %get3A_1592, %sub3A_1593 : vector<16xf32>
        %max3A_1595 = arith.constant -8.700000e+01 : f32
        %max3A_1596 = vector.broadcast %max3A_1595 : f32 to vector<16xf32>
        %max3A_1597 = arith.maximumf %sub3A_1594, %max3A_1596 : vector<16xf32>
        %mul3A_1598 = arith.constant 1.44269502 : f32
        %mul3A_1599 = vector.broadcast %mul3A_1598 : f32 to vector<16xf32>
        %mul3A_1600 = arith.mulf %max3A_1597, %mul3A_1599 : vector<16xf32>
        %add3A_1601 = arith.constant 0x4B400000 : f32
        %add3A_1602 = vector.broadcast %add3A_1601 : f32 to vector<16xf32>
        %add3A_1603 = arith.addf %mul3A_1600, %add3A_1602 : vector<16xf32>
        %sub3A_1604 = arith.constant 0x4B400000 : f32
        %sub3A_1605 = vector.broadcast %sub3A_1604 : f32 to vector<16xf32>
        %sub3A_1606 = arith.subf %add3A_1603, %sub3A_1605 : vector<16xf32>
        %sub3A_1607 = arith.subf %mul3A_1600, %sub3A_1606 : vector<16xf32>
        %mul3A_1608 = arith.constant 0.693147182 : f32
        %mul3A_1609 = vector.broadcast %mul3A_1608 : f32 to vector<16xf32>
        %mul3A_1610 = arith.mulf %sub3A_1607, %mul3A_1609 : vector<16xf32>
        %mul3A_1611 = arith.constant 0.00138888892 : f32
        %mul3A_1612 = vector.broadcast %mul3A_1611 : f32 to vector<16xf32>
        %mul3A_1613 = arith.mulf %mul3A_1610, %mul3A_1612 : vector<16xf32>
        %add3A_1614 = arith.constant 0.00833333377 : f32
        %add3A_1615 = vector.broadcast %add3A_1614 : f32 to vector<16xf32>
        %add3A_1616 = arith.addf %add3A_1615, %mul3A_1613 : vector<16xf32>
        %mul3A_1617 = arith.mulf %mul3A_1610, %add3A_1616 : vector<16xf32>
        %add3A_1618 = arith.constant 0.0416666679 : f32
        %add3A_1619 = vector.broadcast %add3A_1618 : f32 to vector<16xf32>
        %add3A_1620 = arith.addf %add3A_1619, %mul3A_1617 : vector<16xf32>
        %mul3A_1621 = arith.mulf %mul3A_1610, %add3A_1620 : vector<16xf32>
        %add3A_1622 = arith.constant 0.166666672 : f32
        %add3A_1623 = vector.broadcast %add3A_1622 : f32 to vector<16xf32>
        %add3A_1624 = arith.addf %add3A_1623, %mul3A_1621 : vector<16xf32>
        %mul3A_1625 = arith.mulf %mul3A_1610, %add3A_1624 : vector<16xf32>
        %add3A_1626 = arith.constant 5.000000e-01 : f32
        %add3A_1627 = vector.broadcast %add3A_1626 : f32 to vector<16xf32>
        %add3A_1628 = arith.addf %add3A_1627, %mul3A_1625 : vector<16xf32>
        %mul3A_1629 = arith.mulf %mul3A_1610, %add3A_1628 : vector<16xf32>
        %add3A_1630 = arith.constant 1.000000e+00 : f32
        %add3A_1631 = vector.broadcast %add3A_1630 : f32 to vector<16xf32>
        %add3A_1632 = arith.addf %add3A_1631, %mul3A_1629 : vector<16xf32>
        %mul3A_1633 = arith.mulf %mul3A_1610, %add3A_1632 : vector<16xf32>
        %add3A_1634 = arith.constant 1.000000e+00 : f32
        %add3A_1635 = vector.broadcast %add3A_1634 : f32 to vector<16xf32>
        %add3A_1636 = arith.addf %add3A_1635, %mul3A_1633 : vector<16xf32>
        %convert_element_type3A_1637 = arith.fptosi %sub3A_1606 : vector<16xf32> to vector<16xi32>
        %add3A_1638 = arith.constant 127 : i32
        %add3A_1639 = vector.broadcast %add3A_1638 : i32 to vector<16xi32>
        %add3A_1640 = arith.addi %convert_element_type3A_1637, %add3A_1639 : vector<16xi32>
        %shift_left3A_1641 = arith.constant 23 : i32
        %shift_left3A_1642 = vector.broadcast %shift_left3A_1641 : i32 to vector<16xi32>
        %shift_left3A_1643 = arith.shli %add3A_1640, %shift_left3A_1642 : vector<16xi32>
        %bitcast_convert_type3A_1644 = tpu.bitcast %shift_left3A_1643 : vector<16xi32> -> vector<16xf32>
        %mul3A_1645 = arith.mulf %add3A_1636, %bitcast_convert_type3A_1644 : vector<16xf32>
        %add3A_1646 = arith.addf %mul3A_1474, %mul3A_1531 : vector<16xf32>
        %add3A_1647 = arith.addf %mul3A_1588, %mul3A_1645 : vector<16xf32>
        %add3A_1648 = arith.addf %add3A_1646, %add3A_1647 : vector<16xf32>
        %add3A_1649 = arith.addf %scan3A_1416, %add3A_1648 : vector<16xf32>
        %scan3A_1650 = arith.constant 0 : i32
        %scan3A_1651 = arith.constant 0 : i32
        %scan3A_1652 = arith.constant 64 : i32
        %scan3A_1653 = arith.addi %scan3A_1651, %scan3A_1652 : i32
        %scan3A_1654 = arith.constant 1 : i32
        scf.for %scan3A_1656 = %scan3A_1651 to %scan3A_1653 step %scan3A_1654  : i32 {
          %mul3A_1657 = arith.constant 16 : i32
          %mul3A_1658 = arith.muli %scan3A_1656, %mul3A_1657 : i32
          %get3A_1659 = arith.index_cast %mul3A_1658 : i32 to index
          %get3A_1660 = tpu.vector_load %arg16[%get3A_1659] {strides = array<i32>} : memref<1024xf32, #tpu.memory_space<vmem>>, vector<16xf32>,
          %get3A_1661 = arith.index_cast %scan3A_1656 : i32 to index
          %get3A_1662 = arith.index_cast %mul3A_1418 : i32 to index
          %get3A_1663 = tpu.vector_load %arg9[%get3A_1661, %get3A_1662] {strides = array<i32>} : memref<64x512xf32, #tpu.memory_space<vmem>>, vector<16xf32>,
          %mul3A_1664 = arith.mulf %mul3A_1474, %get3A_1663 : vector<16xf32>
          %add3A_1665 = arith.addf %get3A_1660, %mul3A_1664 : vector<16xf32>
          %add3A_1666 = arith.constant 16 : i32
          %add3A_1667 = arith.addi %mul3A_1418, %add3A_1666 : i32
          %get3A_1668 = arith.index_cast %scan3A_1656 : i32 to index
          %get3A_1669 = arith.index_cast %add3A_1667 : i32 to index
          %get3A_1670 = tpu.vector_load %arg9[%get3A_1668, %get3A_1669] {strides = array<i32>} : memref<64x512xf32, #tpu.memory_space<vmem>>, vector<16xf32>,
          %mul3A_1671 = arith.mulf %mul3A_1531, %get3A_1670 : vector<16xf32>
          %add3A_1672 = arith.addf %add3A_1665, %mul3A_1671 : vector<16xf32>
          %add3A_1673 = arith.constant 32 : i32
          %add3A_1674 = arith.addi %mul3A_1418, %add3A_1673 : i32
          %get3A_1675 = arith.index_cast %scan3A_1656 : i32 to index
          %get3A_1676 = arith.index_cast %add3A_1674 : i32 to index
          %get3A_1677 = tpu.vector_load %arg9[%get3A_1675, %get3A_1676] {strides = array<i32>} : memref<64x512xf32, #tpu.memory_space<vmem>>, vector<16xf32>,
          %mul3A_1678 = arith.mulf %mul3A_1588, %get3A_1677 : vector<16xf32>
          %add3A_1679 = arith.addf %add3A_1672, %mul3A_1678 : vector<16xf32>
          %add3A_1680 = arith.constant 48 : i32
          %add3A_1681 = arith.addi %mul3A_1418, %add3A_1680 : i32
          %get3A_1682 = arith.index_cast %scan3A_1656 : i32 to index
          %get3A_1683 = arith.index_cast %add3A_1681 : i32 to index
          %get3A_1684 = tpu.vector_load %arg9[%get3A_1682, %get3A_1683] {strides = array<i32>} : memref<64x512xf32, #tpu.memory_space<vmem>>, vector<16xf32>,
          %mul3A_1685 = arith.mulf %mul3A_1645, %get3A_1684 : vector<16xf32>
          %add3A_1686 = arith.addf %add3A_1679, %mul3A_1685 : vector<16xf32>
          %mul3A_1687 = arith.constant 16 : i32
          %mul3A_1688 = arith.muli %scan3A_1656, %mul3A_1687 : i32
          %swap3A_1689 = arith.index_cast %mul3A_1688 : i32 to index
          %swap3A_1690 = tpu.vector_load %arg16[%swap3A_1689] {strides = array<i32>} : memref<1024xf32, #tpu.memory_space<vmem>>, vector<16xf32>,
          tpu.vector_store %arg16[%swap3A_1689], %add3A_1686 {strides = array<i32>} : memref<1024xf32, #tpu.memory_space<vmem>>, vector<16xf32>,
        }
        %scan3A_1655 = arith.constant 64 : i32
        scf.yield %add3A_1649 : vector<16xf32>
      }
      %scan3A_1392 = arith.constant 8 : i32
      %add3A_1393 = arith.constant 1 : i32
      %add3A_1394 = arith.addi %mul3A_1367, %add3A_1393 : i32
      %mul3A_1395 = arith.constant 512 : i32
      %mul3A_1396 = arith.muli %add3A_1394, %mul3A_1395 : i32
      %add3A_1397 = arith.addi %add3A_34, %mul3A_1396 : i32
      %dma_wait3A_1398 = arith.constant 0 : i32
      %dma_wait3A_1399 = tpu.memref_slice %arg4[%select_n3A, %dma_wait3A_1398, %add3A_1397] : memref<8x64x65536xf32, #tpu.memory_space<hbm>> -> memref<1x64x512xf32, #tpu.memory_space<hbm>>
      %dma_wait3A_1400 = tpu.memref_squeeze %dma_wait3A_1399 : memref<1x64x512xf32, #tpu.memory_space<hbm>> -> memref<64x512xf32, #tpu.memory_space<hbm>>
      %dma_wait3A_1401 = arith.constant 0 : i32
      %dma_wait3A_1402 = tpu.memref_slice %arg4[%select_n3A, %dma_wait3A_1401, %add3A_1397] : memref<8x64x65536xf32, #tpu.memory_space<hbm>> -> memref<1x64x512xf32, #tpu.memory_space<hbm>>
      %dma_wait3A_1403 = tpu.memref_squeeze %dma_wait3A_1402 : memref<1x64x512xf32, #tpu.memory_space<hbm>> -> memref<64x512xf32, #tpu.memory_space<hbm>>
      tpu.wait_dma2 semaphore(%arg20 : memref<!tpu.dma_semaphore, #tpu.memory_space<semaphore_mem>>) src(%dma_wait3A_1403 : memref<64x512xf32, #tpu.memory_space<hbm>>) dst(%arg10 : memref<64x512xf32, #tpu.memory_space<vmem>>)
      %lt3A_1404 = arith.constant 5 : i32
      %lt3A_1405 = arith.cmpi slt, %scan3A_1364, %lt3A_1404 : i32
      %convert_element_type3A = arith.extui %lt3A_1405 : i1 to i32
      %cond3A = arith.constant 0 : i32
      %cond3A_1406 = arith.cmpi ne, %convert_element_type3A, %cond3A : i32
      scf.if %cond3A_1406 {
        %add3A_1415 = arith.constant 2 : i32
        %add3A_1416 = arith.addi %mul3A_1367, %add3A_1415 : i32
        %mul3A_1417 = arith.constant 512 : i32
        %mul3A_1418 = arith.muli %add3A_1416, %mul3A_1417 : i32
        %add3A_1419 = arith.addi %add3A_34, %mul3A_1418 : i32
        %dma_start3A_1420 = arith.constant 0 : i32
        %dma_start3A_1421 = tpu.memref_slice %arg4[%select_n3A, %dma_start3A_1420, %add3A_1419] : memref<8x64x65536xf32, #tpu.memory_space<hbm>> -> memref<1x64x512xf32, #tpu.memory_space<hbm>>
        %dma_start3A_1422 = tpu.memref_squeeze %dma_start3A_1421 : memref<1x64x512xf32, #tpu.memory_space<hbm>> -> memref<64x512xf32, #tpu.memory_space<hbm>>
        %dma_start3A_1423 = arith.constant 0 : i32
        %dma_start3A_1424 = tpu.memref_slice %arg4[%select_n3A, %dma_start3A_1423, %add3A_1419] : memref<8x64x65536xf32, #tpu.memory_space<hbm>> -> memref<1x64x512xf32, #tpu.memory_space<hbm>>
        %dma_start3A_1425 = tpu.memref_squeeze %dma_start3A_1424 : memref<1x64x512xf32, #tpu.memory_space<hbm>> -> memref<64x512xf32, #tpu.memory_space<hbm>>
        tpu.enqueue_dma source(%dma_start3A_1425 : memref<64x512xf32, #tpu.memory_space<hbm>>) target(%arg9 : memref<64x512xf32, #tpu.memory_space<vmem>>) target_semaphore(%arg19 : memref<!tpu.dma_semaphore, #tpu.memory_space<semaphore_mem>>)
      } else {
      }
      %add3A_1407 = arith.constant 1 : i32
      %add3A_1408 = arith.addi %mul3A_1367, %add3A_1407 : i32
      %scan3A_1409 = arith.constant 0 : i32
      %scan3A_1410 = arith.constant 8 : i32
      %scan3A_1411 = arith.addi %scan3A_1409, %scan3A_1410 : i32
      %scan3A_1412 = arith.constant 1 : i32
      %scan3A_1413 = scf.for %scan3A_1415 = %scan3A_1409 to %scan3A_1411 step %scan3A_1412 iter_args(%scan3A_1416 = %scan3A_1391) -> (vector<16xf32>)  : i32 {
        %mul3A_1417 = arith.constant 64 : i32
        %mul3A_1418 = arith.muli %scan3A_1415, %mul3A_1417 : i32
        %mul3A_1419 = arith.constant 512 : i32
        %mul3A_1420 = arith.muli %add3A_1408, %mul3A_1419 : i32
        %add3A_1421 = arith.addi %mul3A_1420, %mul3A_1418 : i32
        %get3A_1422 = arith.index_cast %add3A_1421 : i32 to index
        %get3A_1423 = tpu.vector_load %arg11[%get3A_1422] {strides = array<i32>} : memref<6144xf32, #tpu.memory_space<vmem>>, vector<16xf32>,
        %sub3A_1424 = vector.broadcast %reduce_max3A_628 : f32 to vector<16xf32>
        %sub3A_1425 = arith.subf %get3A_1423, %sub3A_1424 : vector<16xf32>
        %max3A = arith.constant -8.700000e+01 : f32
        %max3A_1426 = vector.broadcast %max3A : f32 to vector<16xf32>
        %max3A_1427 = arith.maximumf %sub3A_1425, %max3A_1426 : vector<16xf32>
        %mul3A_1428 = arith.constant 1.44269502 : f32
        %mul3A_1429 = vector.broadcast %mul3A_1428 : f32 to vector<16xf32>
        %mul3A_1430 = arith.mulf %max3A_1427, %mul3A_1429 : vector<16xf32>
        %add3A_1431 = arith.constant 0x4B400000 : f32
        %add3A_1432 = vector.broadcast %add3A_1431 : f32 to vector<16xf32>
        %add3A_1433 = arith.addf %mul3A_1430, %add3A_1432 : vector<16xf32>
        %sub3A_1434 = arith.constant 0x4B400000 : f32
        %sub3A_1435 = vector.broadcast %sub3A_1434 : f32 to vector<16xf32>
        %sub3A_1436 = arith.subf %add3A_1433, %sub3A_1435 : vector<16xf32>
        %sub3A_1437 = arith.subf %mul3A_1430, %sub3A_1436 : vector<16xf32>
        %mul3A_1438 = arith.constant 0.693147182 : f32
        %mul3A_1439 = vector.broadcast %mul3A_1438 : f32 to vector<16xf32>
        %mul3A_1440 = arith.mulf %sub3A_1437, %mul3A_1439 : vector<16xf32>
        %mul3A_1441 = arith.constant 0.00138888892 : f32
        %mul3A_1442 = vector.broadcast %mul3A_1441 : f32 to vector<16xf32>
        %mul3A_1443 = arith.mulf %mul3A_1440, %mul3A_1442 : vector<16xf32>
        %add3A_1444 = arith.constant 0.00833333377 : f32
        %add3A_1445 = vector.broadcast %add3A_1444 : f32 to vector<16xf32>
        %add3A_1446 = arith.addf %add3A_1445, %mul3A_1443 : vector<16xf32>
        %mul3A_1447 = arith.mulf %mul3A_1440, %add3A_1446 : vector<16xf32>
        %add3A_1448 = arith.constant 0.0416666679 : f32
        %add3A_1449 = vector.broadcast %add3A_1448 : f32 to vector<16xf32>
        %add3A_1450 = arith.addf %add3A_1449, %mul3A_1447 : vector<16xf32>
        %mul3A_1451 = arith.mulf %mul3A_1440, %add3A_1450 : vector<16xf32>
        %add3A_1452 = arith.constant 0.166666672 : f32
        %add3A_1453 = vector.broadcast %add3A_1452 : f32 to vector<16xf32>
        %add3A_1454 = arith.addf %add3A_1453, %mul3A_1451 : vector<16xf32>
        %mul3A_1455 = arith.mulf %mul3A_1440, %add3A_1454 : vector<16xf32>
        %add3A_1456 = arith.constant 5.000000e-01 : f32
        %add3A_1457 = vector.broadcast %add3A_1456 : f32 to vector<16xf32>
        %add3A_1458 = arith.addf %add3A_1457, %mul3A_1455 : vector<16xf32>
        %mul3A_1459 = arith.mulf %mul3A_1440, %add3A_1458 : vector<16xf32>
        %add3A_1460 = arith.constant 1.000000e+00 : f32
        %add3A_1461 = vector.broadcast %add3A_1460 : f32 to vector<16xf32>
        %add3A_1462 = arith.addf %add3A_1461, %mul3A_1459 : vector<16xf32>
        %mul3A_1463 = arith.mulf %mul3A_1440, %add3A_1462 : vector<16xf32>
        %add3A_1464 = arith.constant 1.000000e+00 : f32
        %add3A_1465 = vector.broadcast %add3A_1464 : f32 to vector<16xf32>
        %add3A_1466 = arith.addf %add3A_1465, %mul3A_1463 : vector<16xf32>
        %convert_element_type3A_1467 = arith.fptosi %sub3A_1436 : vector<16xf32> to vector<16xi32>
        %add3A_1468 = arith.constant 127 : i32
        %add3A_1469 = vector.broadcast %add3A_1468 : i32 to vector<16xi32>
        %add3A_1470 = arith.addi %convert_element_type3A_1467, %add3A_1469 : vector<16xi32>
        %shift_left3A = arith.constant 23 : i32
        %shift_left3A_1471 = vector.broadcast %shift_left3A : i32 to vector<16xi32>
        %shift_left3A_1472 = arith.shli %add3A_1470, %shift_left3A_1471 : vector<16xi32>
        %bitcast_convert_type3A_1473 = tpu.bitcast %shift_left3A_1472 : vector<16xi32> -> vector<16xf32>
        %mul3A_1474 = arith.mulf %add3A_1466, %bitcast_convert_type3A_1473 : vector<16xf32>
        %add3A_1475 = arith.constant 16 : i32
        %add3A_1476 = arith.addi %add3A_1421, %add3A_1475 : i32
        %get3A_1477 = arith.index_cast %add3A_1476 : i32 to index
        %get3A_1478 = tpu.vector_load %arg11[%get3A_1477] {strides = array<i32>} : memref<6144xf32, #tpu.memory_space<vmem>>, vector<16xf32>,
        %sub3A_1479 = vector.broadcast %reduce_max3A_628 : f32 to vector<16xf32>
        %sub3A_1480 = arith.subf %get3A_1478, %sub3A_1479 : vector<16xf32>
        %max3A_1481 = arith.constant -8.700000e+01 : f32
        %max3A_1482 = vector.broadcast %max3A_1481 : f32 to vector<16xf32>
        %max3A_1483 = arith.maximumf %sub3A_1480, %max3A_1482 : vector<16xf32>
        %mul3A_1484 = arith.constant 1.44269502 : f32
        %mul3A_1485 = vector.broadcast %mul3A_1484 : f32 to vector<16xf32>
        %mul3A_1486 = arith.mulf %max3A_1483, %mul3A_1485 : vector<16xf32>
        %add3A_1487 = arith.constant 0x4B400000 : f32
        %add3A_1488 = vector.broadcast %add3A_1487 : f32 to vector<16xf32>
        %add3A_1489 = arith.addf %mul3A_1486, %add3A_1488 : vector<16xf32>
        %sub3A_1490 = arith.constant 0x4B400000 : f32
        %sub3A_1491 = vector.broadcast %sub3A_1490 : f32 to vector<16xf32>
        %sub3A_1492 = arith.subf %add3A_1489, %sub3A_1491 : vector<16xf32>
        %sub3A_1493 = arith.subf %mul3A_1486, %sub3A_1492 : vector<16xf32>
        %mul3A_1494 = arith.constant 0.693147182 : f32
        %mul3A_1495 = vector.broadcast %mul3A_1494 : f32 to vector<16xf32>
        %mul3A_1496 = arith.mulf %sub3A_1493, %mul3A_1495 : vector<16xf32>
        %mul3A_1497 = arith.constant 0.00138888892 : f32
        %mul3A_1498 = vector.broadcast %mul3A_1497 : f32 to vector<16xf32>
        %mul3A_1499 = arith.mulf %mul3A_1496, %mul3A_1498 : vector<16xf32>
        %add3A_1500 = arith.constant 0.00833333377 : f32
        %add3A_1501 = vector.broadcast %add3A_1500 : f32 to vector<16xf32>
        %add3A_1502 = arith.addf %add3A_1501, %mul3A_1499 : vector<16xf32>
        %mul3A_1503 = arith.mulf %mul3A_1496, %add3A_1502 : vector<16xf32>
        %add3A_1504 = arith.constant 0.0416666679 : f32
        %add3A_1505 = vector.broadcast %add3A_1504 : f32 to vector<16xf32>
        %add3A_1506 = arith.addf %add3A_1505, %mul3A_1503 : vector<16xf32>
        %mul3A_1507 = arith.mulf %mul3A_1496, %add3A_1506 : vector<16xf32>
        %add3A_1508 = arith.constant 0.166666672 : f32
        %add3A_1509 = vector.broadcast %add3A_1508 : f32 to vector<16xf32>
        %add3A_1510 = arith.addf %add3A_1509, %mul3A_1507 : vector<16xf32>
        %mul3A_1511 = arith.mulf %mul3A_1496, %add3A_1510 : vector<16xf32>
        %add3A_1512 = arith.constant 5.000000e-01 : f32
        %add3A_1513 = vector.broadcast %add3A_1512 : f32 to vector<16xf32>
        %add3A_1514 = arith.addf %add3A_1513, %mul3A_1511 : vector<16xf32>
        %mul3A_1515 = arith.mulf %mul3A_1496, %add3A_1514 : vector<16xf32>
        %add3A_1516 = arith.constant 1.000000e+00 : f32
        %add3A_1517 = vector.broadcast %add3A_1516 : f32 to vector<16xf32>
        %add3A_1518 = arith.addf %add3A_1517, %mul3A_1515 : vector<16xf32>
        %mul3A_1519 = arith.mulf %mul3A_1496, %add3A_1518 : vector<16xf32>
        %add3A_1520 = arith.constant 1.000000e+00 : f32
        %add3A_1521 = vector.broadcast %add3A_1520 : f32 to vector<16xf32>
        %add3A_1522 = arith.addf %add3A_1521, %mul3A_1519 : vector<16xf32>
        %convert_element_type3A_1523 = arith.fptosi %sub3A_1492 : vector<16xf32> to vector<16xi32>
        %add3A_1524 = arith.constant 127 : i32
        %add3A_1525 = vector.broadcast %add3A_1524 : i32 to vector<16xi32>
        %add3A_1526 = arith.addi %convert_element_type3A_1523, %add3A_1525 : vector<16xi32>
        %shift_left3A_1527 = arith.constant 23 : i32
        %shift_left3A_1528 = vector.broadcast %shift_left3A_1527 : i32 to vector<16xi32>
        %shift_left3A_1529 = arith.shli %add3A_1526, %shift_left3A_1528 : vector<16xi32>
        %bitcast_convert_type3A_1530 = tpu.bitcast %shift_left3A_1529 : vector<16xi32> -> vector<16xf32>
        %mul3A_1531 = arith.mulf %add3A_1522, %bitcast_convert_type3A_1530 : vector<16xf32>
        %add3A_1532 = arith.constant 32 : i32
        %add3A_1533 = arith.addi %add3A_1421, %add3A_1532 : i32
        %get3A_1534 = arith.index_cast %add3A_1533 : i32 to index
        %get3A_1535 = tpu.vector_load %arg11[%get3A_1534] {strides = array<i32>} : memref<6144xf32, #tpu.memory_space<vmem>>, vector<16xf32>,
        %sub3A_1536 = vector.broadcast %reduce_max3A_628 : f32 to vector<16xf32>
        %sub3A_1537 = arith.subf %get3A_1535, %sub3A_1536 : vector<16xf32>
        %max3A_1538 = arith.constant -8.700000e+01 : f32
        %max3A_1539 = vector.broadcast %max3A_1538 : f32 to vector<16xf32>
        %max3A_1540 = arith.maximumf %sub3A_1537, %max3A_1539 : vector<16xf32>
        %mul3A_1541 = arith.constant 1.44269502 : f32
        %mul3A_1542 = vector.broadcast %mul3A_1541 : f32 to vector<16xf32>
        %mul3A_1543 = arith.mulf %max3A_1540, %mul3A_1542 : vector<16xf32>
        %add3A_1544 = arith.constant 0x4B400000 : f32
        %add3A_1545 = vector.broadcast %add3A_1544 : f32 to vector<16xf32>
        %add3A_1546 = arith.addf %mul3A_1543, %add3A_1545 : vector<16xf32>
        %sub3A_1547 = arith.constant 0x4B400000 : f32
        %sub3A_1548 = vector.broadcast %sub3A_1547 : f32 to vector<16xf32>
        %sub3A_1549 = arith.subf %add3A_1546, %sub3A_1548 : vector<16xf32>
        %sub3A_1550 = arith.subf %mul3A_1543, %sub3A_1549 : vector<16xf32>
        %mul3A_1551 = arith.constant 0.693147182 : f32
        %mul3A_1552 = vector.broadcast %mul3A_1551 : f32 to vector<16xf32>
        %mul3A_1553 = arith.mulf %sub3A_1550, %mul3A_1552 : vector<16xf32>
        %mul3A_1554 = arith.constant 0.00138888892 : f32
        %mul3A_1555 = vector.broadcast %mul3A_1554 : f32 to vector<16xf32>
        %mul3A_1556 = arith.mulf %mul3A_1553, %mul3A_1555 : vector<16xf32>
        %add3A_1557 = arith.constant 0.00833333377 : f32
        %add3A_1558 = vector.broadcast %add3A_1557 : f32 to vector<16xf32>
        %add3A_1559 = arith.addf %add3A_1558, %mul3A_1556 : vector<16xf32>
        %mul3A_1560 = arith.mulf %mul3A_1553, %add3A_1559 : vector<16xf32>
        %add3A_1561 = arith.constant 0.0416666679 : f32
        %add3A_1562 = vector.broadcast %add3A_1561 : f32 to vector<16xf32>
        %add3A_1563 = arith.addf %add3A_1562, %mul3A_1560 : vector<16xf32>
        %mul3A_1564 = arith.mulf %mul3A_1553, %add3A_1563 : vector<16xf32>
        %add3A_1565 = arith.constant 0.166666672 : f32
        %add3A_1566 = vector.broadcast %add3A_1565 : f32 to vector<16xf32>
        %add3A_1567 = arith.addf %add3A_1566, %mul3A_1564 : vector<16xf32>
        %mul3A_1568 = arith.mulf %mul3A_1553, %add3A_1567 : vector<16xf32>
        %add3A_1569 = arith.constant 5.000000e-01 : f32
        %add3A_1570 = vector.broadcast %add3A_1569 : f32 to vector<16xf32>
        %add3A_1571 = arith.addf %add3A_1570, %mul3A_1568 : vector<16xf32>
        %mul3A_1572 = arith.mulf %mul3A_1553, %add3A_1571 : vector<16xf32>
        %add3A_1573 = arith.constant 1.000000e+00 : f32
        %add3A_1574 = vector.broadcast %add3A_1573 : f32 to vector<16xf32>
        %add3A_1575 = arith.addf %add3A_1574, %mul3A_1572 : vector<16xf32>
        %mul3A_1576 = arith.mulf %mul3A_1553, %add3A_1575 : vector<16xf32>
        %add3A_1577 = arith.constant 1.000000e+00 : f32
        %add3A_1578 = vector.broadcast %add3A_1577 : f32 to vector<16xf32>
        %add3A_1579 = arith.addf %add3A_1578, %mul3A_1576 : vector<16xf32>
        %convert_element_type3A_1580 = arith.fptosi %sub3A_1549 : vector<16xf32> to vector<16xi32>
        %add3A_1581 = arith.constant 127 : i32
        %add3A_1582 = vector.broadcast %add3A_1581 : i32 to vector<16xi32>
        %add3A_1583 = arith.addi %convert_element_type3A_1580, %add3A_1582 : vector<16xi32>
        %shift_left3A_1584 = arith.constant 23 : i32
        %shift_left3A_1585 = vector.broadcast %shift_left3A_1584 : i32 to vector<16xi32>
        %shift_left3A_1586 = arith.shli %add3A_1583, %shift_left3A_1585 : vector<16xi32>
        %bitcast_convert_type3A_1587 = tpu.bitcast %shift_left3A_1586 : vector<16xi32> -> vector<16xf32>
        %mul3A_1588 = arith.mulf %add3A_1579, %bitcast_convert_type3A_1587 : vector<16xf32>
        %add3A_1589 = arith.constant 48 : i32
        %add3A_1590 = arith.addi %add3A_1421, %add3A_1589 : i32
        %get3A_1591 = arith.index_cast %add3A_1590 : i32 to index
        %get3A_1592 = tpu.vector_load %arg11[%get3A_1591] {strides = array<i32>} : memref<6144xf32, #tpu.memory_space<vmem>>, vector<16xf32>,
        %sub3A_1593 = vector.broadcast %reduce_max3A_628 : f32 to vector<16xf32>
        %sub3A_1594 = arith.subf %get3A_1592, %sub3A_1593 : vector<16xf32>
        %max3A_1595 = arith.constant -8.700000e+01 : f32
        %max3A_1596 = vector.broadcast %max3A_1595 : f32 to vector<16xf32>
        %max3A_1597 = arith.maximumf %sub3A_1594, %max3A_1596 : vector<16xf32>
        %mul3A_1598 = arith.constant 1.44269502 : f32
        %mul3A_1599 = vector.broadcast %mul3A_1598 : f32 to vector<16xf32>
        %mul3A_1600 = arith.mulf %max3A_1597, %mul3A_1599 : vector<16xf32>
        %add3A_1601 = arith.constant 0x4B400000 : f32
        %add3A_1602 = vector.broadcast %add3A_1601 : f32 to vector<16xf32>
        %add3A_1603 = arith.addf %mul3A_1600, %add3A_1602 : vector<16xf32>
        %sub3A_1604 = arith.constant 0x4B400000 : f32
        %sub3A_1605 = vector.broadcast %sub3A_1604 : f32 to vector<16xf32>
        %sub3A_1606 = arith.subf %add3A_1603, %sub3A_1605 : vector<16xf32>
        %sub3A_1607 = arith.subf %mul3A_1600, %sub3A_1606 : vector<16xf32>
        %mul3A_1608 = arith.constant 0.693147182 : f32
        %mul3A_1609 = vector.broadcast %mul3A_1608 : f32 to vector<16xf32>
        %mul3A_1610 = arith.mulf %sub3A_1607, %mul3A_1609 : vector<16xf32>
        %mul3A_1611 = arith.constant 0.00138888892 : f32
        %mul3A_1612 = vector.broadcast %mul3A_1611 : f32 to vector<16xf32>
        %mul3A_1613 = arith.mulf %mul3A_1610, %mul3A_1612 : vector<16xf32>
        %add3A_1614 = arith.constant 0.00833333377 : f32
        %add3A_1615 = vector.broadcast %add3A_1614 : f32 to vector<16xf32>
        %add3A_1616 = arith.addf %add3A_1615, %mul3A_1613 : vector<16xf32>
        %mul3A_1617 = arith.mulf %mul3A_1610, %add3A_1616 : vector<16xf32>
        %add3A_1618 = arith.constant 0.0416666679 : f32
        %add3A_1619 = vector.broadcast %add3A_1618 : f32 to vector<16xf32>
        %add3A_1620 = arith.addf %add3A_1619, %mul3A_1617 : vector<16xf32>
        %mul3A_1621 = arith.mulf %mul3A_1610, %add3A_1620 : vector<16xf32>
        %add3A_1622 = arith.constant 0.166666672 : f32
        %add3A_1623 = vector.broadcast %add3A_1622 : f32 to vector<16xf32>
        %add3A_1624 = arith.addf %add3A_1623, %mul3A_1621 : vector<16xf32>
        %mul3A_1625 = arith.mulf %mul3A_1610, %add3A_1624 : vector<16xf32>
        %add3A_1626 = arith.constant 5.000000e-01 : f32
        %add3A_1627 = vector.broadcast %add3A_1626 : f32 to vector<16xf32>
        %add3A_1628 = arith.addf %add3A_1627, %mul3A_1625 : vector<16xf32>
        %mul3A_1629 = arith.mulf %mul3A_1610, %add3A_1628 : vector<16xf32>
        %add3A_1630 = arith.constant 1.000000e+00 : f32
        %add3A_1631 = vector.broadcast %add3A_1630 : f32 to vector<16xf32>
        %add3A_1632 = arith.addf %add3A_1631, %mul3A_1629 : vector<16xf32>
        %mul3A_1633 = arith.mulf %mul3A_1610, %add3A_1632 : vector<16xf32>
        %add3A_1634 = arith.constant 1.000000e+00 : f32
        %add3A_1635 = vector.broadcast %add3A_1634 : f32 to vector<16xf32>
        %add3A_1636 = arith.addf %add3A_1635, %mul3A_1633 : vector<16xf32>
        %convert_element_type3A_1637 = arith.fptosi %sub3A_1606 : vector<16xf32> to vector<16xi32>
        %add3A_1638 = arith.constant 127 : i32
        %add3A_1639 = vector.broadcast %add3A_1638 : i32 to vector<16xi32>
        %add3A_1640 = arith.addi %convert_element_type3A_1637, %add3A_1639 : vector<16xi32>
        %shift_left3A_1641 = arith.constant 23 : i32
        %shift_left3A_1642 = vector.broadcast %shift_left3A_1641 : i32 to vector<16xi32>
        %shift_left3A_1643 = arith.shli %add3A_1640, %shift_left3A_1642 : vector<16xi32>
        %bitcast_convert_type3A_1644 = tpu.bitcast %shift_left3A_1643 : vector<16xi32> -> vector<16xf32>
        %mul3A_1645 = arith.mulf %add3A_1636, %bitcast_convert_type3A_1644 : vector<16xf32>
        %add3A_1646 = arith.addf %mul3A_1474, %mul3A_1531 : vector<16xf32>
        %add3A_1647 = arith.addf %mul3A_1588, %mul3A_1645 : vector<16xf32>
        %add3A_1648 = arith.addf %add3A_1646, %add3A_1647 : vector<16xf32>
        %add3A_1649 = arith.addf %scan3A_1416, %add3A_1648 : vector<16xf32>
        %scan3A_1650 = arith.constant 0 : i32
        %scan3A_1651 = arith.constant 0 : i32
        %scan3A_1652 = arith.constant 64 : i32
        %scan3A_1653 = arith.addi %scan3A_1651, %scan3A_1652 : i32
        %scan3A_1654 = arith.constant 1 : i32
        scf.for %scan3A_1656 = %scan3A_1651 to %scan3A_1653 step %scan3A_1654  : i32 {
          %mul3A_1657 = arith.constant 16 : i32
          %mul3A_1658 = arith.muli %scan3A_1656, %mul3A_1657 : i32
          %get3A_1659 = arith.index_cast %mul3A_1658 : i32 to index
          %get3A_1660 = tpu.vector_load %arg16[%get3A_1659] {strides = array<i32>} : memref<1024xf32, #tpu.memory_space<vmem>>, vector<16xf32>,
          %get3A_1661 = arith.index_cast %scan3A_1656 : i32 to index
          %get3A_1662 = arith.index_cast %mul3A_1418 : i32 to index
          %get3A_1663 = tpu.vector_load %arg10[%get3A_1661, %get3A_1662] {strides = array<i32>} : memref<64x512xf32, #tpu.memory_space<vmem>>, vector<16xf32>,
          %mul3A_1664 = arith.mulf %mul3A_1474, %get3A_1663 : vector<16xf32>
          %add3A_1665 = arith.addf %get3A_1660, %mul3A_1664 : vector<16xf32>
          %add3A_1666 = arith.constant 16 : i32
          %add3A_1667 = arith.addi %mul3A_1418, %add3A_1666 : i32
          %get3A_1668 = arith.index_cast %scan3A_1656 : i32 to index
          %get3A_1669 = arith.index_cast %add3A_1667 : i32 to index
          %get3A_1670 = tpu.vector_load %arg10[%get3A_1668, %get3A_1669] {strides = array<i32>} : memref<64x512xf32, #tpu.memory_space<vmem>>, vector<16xf32>,
          %mul3A_1671 = arith.mulf %mul3A_1531, %get3A_1670 : vector<16xf32>
          %add3A_1672 = arith.addf %add3A_1665, %mul3A_1671 : vector<16xf32>
          %add3A_1673 = arith.constant 32 : i32
          %add3A_1674 = arith.addi %mul3A_1418, %add3A_1673 : i32
          %get3A_1675 = arith.index_cast %scan3A_1656 : i32 to index
          %get3A_1676 = arith.index_cast %add3A_1674 : i32 to index
          %get3A_1677 = tpu.vector_load %arg10[%get3A_1675, %get3A_1676] {strides = array<i32>} : memref<64x512xf32, #tpu.memory_space<vmem>>, vector<16xf32>,
          %mul3A_1678 = arith.mulf %mul3A_1588, %get3A_1677 : vector<16xf32>
          %add3A_1679 = arith.addf %add3A_1672, %mul3A_1678 : vector<16xf32>
          %add3A_1680 = arith.constant 48 : i32
          %add3A_1681 = arith.addi %mul3A_1418, %add3A_1680 : i32
          %get3A_1682 = arith.index_cast %scan3A_1656 : i32 to index
          %get3A_1683 = arith.index_cast %add3A_1681 : i32 to index
          %get3A_1684 = tpu.vector_load %arg10[%get3A_1682, %get3A_1683] {strides = array<i32>} : memref<64x512xf32, #tpu.memory_space<vmem>>, vector<16xf32>,
          %mul3A_1685 = arith.mulf %mul3A_1645, %get3A_1684 : vector<16xf32>
          %add3A_1686 = arith.addf %add3A_1679, %mul3A_1685 : vector<16xf32>
          %mul3A_1687 = arith.constant 16 : i32
          %mul3A_1688 = arith.muli %scan3A_1656, %mul3A_1687 : i32
          %swap3A_1689 = arith.index_cast %mul3A_1688 : i32 to index
          %swap3A_1690 = tpu.vector_load %arg16[%swap3A_1689] {strides = array<i32>} : memref<1024xf32, #tpu.memory_space<vmem>>, vector<16xf32>,
          tpu.vector_store %arg16[%swap3A_1689], %add3A_1686 {strides = array<i32>} : memref<1024xf32, #tpu.memory_space<vmem>>, vector<16xf32>,
        }
        %scan3A_1655 = arith.constant 64 : i32
        scf.yield %add3A_1649 : vector<16xf32>
      }
      %scan3A_1414 = arith.constant 8 : i32
      scf.yield %scan3A_1413 : vector<16xf32>
    }
    %scan3A_642 = arith.constant 6 : i32
    %eq3A_643 = arith.constant 0 : i32
    %eq3A_644 = vector.broadcast %eq3A_643 : i32 to vector<16xi32>
    %eq3A_645 = arith.cmpi eq, %iota3A, %eq3A_644 : vector<16xi32>
    %get3A_646 = arith.constant 0 : index
    %get3A_647 = tpu.vector_load %arg16[%get3A_646] {strides = array<i32>} : memref<1024xf32, #tpu.memory_space<vmem>>, vector<16xf32>,
    %reduce_sum3A = arith.constant true
    %reduce_sum3A_648 = vector.broadcast %reduce_sum3A : i1 to vector<16xi1>
    %reduce_sum3A_649 = tpu.scan <sum>, %get3A_647 masked %reduce_sum3A_648 : vector<16xf32>, vector<16xi1> -> vector<16xf32>
    %reduce_sum3A_650 = vector.extract %reduce_sum3A_649[15] : f32 from vector<16xf32>
    %broadcast_in_dim3A_651 = vector.broadcast %reduce_sum3A_650 : f32 to vector<16xf32>
    %select_n3A_652 = arith.select %eq3A_645, %broadcast_in_dim3A_651, %broadcast_in_dim3A_35 : vector<16xi1>, vector<16xf32>
    %eq3A_653 = arith.constant 1 : i32
    %eq3A_654 = vector.broadcast %eq3A_653 : i32 to vector<16xi32>
    %eq3A_655 = arith.cmpi eq, %iota3A, %eq3A_654 : vector<16xi32>
    %get3A_656 = arith.constant 16 : index
    %get3A_657 = tpu.vector_load %arg16[%get3A_656] {strides = array<i32>} : memref<1024xf32, #tpu.memory_space<vmem>>, vector<16xf32>,
    %reduce_sum3A_658 = arith.constant true
    %reduce_sum3A_659 = vector.broadcast %reduce_sum3A_658 : i1 to vector<16xi1>
    %reduce_sum3A_660 = tpu.scan <sum>, %get3A_657 masked %reduce_sum3A_659 : vector<16xf32>, vector<16xi1> -> vector<16xf32>
    %reduce_sum3A_661 = vector.extract %reduce_sum3A_660[15] : f32 from vector<16xf32>
    %broadcast_in_dim3A_662 = vector.broadcast %reduce_sum3A_661 : f32 to vector<16xf32>
    %select_n3A_663 = arith.select %eq3A_655, %broadcast_in_dim3A_662, %select_n3A_652 : vector<16xi1>, vector<16xf32>
    %eq3A_664 = arith.constant 2 : i32
    %eq3A_665 = vector.broadcast %eq3A_664 : i32 to vector<16xi32>
    %eq3A_666 = arith.cmpi eq, %iota3A, %eq3A_665 : vector<16xi32>
    %get3A_667 = arith.constant 32 : index
    %get3A_668 = tpu.vector_load %arg16[%get3A_667] {strides = array<i32>} : memref<1024xf32, #tpu.memory_space<vmem>>, vector<16xf32>,
    %reduce_sum3A_669 = arith.constant true
    %reduce_sum3A_670 = vector.broadcast %reduce_sum3A_669 : i1 to vector<16xi1>
    %reduce_sum3A_671 = tpu.scan <sum>, %get3A_668 masked %reduce_sum3A_670 : vector<16xf32>, vector<16xi1> -> vector<16xf32>
    %reduce_sum3A_672 = vector.extract %reduce_sum3A_671[15] : f32 from vector<16xf32>
    %broadcast_in_dim3A_673 = vector.broadcast %reduce_sum3A_672 : f32 to vector<16xf32>
    %select_n3A_674 = arith.select %eq3A_666, %broadcast_in_dim3A_673, %select_n3A_663 : vector<16xi1>, vector<16xf32>
    %eq3A_675 = arith.constant 3 : i32
    %eq3A_676 = vector.broadcast %eq3A_675 : i32 to vector<16xi32>
    %eq3A_677 = arith.cmpi eq, %iota3A, %eq3A_676 : vector<16xi32>
    %get3A_678 = arith.constant 48 : index
    %get3A_679 = tpu.vector_load %arg16[%get3A_678] {strides = array<i32>} : memref<1024xf32, #tpu.memory_space<vmem>>, vector<16xf32>,
    %reduce_sum3A_680 = arith.constant true
    %reduce_sum3A_681 = vector.broadcast %reduce_sum3A_680 : i1 to vector<16xi1>
    %reduce_sum3A_682 = tpu.scan <sum>, %get3A_679 masked %reduce_sum3A_681 : vector<16xf32>, vector<16xi1> -> vector<16xf32>
    %reduce_sum3A_683 = vector.extract %reduce_sum3A_682[15] : f32 from vector<16xf32>
    %broadcast_in_dim3A_684 = vector.broadcast %reduce_sum3A_683 : f32 to vector<16xf32>
    %select_n3A_685 = arith.select %eq3A_677, %broadcast_in_dim3A_684, %select_n3A_674 : vector<16xi1>, vector<16xf32>
    %eq3A_686 = arith.constant 4 : i32
    %eq3A_687 = vector.broadcast %eq3A_686 : i32 to vector<16xi32>
    %eq3A_688 = arith.cmpi eq, %iota3A, %eq3A_687 : vector<16xi32>
    %get3A_689 = arith.constant 64 : index
    %get3A_690 = tpu.vector_load %arg16[%get3A_689] {strides = array<i32>} : memref<1024xf32, #tpu.memory_space<vmem>>, vector<16xf32>,
    %reduce_sum3A_691 = arith.constant true
    %reduce_sum3A_692 = vector.broadcast %reduce_sum3A_691 : i1 to vector<16xi1>
    %reduce_sum3A_693 = tpu.scan <sum>, %get3A_690 masked %reduce_sum3A_692 : vector<16xf32>, vector<16xi1> -> vector<16xf32>
    %reduce_sum3A_694 = vector.extract %reduce_sum3A_693[15] : f32 from vector<16xf32>
    %broadcast_in_dim3A_695 = vector.broadcast %reduce_sum3A_694 : f32 to vector<16xf32>
    %select_n3A_696 = arith.select %eq3A_688, %broadcast_in_dim3A_695, %select_n3A_685 : vector<16xi1>, vector<16xf32>
    %eq3A_697 = arith.constant 5 : i32
    %eq3A_698 = vector.broadcast %eq3A_697 : i32 to vector<16xi32>
    %eq3A_699 = arith.cmpi eq, %iota3A, %eq3A_698 : vector<16xi32>
    %get3A_700 = arith.constant 80 : index
    %get3A_701 = tpu.vector_load %arg16[%get3A_700] {strides = array<i32>} : memref<1024xf32, #tpu.memory_space<vmem>>, vector<16xf32>,
    %reduce_sum3A_702 = arith.constant true
    %reduce_sum3A_703 = vector.broadcast %reduce_sum3A_702 : i1 to vector<16xi1>
    %reduce_sum3A_704 = tpu.scan <sum>, %get3A_701 masked %reduce_sum3A_703 : vector<16xf32>, vector<16xi1> -> vector<16xf32>
    %reduce_sum3A_705 = vector.extract %reduce_sum3A_704[15] : f32 from vector<16xf32>
    %broadcast_in_dim3A_706 = vector.broadcast %reduce_sum3A_705 : f32 to vector<16xf32>
    %select_n3A_707 = arith.select %eq3A_699, %broadcast_in_dim3A_706, %select_n3A_696 : vector<16xi1>, vector<16xf32>
    %eq3A_708 = arith.constant 6 : i32
    %eq3A_709 = vector.broadcast %eq3A_708 : i32 to vector<16xi32>
    %eq3A_710 = arith.cmpi eq, %iota3A, %eq3A_709 : vector<16xi32>
    %get3A_711 = arith.constant 96 : index
    %get3A_712 = tpu.vector_load %arg16[%get3A_711] {strides = array<i32>} : memref<1024xf32, #tpu.memory_space<vmem>>, vector<16xf32>,
    %reduce_sum3A_713 = arith.constant true
    %reduce_sum3A_714 = vector.broadcast %reduce_sum3A_713 : i1 to vector<16xi1>
    %reduce_sum3A_715 = tpu.scan <sum>, %get3A_712 masked %reduce_sum3A_714 : vector<16xf32>, vector<16xi1> -> vector<16xf32>
    %reduce_sum3A_716 = vector.extract %reduce_sum3A_715[15] : f32 from vector<16xf32>
    %broadcast_in_dim3A_717 = vector.broadcast %reduce_sum3A_716 : f32 to vector<16xf32>
    %select_n3A_718 = arith.select %eq3A_710, %broadcast_in_dim3A_717, %select_n3A_707 : vector<16xi1>, vector<16xf32>
    %eq3A_719 = arith.constant 7 : i32
    %eq3A_720 = vector.broadcast %eq3A_719 : i32 to vector<16xi32>
    %eq3A_721 = arith.cmpi eq, %iota3A, %eq3A_720 : vector<16xi32>
    %get3A_722 = arith.constant 112 : index
    %get3A_723 = tpu.vector_load %arg16[%get3A_722] {strides = array<i32>} : memref<1024xf32, #tpu.memory_space<vmem>>, vector<16xf32>,
    %reduce_sum3A_724 = arith.constant true
    %reduce_sum3A_725 = vector.broadcast %reduce_sum3A_724 : i1 to vector<16xi1>
    %reduce_sum3A_726 = tpu.scan <sum>, %get3A_723 masked %reduce_sum3A_725 : vector<16xf32>, vector<16xi1> -> vector<16xf32>
    %reduce_sum3A_727 = vector.extract %reduce_sum3A_726[15] : f32 from vector<16xf32>
    %broadcast_in_dim3A_728 = vector.broadcast %reduce_sum3A_727 : f32 to vector<16xf32>
    %select_n3A_729 = arith.select %eq3A_721, %broadcast_in_dim3A_728, %select_n3A_718 : vector<16xi1>, vector<16xf32>
    %eq3A_730 = arith.constant 8 : i32
    %eq3A_731 = vector.broadcast %eq3A_730 : i32 to vector<16xi32>
    %eq3A_732 = arith.cmpi eq, %iota3A, %eq3A_731 : vector<16xi32>
    %get3A_733 = arith.constant 128 : index
    %get3A_734 = tpu.vector_load %arg16[%get3A_733] {strides = array<i32>} : memref<1024xf32, #tpu.memory_space<vmem>>, vector<16xf32>,
    %reduce_sum3A_735 = arith.constant true
    %reduce_sum3A_736 = vector.broadcast %reduce_sum3A_735 : i1 to vector<16xi1>
    %reduce_sum3A_737 = tpu.scan <sum>, %get3A_734 masked %reduce_sum3A_736 : vector<16xf32>, vector<16xi1> -> vector<16xf32>
    %reduce_sum3A_738 = vector.extract %reduce_sum3A_737[15] : f32 from vector<16xf32>
    %broadcast_in_dim3A_739 = vector.broadcast %reduce_sum3A_738 : f32 to vector<16xf32>
    %select_n3A_740 = arith.select %eq3A_732, %broadcast_in_dim3A_739, %select_n3A_729 : vector<16xi1>, vector<16xf32>
    %eq3A_741 = arith.constant 9 : i32
    %eq3A_742 = vector.broadcast %eq3A_741 : i32 to vector<16xi32>
    %eq3A_743 = arith.cmpi eq, %iota3A, %eq3A_742 : vector<16xi32>
    %get3A_744 = arith.constant 144 : index
    %get3A_745 = tpu.vector_load %arg16[%get3A_744] {strides = array<i32>} : memref<1024xf32, #tpu.memory_space<vmem>>, vector<16xf32>,
    %reduce_sum3A_746 = arith.constant true
    %reduce_sum3A_747 = vector.broadcast %reduce_sum3A_746 : i1 to vector<16xi1>
    %reduce_sum3A_748 = tpu.scan <sum>, %get3A_745 masked %reduce_sum3A_747 : vector<16xf32>, vector<16xi1> -> vector<16xf32>
    %reduce_sum3A_749 = vector.extract %reduce_sum3A_748[15] : f32 from vector<16xf32>
    %broadcast_in_dim3A_750 = vector.broadcast %reduce_sum3A_749 : f32 to vector<16xf32>
    %select_n3A_751 = arith.select %eq3A_743, %broadcast_in_dim3A_750, %select_n3A_740 : vector<16xi1>, vector<16xf32>
    %eq3A_752 = arith.constant 10 : i32
    %eq3A_753 = vector.broadcast %eq3A_752 : i32 to vector<16xi32>
    %eq3A_754 = arith.cmpi eq, %iota3A, %eq3A_753 : vector<16xi32>
    %get3A_755 = arith.constant 160 : index
    %get3A_756 = tpu.vector_load %arg16[%get3A_755] {strides = array<i32>} : memref<1024xf32, #tpu.memory_space<vmem>>, vector<16xf32>,
    %reduce_sum3A_757 = arith.constant true
    %reduce_sum3A_758 = vector.broadcast %reduce_sum3A_757 : i1 to vector<16xi1>
    %reduce_sum3A_759 = tpu.scan <sum>, %get3A_756 masked %reduce_sum3A_758 : vector<16xf32>, vector<16xi1> -> vector<16xf32>
    %reduce_sum3A_760 = vector.extract %reduce_sum3A_759[15] : f32 from vector<16xf32>
    %broadcast_in_dim3A_761 = vector.broadcast %reduce_sum3A_760 : f32 to vector<16xf32>
    %select_n3A_762 = arith.select %eq3A_754, %broadcast_in_dim3A_761, %select_n3A_751 : vector<16xi1>, vector<16xf32>
    %eq3A_763 = arith.constant 11 : i32
    %eq3A_764 = vector.broadcast %eq3A_763 : i32 to vector<16xi32>
    %eq3A_765 = arith.cmpi eq, %iota3A, %eq3A_764 : vector<16xi32>
    %get3A_766 = arith.constant 176 : index
    %get3A_767 = tpu.vector_load %arg16[%get3A_766] {strides = array<i32>} : memref<1024xf32, #tpu.memory_space<vmem>>, vector<16xf32>,
    %reduce_sum3A_768 = arith.constant true
    %reduce_sum3A_769 = vector.broadcast %reduce_sum3A_768 : i1 to vector<16xi1>
    %reduce_sum3A_770 = tpu.scan <sum>, %get3A_767 masked %reduce_sum3A_769 : vector<16xf32>, vector<16xi1> -> vector<16xf32>
    %reduce_sum3A_771 = vector.extract %reduce_sum3A_770[15] : f32 from vector<16xf32>
    %broadcast_in_dim3A_772 = vector.broadcast %reduce_sum3A_771 : f32 to vector<16xf32>
    %select_n3A_773 = arith.select %eq3A_765, %broadcast_in_dim3A_772, %select_n3A_762 : vector<16xi1>, vector<16xf32>
    %eq3A_774 = arith.constant 12 : i32
    %eq3A_775 = vector.broadcast %eq3A_774 : i32 to vector<16xi32>
    %eq3A_776 = arith.cmpi eq, %iota3A, %eq3A_775 : vector<16xi32>
    %get3A_777 = arith.constant 192 : index
    %get3A_778 = tpu.vector_load %arg16[%get3A_777] {strides = array<i32>} : memref<1024xf32, #tpu.memory_space<vmem>>, vector<16xf32>,
    %reduce_sum3A_779 = arith.constant true
    %reduce_sum3A_780 = vector.broadcast %reduce_sum3A_779 : i1 to vector<16xi1>
    %reduce_sum3A_781 = tpu.scan <sum>, %get3A_778 masked %reduce_sum3A_780 : vector<16xf32>, vector<16xi1> -> vector<16xf32>
    %reduce_sum3A_782 = vector.extract %reduce_sum3A_781[15] : f32 from vector<16xf32>
    %broadcast_in_dim3A_783 = vector.broadcast %reduce_sum3A_782 : f32 to vector<16xf32>
    %select_n3A_784 = arith.select %eq3A_776, %broadcast_in_dim3A_783, %select_n3A_773 : vector<16xi1>, vector<16xf32>
    %eq3A_785 = arith.constant 13 : i32
    %eq3A_786 = vector.broadcast %eq3A_785 : i32 to vector<16xi32>
    %eq3A_787 = arith.cmpi eq, %iota3A, %eq3A_786 : vector<16xi32>
    %get3A_788 = arith.constant 208 : index
    %get3A_789 = tpu.vector_load %arg16[%get3A_788] {strides = array<i32>} : memref<1024xf32, #tpu.memory_space<vmem>>, vector<16xf32>,
    %reduce_sum3A_790 = arith.constant true
    %reduce_sum3A_791 = vector.broadcast %reduce_sum3A_790 : i1 to vector<16xi1>
    %reduce_sum3A_792 = tpu.scan <sum>, %get3A_789 masked %reduce_sum3A_791 : vector<16xf32>, vector<16xi1> -> vector<16xf32>
    %reduce_sum3A_793 = vector.extract %reduce_sum3A_792[15] : f32 from vector<16xf32>
    %broadcast_in_dim3A_794 = vector.broadcast %reduce_sum3A_793 : f32 to vector<16xf32>
    %select_n3A_795 = arith.select %eq3A_787, %broadcast_in_dim3A_794, %select_n3A_784 : vector<16xi1>, vector<16xf32>
    %eq3A_796 = arith.constant 14 : i32
    %eq3A_797 = vector.broadcast %eq3A_796 : i32 to vector<16xi32>
    %eq3A_798 = arith.cmpi eq, %iota3A, %eq3A_797 : vector<16xi32>
    %get3A_799 = arith.constant 224 : index
    %get3A_800 = tpu.vector_load %arg16[%get3A_799] {strides = array<i32>} : memref<1024xf32, #tpu.memory_space<vmem>>, vector<16xf32>,
    %reduce_sum3A_801 = arith.constant true
    %reduce_sum3A_802 = vector.broadcast %reduce_sum3A_801 : i1 to vector<16xi1>
    %reduce_sum3A_803 = tpu.scan <sum>, %get3A_800 masked %reduce_sum3A_802 : vector<16xf32>, vector<16xi1> -> vector<16xf32>
    %reduce_sum3A_804 = vector.extract %reduce_sum3A_803[15] : f32 from vector<16xf32>
    %broadcast_in_dim3A_805 = vector.broadcast %reduce_sum3A_804 : f32 to vector<16xf32>
    %select_n3A_806 = arith.select %eq3A_798, %broadcast_in_dim3A_805, %select_n3A_795 : vector<16xi1>, vector<16xf32>
    %eq3A_807 = arith.constant 15 : i32
    %eq3A_808 = vector.broadcast %eq3A_807 : i32 to vector<16xi32>
    %eq3A_809 = arith.cmpi eq, %iota3A, %eq3A_808 : vector<16xi32>
    %get3A_810 = arith.constant 240 : index
    %get3A_811 = tpu.vector_load %arg16[%get3A_810] {strides = array<i32>} : memref<1024xf32, #tpu.memory_space<vmem>>, vector<16xf32>,
    %reduce_sum3A_812 = arith.constant true
    %reduce_sum3A_813 = vector.broadcast %reduce_sum3A_812 : i1 to vector<16xi1>
    %reduce_sum3A_814 = tpu.scan <sum>, %get3A_811 masked %reduce_sum3A_813 : vector<16xf32>, vector<16xi1> -> vector<16xf32>
    %reduce_sum3A_815 = vector.extract %reduce_sum3A_814[15] : f32 from vector<16xf32>
    %broadcast_in_dim3A_816 = vector.broadcast %reduce_sum3A_815 : f32 to vector<16xf32>
    %select_n3A_817 = arith.select %eq3A_809, %broadcast_in_dim3A_816, %select_n3A_806 : vector<16xi1>, vector<16xf32>
    %swap3A_818 = arith.constant 0 : index
    %swap3A_819 = tpu.vector_load %arg17[%swap3A_818] {strides = array<i32>} : memref<64xf32, #tpu.memory_space<vmem>>, vector<16xf32>,
    tpu.vector_store %arg17[%swap3A_818], %select_n3A_817 {strides = array<i32>} : memref<64xf32, #tpu.memory_space<vmem>>, vector<16xf32>,
    %eq3A_820 = arith.constant 0 : i32
    %eq3A_821 = vector.broadcast %eq3A_820 : i32 to vector<16xi32>
    %eq3A_822 = arith.cmpi eq, %iota3A, %eq3A_821 : vector<16xi32>
    %get3A_823 = arith.constant 256 : index
    %get3A_824 = tpu.vector_load %arg16[%get3A_823] {strides = array<i32>} : memref<1024xf32, #tpu.memory_space<vmem>>, vector<16xf32>,
    %reduce_sum3A_825 = arith.constant true
    %reduce_sum3A_826 = vector.broadcast %reduce_sum3A_825 : i1 to vector<16xi1>
    %reduce_sum3A_827 = tpu.scan <sum>, %get3A_824 masked %reduce_sum3A_826 : vector<16xf32>, vector<16xi1> -> vector<16xf32>
    %reduce_sum3A_828 = vector.extract %reduce_sum3A_827[15] : f32 from vector<16xf32>
    %broadcast_in_dim3A_829 = vector.broadcast %reduce_sum3A_828 : f32 to vector<16xf32>
    %select_n3A_830 = arith.select %eq3A_822, %broadcast_in_dim3A_829, %broadcast_in_dim3A_35 : vector<16xi1>, vector<16xf32>
    %eq3A_831 = arith.constant 1 : i32
    %eq3A_832 = vector.broadcast %eq3A_831 : i32 to vector<16xi32>
    %eq3A_833 = arith.cmpi eq, %iota3A, %eq3A_832 : vector<16xi32>
    %get3A_834 = arith.constant 272 : index
    %get3A_835 = tpu.vector_load %arg16[%get3A_834] {strides = array<i32>} : memref<1024xf32, #tpu.memory_space<vmem>>, vector<16xf32>,
    %reduce_sum3A_836 = arith.constant true
    %reduce_sum3A_837 = vector.broadcast %reduce_sum3A_836 : i1 to vector<16xi1>
    %reduce_sum3A_838 = tpu.scan <sum>, %get3A_835 masked %reduce_sum3A_837 : vector<16xf32>, vector<16xi1> -> vector<16xf32>
    %reduce_sum3A_839 = vector.extract %reduce_sum3A_838[15] : f32 from vector<16xf32>
    %broadcast_in_dim3A_840 = vector.broadcast %reduce_sum3A_839 : f32 to vector<16xf32>
    %select_n3A_841 = arith.select %eq3A_833, %broadcast_in_dim3A_840, %select_n3A_830 : vector<16xi1>, vector<16xf32>
    %eq3A_842 = arith.constant 2 : i32
    %eq3A_843 = vector.broadcast %eq3A_842 : i32 to vector<16xi32>
    %eq3A_844 = arith.cmpi eq, %iota3A, %eq3A_843 : vector<16xi32>
    %get3A_845 = arith.constant 288 : index
    %get3A_846 = tpu.vector_load %arg16[%get3A_845] {strides = array<i32>} : memref<1024xf32, #tpu.memory_space<vmem>>, vector<16xf32>,
    %reduce_sum3A_847 = arith.constant true
    %reduce_sum3A_848 = vector.broadcast %reduce_sum3A_847 : i1 to vector<16xi1>
    %reduce_sum3A_849 = tpu.scan <sum>, %get3A_846 masked %reduce_sum3A_848 : vector<16xf32>, vector<16xi1> -> vector<16xf32>
    %reduce_sum3A_850 = vector.extract %reduce_sum3A_849[15] : f32 from vector<16xf32>
    %broadcast_in_dim3A_851 = vector.broadcast %reduce_sum3A_850 : f32 to vector<16xf32>
    %select_n3A_852 = arith.select %eq3A_844, %broadcast_in_dim3A_851, %select_n3A_841 : vector<16xi1>, vector<16xf32>
    %eq3A_853 = arith.constant 3 : i32
    %eq3A_854 = vector.broadcast %eq3A_853 : i32 to vector<16xi32>
    %eq3A_855 = arith.cmpi eq, %iota3A, %eq3A_854 : vector<16xi32>
    %get3A_856 = arith.constant 304 : index
    %get3A_857 = tpu.vector_load %arg16[%get3A_856] {strides = array<i32>} : memref<1024xf32, #tpu.memory_space<vmem>>, vector<16xf32>,
    %reduce_sum3A_858 = arith.constant true
    %reduce_sum3A_859 = vector.broadcast %reduce_sum3A_858 : i1 to vector<16xi1>
    %reduce_sum3A_860 = tpu.scan <sum>, %get3A_857 masked %reduce_sum3A_859 : vector<16xf32>, vector<16xi1> -> vector<16xf32>
    %reduce_sum3A_861 = vector.extract %reduce_sum3A_860[15] : f32 from vector<16xf32>
    %broadcast_in_dim3A_862 = vector.broadcast %reduce_sum3A_861 : f32 to vector<16xf32>
    %select_n3A_863 = arith.select %eq3A_855, %broadcast_in_dim3A_862, %select_n3A_852 : vector<16xi1>, vector<16xf32>
    %eq3A_864 = arith.constant 4 : i32
    %eq3A_865 = vector.broadcast %eq3A_864 : i32 to vector<16xi32>
    %eq3A_866 = arith.cmpi eq, %iota3A, %eq3A_865 : vector<16xi32>
    %get3A_867 = arith.constant 320 : index
    %get3A_868 = tpu.vector_load %arg16[%get3A_867] {strides = array<i32>} : memref<1024xf32, #tpu.memory_space<vmem>>, vector<16xf32>,
    %reduce_sum3A_869 = arith.constant true
    %reduce_sum3A_870 = vector.broadcast %reduce_sum3A_869 : i1 to vector<16xi1>
    %reduce_sum3A_871 = tpu.scan <sum>, %get3A_868 masked %reduce_sum3A_870 : vector<16xf32>, vector<16xi1> -> vector<16xf32>
    %reduce_sum3A_872 = vector.extract %reduce_sum3A_871[15] : f32 from vector<16xf32>
    %broadcast_in_dim3A_873 = vector.broadcast %reduce_sum3A_872 : f32 to vector<16xf32>
    %select_n3A_874 = arith.select %eq3A_866, %broadcast_in_dim3A_873, %select_n3A_863 : vector<16xi1>, vector<16xf32>
    %eq3A_875 = arith.constant 5 : i32
    %eq3A_876 = vector.broadcast %eq3A_875 : i32 to vector<16xi32>
    %eq3A_877 = arith.cmpi eq, %iota3A, %eq3A_876 : vector<16xi32>
    %get3A_878 = arith.constant 336 : index
    %get3A_879 = tpu.vector_load %arg16[%get3A_878] {strides = array<i32>} : memref<1024xf32, #tpu.memory_space<vmem>>, vector<16xf32>,
    %reduce_sum3A_880 = arith.constant true
    %reduce_sum3A_881 = vector.broadcast %reduce_sum3A_880 : i1 to vector<16xi1>
    %reduce_sum3A_882 = tpu.scan <sum>, %get3A_879 masked %reduce_sum3A_881 : vector<16xf32>, vector<16xi1> -> vector<16xf32>
    %reduce_sum3A_883 = vector.extract %reduce_sum3A_882[15] : f32 from vector<16xf32>
    %broadcast_in_dim3A_884 = vector.broadcast %reduce_sum3A_883 : f32 to vector<16xf32>
    %select_n3A_885 = arith.select %eq3A_877, %broadcast_in_dim3A_884, %select_n3A_874 : vector<16xi1>, vector<16xf32>
    %eq3A_886 = arith.constant 6 : i32
    %eq3A_887 = vector.broadcast %eq3A_886 : i32 to vector<16xi32>
    %eq3A_888 = arith.cmpi eq, %iota3A, %eq3A_887 : vector<16xi32>
    %get3A_889 = arith.constant 352 : index
    %get3A_890 = tpu.vector_load %arg16[%get3A_889] {strides = array<i32>} : memref<1024xf32, #tpu.memory_space<vmem>>, vector<16xf32>,
    %reduce_sum3A_891 = arith.constant true
    %reduce_sum3A_892 = vector.broadcast %reduce_sum3A_891 : i1 to vector<16xi1>
    %reduce_sum3A_893 = tpu.scan <sum>, %get3A_890 masked %reduce_sum3A_892 : vector<16xf32>, vector<16xi1> -> vector<16xf32>
    %reduce_sum3A_894 = vector.extract %reduce_sum3A_893[15] : f32 from vector<16xf32>
    %broadcast_in_dim3A_895 = vector.broadcast %reduce_sum3A_894 : f32 to vector<16xf32>
    %select_n3A_896 = arith.select %eq3A_888, %broadcast_in_dim3A_895, %select_n3A_885 : vector<16xi1>, vector<16xf32>
    %eq3A_897 = arith.constant 7 : i32
    %eq3A_898 = vector.broadcast %eq3A_897 : i32 to vector<16xi32>
    %eq3A_899 = arith.cmpi eq, %iota3A, %eq3A_898 : vector<16xi32>
    %get3A_900 = arith.constant 368 : index
    %get3A_901 = tpu.vector_load %arg16[%get3A_900] {strides = array<i32>} : memref<1024xf32, #tpu.memory_space<vmem>>, vector<16xf32>,
    %reduce_sum3A_902 = arith.constant true
    %reduce_sum3A_903 = vector.broadcast %reduce_sum3A_902 : i1 to vector<16xi1>
    %reduce_sum3A_904 = tpu.scan <sum>, %get3A_901 masked %reduce_sum3A_903 : vector<16xf32>, vector<16xi1> -> vector<16xf32>
    %reduce_sum3A_905 = vector.extract %reduce_sum3A_904[15] : f32 from vector<16xf32>
    %broadcast_in_dim3A_906 = vector.broadcast %reduce_sum3A_905 : f32 to vector<16xf32>
    %select_n3A_907 = arith.select %eq3A_899, %broadcast_in_dim3A_906, %select_n3A_896 : vector<16xi1>, vector<16xf32>
    %eq3A_908 = arith.constant 8 : i32
    %eq3A_909 = vector.broadcast %eq3A_908 : i32 to vector<16xi32>
    %eq3A_910 = arith.cmpi eq, %iota3A, %eq3A_909 : vector<16xi32>
    %get3A_911 = arith.constant 384 : index
    %get3A_912 = tpu.vector_load %arg16[%get3A_911] {strides = array<i32>} : memref<1024xf32, #tpu.memory_space<vmem>>, vector<16xf32>,
    %reduce_sum3A_913 = arith.constant true
    %reduce_sum3A_914 = vector.broadcast %reduce_sum3A_913 : i1 to vector<16xi1>
    %reduce_sum3A_915 = tpu.scan <sum>, %get3A_912 masked %reduce_sum3A_914 : vector<16xf32>, vector<16xi1> -> vector<16xf32>
    %reduce_sum3A_916 = vector.extract %reduce_sum3A_915[15] : f32 from vector<16xf32>
    %broadcast_in_dim3A_917 = vector.broadcast %reduce_sum3A_916 : f32 to vector<16xf32>
    %select_n3A_918 = arith.select %eq3A_910, %broadcast_in_dim3A_917, %select_n3A_907 : vector<16xi1>, vector<16xf32>
    %eq3A_919 = arith.constant 9 : i32
    %eq3A_920 = vector.broadcast %eq3A_919 : i32 to vector<16xi32>
    %eq3A_921 = arith.cmpi eq, %iota3A, %eq3A_920 : vector<16xi32>
    %get3A_922 = arith.constant 400 : index
    %get3A_923 = tpu.vector_load %arg16[%get3A_922] {strides = array<i32>} : memref<1024xf32, #tpu.memory_space<vmem>>, vector<16xf32>,
    %reduce_sum3A_924 = arith.constant true
    %reduce_sum3A_925 = vector.broadcast %reduce_sum3A_924 : i1 to vector<16xi1>
    %reduce_sum3A_926 = tpu.scan <sum>, %get3A_923 masked %reduce_sum3A_925 : vector<16xf32>, vector<16xi1> -> vector<16xf32>
    %reduce_sum3A_927 = vector.extract %reduce_sum3A_926[15] : f32 from vector<16xf32>
    %broadcast_in_dim3A_928 = vector.broadcast %reduce_sum3A_927 : f32 to vector<16xf32>
    %select_n3A_929 = arith.select %eq3A_921, %broadcast_in_dim3A_928, %select_n3A_918 : vector<16xi1>, vector<16xf32>
    %eq3A_930 = arith.constant 10 : i32
    %eq3A_931 = vector.broadcast %eq3A_930 : i32 to vector<16xi32>
    %eq3A_932 = arith.cmpi eq, %iota3A, %eq3A_931 : vector<16xi32>
    %get3A_933 = arith.constant 416 : index
    %get3A_934 = tpu.vector_load %arg16[%get3A_933] {strides = array<i32>} : memref<1024xf32, #tpu.memory_space<vmem>>, vector<16xf32>,
    %reduce_sum3A_935 = arith.constant true
    %reduce_sum3A_936 = vector.broadcast %reduce_sum3A_935 : i1 to vector<16xi1>
    %reduce_sum3A_937 = tpu.scan <sum>, %get3A_934 masked %reduce_sum3A_936 : vector<16xf32>, vector<16xi1> -> vector<16xf32>
    %reduce_sum3A_938 = vector.extract %reduce_sum3A_937[15] : f32 from vector<16xf32>
    %broadcast_in_dim3A_939 = vector.broadcast %reduce_sum3A_938 : f32 to vector<16xf32>
    %select_n3A_940 = arith.select %eq3A_932, %broadcast_in_dim3A_939, %select_n3A_929 : vector<16xi1>, vector<16xf32>
    %eq3A_941 = arith.constant 11 : i32
    %eq3A_942 = vector.broadcast %eq3A_941 : i32 to vector<16xi32>
    %eq3A_943 = arith.cmpi eq, %iota3A, %eq3A_942 : vector<16xi32>
    %get3A_944 = arith.constant 432 : index
    %get3A_945 = tpu.vector_load %arg16[%get3A_944] {strides = array<i32>} : memref<1024xf32, #tpu.memory_space<vmem>>, vector<16xf32>,
    %reduce_sum3A_946 = arith.constant true
    %reduce_sum3A_947 = vector.broadcast %reduce_sum3A_946 : i1 to vector<16xi1>
    %reduce_sum3A_948 = tpu.scan <sum>, %get3A_945 masked %reduce_sum3A_947 : vector<16xf32>, vector<16xi1> -> vector<16xf32>
    %reduce_sum3A_949 = vector.extract %reduce_sum3A_948[15] : f32 from vector<16xf32>
    %broadcast_in_dim3A_950 = vector.broadcast %reduce_sum3A_949 : f32 to vector<16xf32>
    %select_n3A_951 = arith.select %eq3A_943, %broadcast_in_dim3A_950, %select_n3A_940 : vector<16xi1>, vector<16xf32>
    %eq3A_952 = arith.constant 12 : i32
    %eq3A_953 = vector.broadcast %eq3A_952 : i32 to vector<16xi32>
    %eq3A_954 = arith.cmpi eq, %iota3A, %eq3A_953 : vector<16xi32>
    %get3A_955 = arith.constant 448 : index
    %get3A_956 = tpu.vector_load %arg16[%get3A_955] {strides = array<i32>} : memref<1024xf32, #tpu.memory_space<vmem>>, vector<16xf32>,
    %reduce_sum3A_957 = arith.constant true
    %reduce_sum3A_958 = vector.broadcast %reduce_sum3A_957 : i1 to vector<16xi1>
    %reduce_sum3A_959 = tpu.scan <sum>, %get3A_956 masked %reduce_sum3A_958 : vector<16xf32>, vector<16xi1> -> vector<16xf32>
    %reduce_sum3A_960 = vector.extract %reduce_sum3A_959[15] : f32 from vector<16xf32>
    %broadcast_in_dim3A_961 = vector.broadcast %reduce_sum3A_960 : f32 to vector<16xf32>
    %select_n3A_962 = arith.select %eq3A_954, %broadcast_in_dim3A_961, %select_n3A_951 : vector<16xi1>, vector<16xf32>
    %eq3A_963 = arith.constant 13 : i32
    %eq3A_964 = vector.broadcast %eq3A_963 : i32 to vector<16xi32>
    %eq3A_965 = arith.cmpi eq, %iota3A, %eq3A_964 : vector<16xi32>
    %get3A_966 = arith.constant 464 : index
    %get3A_967 = tpu.vector_load %arg16[%get3A_966] {strides = array<i32>} : memref<1024xf32, #tpu.memory_space<vmem>>, vector<16xf32>,
    %reduce_sum3A_968 = arith.constant true
    %reduce_sum3A_969 = vector.broadcast %reduce_sum3A_968 : i1 to vector<16xi1>
    %reduce_sum3A_970 = tpu.scan <sum>, %get3A_967 masked %reduce_sum3A_969 : vector<16xf32>, vector<16xi1> -> vector<16xf32>
    %reduce_sum3A_971 = vector.extract %reduce_sum3A_970[15] : f32 from vector<16xf32>
    %broadcast_in_dim3A_972 = vector.broadcast %reduce_sum3A_971 : f32 to vector<16xf32>
    %select_n3A_973 = arith.select %eq3A_965, %broadcast_in_dim3A_972, %select_n3A_962 : vector<16xi1>, vector<16xf32>
    %eq3A_974 = arith.constant 14 : i32
    %eq3A_975 = vector.broadcast %eq3A_974 : i32 to vector<16xi32>
    %eq3A_976 = arith.cmpi eq, %iota3A, %eq3A_975 : vector<16xi32>
    %get3A_977 = arith.constant 480 : index
    %get3A_978 = tpu.vector_load %arg16[%get3A_977] {strides = array<i32>} : memref<1024xf32, #tpu.memory_space<vmem>>, vector<16xf32>,
    %reduce_sum3A_979 = arith.constant true
    %reduce_sum3A_980 = vector.broadcast %reduce_sum3A_979 : i1 to vector<16xi1>
    %reduce_sum3A_981 = tpu.scan <sum>, %get3A_978 masked %reduce_sum3A_980 : vector<16xf32>, vector<16xi1> -> vector<16xf32>
    %reduce_sum3A_982 = vector.extract %reduce_sum3A_981[15] : f32 from vector<16xf32>
    %broadcast_in_dim3A_983 = vector.broadcast %reduce_sum3A_982 : f32 to vector<16xf32>
    %select_n3A_984 = arith.select %eq3A_976, %broadcast_in_dim3A_983, %select_n3A_973 : vector<16xi1>, vector<16xf32>
    %eq3A_985 = arith.constant 15 : i32
    %eq3A_986 = vector.broadcast %eq3A_985 : i32 to vector<16xi32>
    %eq3A_987 = arith.cmpi eq, %iota3A, %eq3A_986 : vector<16xi32>
    %get3A_988 = arith.constant 496 : index
    %get3A_989 = tpu.vector_load %arg16[%get3A_988] {strides = array<i32>} : memref<1024xf32, #tpu.memory_space<vmem>>, vector<16xf32>,
    %reduce_sum3A_990 = arith.constant true
    %reduce_sum3A_991 = vector.broadcast %reduce_sum3A_990 : i1 to vector<16xi1>
    %reduce_sum3A_992 = tpu.scan <sum>, %get3A_989 masked %reduce_sum3A_991 : vector<16xf32>, vector<16xi1> -> vector<16xf32>
    %reduce_sum3A_993 = vector.extract %reduce_sum3A_992[15] : f32 from vector<16xf32>
    %broadcast_in_dim3A_994 = vector.broadcast %reduce_sum3A_993 : f32 to vector<16xf32>
    %select_n3A_995 = arith.select %eq3A_987, %broadcast_in_dim3A_994, %select_n3A_984 : vector<16xi1>, vector<16xf32>
    %swap3A_996 = arith.constant 16 : index
    %swap3A_997 = tpu.vector_load %arg17[%swap3A_996] {strides = array<i32>} : memref<64xf32, #tpu.memory_space<vmem>>, vector<16xf32>,
    tpu.vector_store %arg17[%swap3A_996], %select_n3A_995 {strides = array<i32>} : memref<64xf32, #tpu.memory_space<vmem>>, vector<16xf32>,
    %eq3A_998 = arith.constant 0 : i32
    %eq3A_999 = vector.broadcast %eq3A_998 : i32 to vector<16xi32>
    %eq3A_1000 = arith.cmpi eq, %iota3A, %eq3A_999 : vector<16xi32>
    %get3A_1001 = arith.constant 512 : index
    %get3A_1002 = tpu.vector_load %arg16[%get3A_1001] {strides = array<i32>} : memref<1024xf32, #tpu.memory_space<vmem>>, vector<16xf32>,
    %reduce_sum3A_1003 = arith.constant true
    %reduce_sum3A_1004 = vector.broadcast %reduce_sum3A_1003 : i1 to vector<16xi1>
    %reduce_sum3A_1005 = tpu.scan <sum>, %get3A_1002 masked %reduce_sum3A_1004 : vector<16xf32>, vector<16xi1> -> vector<16xf32>
    %reduce_sum3A_1006 = vector.extract %reduce_sum3A_1005[15] : f32 from vector<16xf32>
    %broadcast_in_dim3A_1007 = vector.broadcast %reduce_sum3A_1006 : f32 to vector<16xf32>
    %select_n3A_1008 = arith.select %eq3A_1000, %broadcast_in_dim3A_1007, %broadcast_in_dim3A_35 : vector<16xi1>, vector<16xf32>
    %eq3A_1009 = arith.constant 1 : i32
    %eq3A_1010 = vector.broadcast %eq3A_1009 : i32 to vector<16xi32>
    %eq3A_1011 = arith.cmpi eq, %iota3A, %eq3A_1010 : vector<16xi32>
    %get3A_1012 = arith.constant 528 : index
    %get3A_1013 = tpu.vector_load %arg16[%get3A_1012] {strides = array<i32>} : memref<1024xf32, #tpu.memory_space<vmem>>, vector<16xf32>,
    %reduce_sum3A_1014 = arith.constant true
    %reduce_sum3A_1015 = vector.broadcast %reduce_sum3A_1014 : i1 to vector<16xi1>
    %reduce_sum3A_1016 = tpu.scan <sum>, %get3A_1013 masked %reduce_sum3A_1015 : vector<16xf32>, vector<16xi1> -> vector<16xf32>
    %reduce_sum3A_1017 = vector.extract %reduce_sum3A_1016[15] : f32 from vector<16xf32>
    %broadcast_in_dim3A_1018 = vector.broadcast %reduce_sum3A_1017 : f32 to vector<16xf32>
    %select_n3A_1019 = arith.select %eq3A_1011, %broadcast_in_dim3A_1018, %select_n3A_1008 : vector<16xi1>, vector<16xf32>
    %eq3A_1020 = arith.constant 2 : i32
    %eq3A_1021 = vector.broadcast %eq3A_1020 : i32 to vector<16xi32>
    %eq3A_1022 = arith.cmpi eq, %iota3A, %eq3A_1021 : vector<16xi32>
    %get3A_1023 = arith.constant 544 : index
    %get3A_1024 = tpu.vector_load %arg16[%get3A_1023] {strides = array<i32>} : memref<1024xf32, #tpu.memory_space<vmem>>, vector<16xf32>,
    %reduce_sum3A_1025 = arith.constant true
    %reduce_sum3A_1026 = vector.broadcast %reduce_sum3A_1025 : i1 to vector<16xi1>
    %reduce_sum3A_1027 = tpu.scan <sum>, %get3A_1024 masked %reduce_sum3A_1026 : vector<16xf32>, vector<16xi1> -> vector<16xf32>
    %reduce_sum3A_1028 = vector.extract %reduce_sum3A_1027[15] : f32 from vector<16xf32>
    %broadcast_in_dim3A_1029 = vector.broadcast %reduce_sum3A_1028 : f32 to vector<16xf32>
    %select_n3A_1030 = arith.select %eq3A_1022, %broadcast_in_dim3A_1029, %select_n3A_1019 : vector<16xi1>, vector<16xf32>
    %eq3A_1031 = arith.constant 3 : i32
    %eq3A_1032 = vector.broadcast %eq3A_1031 : i32 to vector<16xi32>
    %eq3A_1033 = arith.cmpi eq, %iota3A, %eq3A_1032 : vector<16xi32>
    %get3A_1034 = arith.constant 560 : index
    %get3A_1035 = tpu.vector_load %arg16[%get3A_1034] {strides = array<i32>} : memref<1024xf32, #tpu.memory_space<vmem>>, vector<16xf32>,
    %reduce_sum3A_1036 = arith.constant true
    %reduce_sum3A_1037 = vector.broadcast %reduce_sum3A_1036 : i1 to vector<16xi1>
    %reduce_sum3A_1038 = tpu.scan <sum>, %get3A_1035 masked %reduce_sum3A_1037 : vector<16xf32>, vector<16xi1> -> vector<16xf32>
    %reduce_sum3A_1039 = vector.extract %reduce_sum3A_1038[15] : f32 from vector<16xf32>
    %broadcast_in_dim3A_1040 = vector.broadcast %reduce_sum3A_1039 : f32 to vector<16xf32>
    %select_n3A_1041 = arith.select %eq3A_1033, %broadcast_in_dim3A_1040, %select_n3A_1030 : vector<16xi1>, vector<16xf32>
    %eq3A_1042 = arith.constant 4 : i32
    %eq3A_1043 = vector.broadcast %eq3A_1042 : i32 to vector<16xi32>
    %eq3A_1044 = arith.cmpi eq, %iota3A, %eq3A_1043 : vector<16xi32>
    %get3A_1045 = arith.constant 576 : index
    %get3A_1046 = tpu.vector_load %arg16[%get3A_1045] {strides = array<i32>} : memref<1024xf32, #tpu.memory_space<vmem>>, vector<16xf32>,
    %reduce_sum3A_1047 = arith.constant true
    %reduce_sum3A_1048 = vector.broadcast %reduce_sum3A_1047 : i1 to vector<16xi1>
    %reduce_sum3A_1049 = tpu.scan <sum>, %get3A_1046 masked %reduce_sum3A_1048 : vector<16xf32>, vector<16xi1> -> vector<16xf32>
    %reduce_sum3A_1050 = vector.extract %reduce_sum3A_1049[15] : f32 from vector<16xf32>
    %broadcast_in_dim3A_1051 = vector.broadcast %reduce_sum3A_1050 : f32 to vector<16xf32>
    %select_n3A_1052 = arith.select %eq3A_1044, %broadcast_in_dim3A_1051, %select_n3A_1041 : vector<16xi1>, vector<16xf32>
    %eq3A_1053 = arith.constant 5 : i32
    %eq3A_1054 = vector.broadcast %eq3A_1053 : i32 to vector<16xi32>
    %eq3A_1055 = arith.cmpi eq, %iota3A, %eq3A_1054 : vector<16xi32>
    %get3A_1056 = arith.constant 592 : index
    %get3A_1057 = tpu.vector_load %arg16[%get3A_1056] {strides = array<i32>} : memref<1024xf32, #tpu.memory_space<vmem>>, vector<16xf32>,
    %reduce_sum3A_1058 = arith.constant true
    %reduce_sum3A_1059 = vector.broadcast %reduce_sum3A_1058 : i1 to vector<16xi1>
    %reduce_sum3A_1060 = tpu.scan <sum>, %get3A_1057 masked %reduce_sum3A_1059 : vector<16xf32>, vector<16xi1> -> vector<16xf32>
    %reduce_sum3A_1061 = vector.extract %reduce_sum3A_1060[15] : f32 from vector<16xf32>
    %broadcast_in_dim3A_1062 = vector.broadcast %reduce_sum3A_1061 : f32 to vector<16xf32>
    %select_n3A_1063 = arith.select %eq3A_1055, %broadcast_in_dim3A_1062, %select_n3A_1052 : vector<16xi1>, vector<16xf32>
    %eq3A_1064 = arith.constant 6 : i32
    %eq3A_1065 = vector.broadcast %eq3A_1064 : i32 to vector<16xi32>
    %eq3A_1066 = arith.cmpi eq, %iota3A, %eq3A_1065 : vector<16xi32>
    %get3A_1067 = arith.constant 608 : index
    %get3A_1068 = tpu.vector_load %arg16[%get3A_1067] {strides = array<i32>} : memref<1024xf32, #tpu.memory_space<vmem>>, vector<16xf32>,
    %reduce_sum3A_1069 = arith.constant true
    %reduce_sum3A_1070 = vector.broadcast %reduce_sum3A_1069 : i1 to vector<16xi1>
    %reduce_sum3A_1071 = tpu.scan <sum>, %get3A_1068 masked %reduce_sum3A_1070 : vector<16xf32>, vector<16xi1> -> vector<16xf32>
    %reduce_sum3A_1072 = vector.extract %reduce_sum3A_1071[15] : f32 from vector<16xf32>
    %broadcast_in_dim3A_1073 = vector.broadcast %reduce_sum3A_1072 : f32 to vector<16xf32>
    %select_n3A_1074 = arith.select %eq3A_1066, %broadcast_in_dim3A_1073, %select_n3A_1063 : vector<16xi1>, vector<16xf32>
    %eq3A_1075 = arith.constant 7 : i32
    %eq3A_1076 = vector.broadcast %eq3A_1075 : i32 to vector<16xi32>
    %eq3A_1077 = arith.cmpi eq, %iota3A, %eq3A_1076 : vector<16xi32>
    %get3A_1078 = arith.constant 624 : index
    %get3A_1079 = tpu.vector_load %arg16[%get3A_1078] {strides = array<i32>} : memref<1024xf32, #tpu.memory_space<vmem>>, vector<16xf32>,
    %reduce_sum3A_1080 = arith.constant true
    %reduce_sum3A_1081 = vector.broadcast %reduce_sum3A_1080 : i1 to vector<16xi1>
    %reduce_sum3A_1082 = tpu.scan <sum>, %get3A_1079 masked %reduce_sum3A_1081 : vector<16xf32>, vector<16xi1> -> vector<16xf32>
    %reduce_sum3A_1083 = vector.extract %reduce_sum3A_1082[15] : f32 from vector<16xf32>
    %broadcast_in_dim3A_1084 = vector.broadcast %reduce_sum3A_1083 : f32 to vector<16xf32>
    %select_n3A_1085 = arith.select %eq3A_1077, %broadcast_in_dim3A_1084, %select_n3A_1074 : vector<16xi1>, vector<16xf32>
    %eq3A_1086 = arith.constant 8 : i32
    %eq3A_1087 = vector.broadcast %eq3A_1086 : i32 to vector<16xi32>
    %eq3A_1088 = arith.cmpi eq, %iota3A, %eq3A_1087 : vector<16xi32>
    %get3A_1089 = arith.constant 640 : index
    %get3A_1090 = tpu.vector_load %arg16[%get3A_1089] {strides = array<i32>} : memref<1024xf32, #tpu.memory_space<vmem>>, vector<16xf32>,
    %reduce_sum3A_1091 = arith.constant true
    %reduce_sum3A_1092 = vector.broadcast %reduce_sum3A_1091 : i1 to vector<16xi1>
    %reduce_sum3A_1093 = tpu.scan <sum>, %get3A_1090 masked %reduce_sum3A_1092 : vector<16xf32>, vector<16xi1> -> vector<16xf32>
    %reduce_sum3A_1094 = vector.extract %reduce_sum3A_1093[15] : f32 from vector<16xf32>
    %broadcast_in_dim3A_1095 = vector.broadcast %reduce_sum3A_1094 : f32 to vector<16xf32>
    %select_n3A_1096 = arith.select %eq3A_1088, %broadcast_in_dim3A_1095, %select_n3A_1085 : vector<16xi1>, vector<16xf32>
    %eq3A_1097 = arith.constant 9 : i32
    %eq3A_1098 = vector.broadcast %eq3A_1097 : i32 to vector<16xi32>
    %eq3A_1099 = arith.cmpi eq, %iota3A, %eq3A_1098 : vector<16xi32>
    %get3A_1100 = arith.constant 656 : index
    %get3A_1101 = tpu.vector_load %arg16[%get3A_1100] {strides = array<i32>} : memref<1024xf32, #tpu.memory_space<vmem>>, vector<16xf32>,
    %reduce_sum3A_1102 = arith.constant true
    %reduce_sum3A_1103 = vector.broadcast %reduce_sum3A_1102 : i1 to vector<16xi1>
    %reduce_sum3A_1104 = tpu.scan <sum>, %get3A_1101 masked %reduce_sum3A_1103 : vector<16xf32>, vector<16xi1> -> vector<16xf32>
    %reduce_sum3A_1105 = vector.extract %reduce_sum3A_1104[15] : f32 from vector<16xf32>
    %broadcast_in_dim3A_1106 = vector.broadcast %reduce_sum3A_1105 : f32 to vector<16xf32>
    %select_n3A_1107 = arith.select %eq3A_1099, %broadcast_in_dim3A_1106, %select_n3A_1096 : vector<16xi1>, vector<16xf32>
    %eq3A_1108 = arith.constant 10 : i32
    %eq3A_1109 = vector.broadcast %eq3A_1108 : i32 to vector<16xi32>
    %eq3A_1110 = arith.cmpi eq, %iota3A, %eq3A_1109 : vector<16xi32>
    %get3A_1111 = arith.constant 672 : index
    %get3A_1112 = tpu.vector_load %arg16[%get3A_1111] {strides = array<i32>} : memref<1024xf32, #tpu.memory_space<vmem>>, vector<16xf32>,
    %reduce_sum3A_1113 = arith.constant true
    %reduce_sum3A_1114 = vector.broadcast %reduce_sum3A_1113 : i1 to vector<16xi1>
    %reduce_sum3A_1115 = tpu.scan <sum>, %get3A_1112 masked %reduce_sum3A_1114 : vector<16xf32>, vector<16xi1> -> vector<16xf32>
    %reduce_sum3A_1116 = vector.extract %reduce_sum3A_1115[15] : f32 from vector<16xf32>
    %broadcast_in_dim3A_1117 = vector.broadcast %reduce_sum3A_1116 : f32 to vector<16xf32>
    %select_n3A_1118 = arith.select %eq3A_1110, %broadcast_in_dim3A_1117, %select_n3A_1107 : vector<16xi1>, vector<16xf32>
    %eq3A_1119 = arith.constant 11 : i32
    %eq3A_1120 = vector.broadcast %eq3A_1119 : i32 to vector<16xi32>
    %eq3A_1121 = arith.cmpi eq, %iota3A, %eq3A_1120 : vector<16xi32>
    %get3A_1122 = arith.constant 688 : index
    %get3A_1123 = tpu.vector_load %arg16[%get3A_1122] {strides = array<i32>} : memref<1024xf32, #tpu.memory_space<vmem>>, vector<16xf32>,
    %reduce_sum3A_1124 = arith.constant true
    %reduce_sum3A_1125 = vector.broadcast %reduce_sum3A_1124 : i1 to vector<16xi1>
    %reduce_sum3A_1126 = tpu.scan <sum>, %get3A_1123 masked %reduce_sum3A_1125 : vector<16xf32>, vector<16xi1> -> vector<16xf32>
    %reduce_sum3A_1127 = vector.extract %reduce_sum3A_1126[15] : f32 from vector<16xf32>
    %broadcast_in_dim3A_1128 = vector.broadcast %reduce_sum3A_1127 : f32 to vector<16xf32>
    %select_n3A_1129 = arith.select %eq3A_1121, %broadcast_in_dim3A_1128, %select_n3A_1118 : vector<16xi1>, vector<16xf32>
    %eq3A_1130 = arith.constant 12 : i32
    %eq3A_1131 = vector.broadcast %eq3A_1130 : i32 to vector<16xi32>
    %eq3A_1132 = arith.cmpi eq, %iota3A, %eq3A_1131 : vector<16xi32>
    %get3A_1133 = arith.constant 704 : index
    %get3A_1134 = tpu.vector_load %arg16[%get3A_1133] {strides = array<i32>} : memref<1024xf32, #tpu.memory_space<vmem>>, vector<16xf32>,
    %reduce_sum3A_1135 = arith.constant true
    %reduce_sum3A_1136 = vector.broadcast %reduce_sum3A_1135 : i1 to vector<16xi1>
    %reduce_sum3A_1137 = tpu.scan <sum>, %get3A_1134 masked %reduce_sum3A_1136 : vector<16xf32>, vector<16xi1> -> vector<16xf32>
    %reduce_sum3A_1138 = vector.extract %reduce_sum3A_1137[15] : f32 from vector<16xf32>
    %broadcast_in_dim3A_1139 = vector.broadcast %reduce_sum3A_1138 : f32 to vector<16xf32>
    %select_n3A_1140 = arith.select %eq3A_1132, %broadcast_in_dim3A_1139, %select_n3A_1129 : vector<16xi1>, vector<16xf32>
    %eq3A_1141 = arith.constant 13 : i32
    %eq3A_1142 = vector.broadcast %eq3A_1141 : i32 to vector<16xi32>
    %eq3A_1143 = arith.cmpi eq, %iota3A, %eq3A_1142 : vector<16xi32>
    %get3A_1144 = arith.constant 720 : index
    %get3A_1145 = tpu.vector_load %arg16[%get3A_1144] {strides = array<i32>} : memref<1024xf32, #tpu.memory_space<vmem>>, vector<16xf32>,
    %reduce_sum3A_1146 = arith.constant true
    %reduce_sum3A_1147 = vector.broadcast %reduce_sum3A_1146 : i1 to vector<16xi1>
    %reduce_sum3A_1148 = tpu.scan <sum>, %get3A_1145 masked %reduce_sum3A_1147 : vector<16xf32>, vector<16xi1> -> vector<16xf32>
    %reduce_sum3A_1149 = vector.extract %reduce_sum3A_1148[15] : f32 from vector<16xf32>
    %broadcast_in_dim3A_1150 = vector.broadcast %reduce_sum3A_1149 : f32 to vector<16xf32>
    %select_n3A_1151 = arith.select %eq3A_1143, %broadcast_in_dim3A_1150, %select_n3A_1140 : vector<16xi1>, vector<16xf32>
    %eq3A_1152 = arith.constant 14 : i32
    %eq3A_1153 = vector.broadcast %eq3A_1152 : i32 to vector<16xi32>
    %eq3A_1154 = arith.cmpi eq, %iota3A, %eq3A_1153 : vector<16xi32>
    %get3A_1155 = arith.constant 736 : index
    %get3A_1156 = tpu.vector_load %arg16[%get3A_1155] {strides = array<i32>} : memref<1024xf32, #tpu.memory_space<vmem>>, vector<16xf32>,
    %reduce_sum3A_1157 = arith.constant true
    %reduce_sum3A_1158 = vector.broadcast %reduce_sum3A_1157 : i1 to vector<16xi1>
    %reduce_sum3A_1159 = tpu.scan <sum>, %get3A_1156 masked %reduce_sum3A_1158 : vector<16xf32>, vector<16xi1> -> vector<16xf32>
    %reduce_sum3A_1160 = vector.extract %reduce_sum3A_1159[15] : f32 from vector<16xf32>
    %broadcast_in_dim3A_1161 = vector.broadcast %reduce_sum3A_1160 : f32 to vector<16xf32>
    %select_n3A_1162 = arith.select %eq3A_1154, %broadcast_in_dim3A_1161, %select_n3A_1151 : vector<16xi1>, vector<16xf32>
    %eq3A_1163 = arith.constant 15 : i32
    %eq3A_1164 = vector.broadcast %eq3A_1163 : i32 to vector<16xi32>
    %eq3A_1165 = arith.cmpi eq, %iota3A, %eq3A_1164 : vector<16xi32>
    %get3A_1166 = arith.constant 752 : index
    %get3A_1167 = tpu.vector_load %arg16[%get3A_1166] {strides = array<i32>} : memref<1024xf32, #tpu.memory_space<vmem>>, vector<16xf32>,
    %reduce_sum3A_1168 = arith.constant true
    %reduce_sum3A_1169 = vector.broadcast %reduce_sum3A_1168 : i1 to vector<16xi1>
    %reduce_sum3A_1170 = tpu.scan <sum>, %get3A_1167 masked %reduce_sum3A_1169 : vector<16xf32>, vector<16xi1> -> vector<16xf32>
    %reduce_sum3A_1171 = vector.extract %reduce_sum3A_1170[15] : f32 from vector<16xf32>
    %broadcast_in_dim3A_1172 = vector.broadcast %reduce_sum3A_1171 : f32 to vector<16xf32>
    %select_n3A_1173 = arith.select %eq3A_1165, %broadcast_in_dim3A_1172, %select_n3A_1162 : vector<16xi1>, vector<16xf32>
    %swap3A_1174 = arith.constant 32 : index
    %swap3A_1175 = tpu.vector_load %arg17[%swap3A_1174] {strides = array<i32>} : memref<64xf32, #tpu.memory_space<vmem>>, vector<16xf32>,
    tpu.vector_store %arg17[%swap3A_1174], %select_n3A_1173 {strides = array<i32>} : memref<64xf32, #tpu.memory_space<vmem>>, vector<16xf32>,
    %eq3A_1176 = arith.constant 0 : i32
    %eq3A_1177 = vector.broadcast %eq3A_1176 : i32 to vector<16xi32>
    %eq3A_1178 = arith.cmpi eq, %iota3A, %eq3A_1177 : vector<16xi32>
    %get3A_1179 = arith.constant 768 : index
    %get3A_1180 = tpu.vector_load %arg16[%get3A_1179] {strides = array<i32>} : memref<1024xf32, #tpu.memory_space<vmem>>, vector<16xf32>,
    %reduce_sum3A_1181 = arith.constant true
    %reduce_sum3A_1182 = vector.broadcast %reduce_sum3A_1181 : i1 to vector<16xi1>
    %reduce_sum3A_1183 = tpu.scan <sum>, %get3A_1180 masked %reduce_sum3A_1182 : vector<16xf32>, vector<16xi1> -> vector<16xf32>
    %reduce_sum3A_1184 = vector.extract %reduce_sum3A_1183[15] : f32 from vector<16xf32>
    %broadcast_in_dim3A_1185 = vector.broadcast %reduce_sum3A_1184 : f32 to vector<16xf32>
    %select_n3A_1186 = arith.select %eq3A_1178, %broadcast_in_dim3A_1185, %broadcast_in_dim3A_35 : vector<16xi1>, vector<16xf32>
    %eq3A_1187 = arith.constant 1 : i32
    %eq3A_1188 = vector.broadcast %eq3A_1187 : i32 to vector<16xi32>
    %eq3A_1189 = arith.cmpi eq, %iota3A, %eq3A_1188 : vector<16xi32>
    %get3A_1190 = arith.constant 784 : index
    %get3A_1191 = tpu.vector_load %arg16[%get3A_1190] {strides = array<i32>} : memref<1024xf32, #tpu.memory_space<vmem>>, vector<16xf32>,
    %reduce_sum3A_1192 = arith.constant true
    %reduce_sum3A_1193 = vector.broadcast %reduce_sum3A_1192 : i1 to vector<16xi1>
    %reduce_sum3A_1194 = tpu.scan <sum>, %get3A_1191 masked %reduce_sum3A_1193 : vector<16xf32>, vector<16xi1> -> vector<16xf32>
    %reduce_sum3A_1195 = vector.extract %reduce_sum3A_1194[15] : f32 from vector<16xf32>
    %broadcast_in_dim3A_1196 = vector.broadcast %reduce_sum3A_1195 : f32 to vector<16xf32>
    %select_n3A_1197 = arith.select %eq3A_1189, %broadcast_in_dim3A_1196, %select_n3A_1186 : vector<16xi1>, vector<16xf32>
    %eq3A_1198 = arith.constant 2 : i32
    %eq3A_1199 = vector.broadcast %eq3A_1198 : i32 to vector<16xi32>
    %eq3A_1200 = arith.cmpi eq, %iota3A, %eq3A_1199 : vector<16xi32>
    %get3A_1201 = arith.constant 800 : index
    %get3A_1202 = tpu.vector_load %arg16[%get3A_1201] {strides = array<i32>} : memref<1024xf32, #tpu.memory_space<vmem>>, vector<16xf32>,
    %reduce_sum3A_1203 = arith.constant true
    %reduce_sum3A_1204 = vector.broadcast %reduce_sum3A_1203 : i1 to vector<16xi1>
    %reduce_sum3A_1205 = tpu.scan <sum>, %get3A_1202 masked %reduce_sum3A_1204 : vector<16xf32>, vector<16xi1> -> vector<16xf32>
    %reduce_sum3A_1206 = vector.extract %reduce_sum3A_1205[15] : f32 from vector<16xf32>
    %broadcast_in_dim3A_1207 = vector.broadcast %reduce_sum3A_1206 : f32 to vector<16xf32>
    %select_n3A_1208 = arith.select %eq3A_1200, %broadcast_in_dim3A_1207, %select_n3A_1197 : vector<16xi1>, vector<16xf32>
    %eq3A_1209 = arith.constant 3 : i32
    %eq3A_1210 = vector.broadcast %eq3A_1209 : i32 to vector<16xi32>
    %eq3A_1211 = arith.cmpi eq, %iota3A, %eq3A_1210 : vector<16xi32>
    %get3A_1212 = arith.constant 816 : index
    %get3A_1213 = tpu.vector_load %arg16[%get3A_1212] {strides = array<i32>} : memref<1024xf32, #tpu.memory_space<vmem>>, vector<16xf32>,
    %reduce_sum3A_1214 = arith.constant true
    %reduce_sum3A_1215 = vector.broadcast %reduce_sum3A_1214 : i1 to vector<16xi1>
    %reduce_sum3A_1216 = tpu.scan <sum>, %get3A_1213 masked %reduce_sum3A_1215 : vector<16xf32>, vector<16xi1> -> vector<16xf32>
    %reduce_sum3A_1217 = vector.extract %reduce_sum3A_1216[15] : f32 from vector<16xf32>
    %broadcast_in_dim3A_1218 = vector.broadcast %reduce_sum3A_1217 : f32 to vector<16xf32>
    %select_n3A_1219 = arith.select %eq3A_1211, %broadcast_in_dim3A_1218, %select_n3A_1208 : vector<16xi1>, vector<16xf32>
    %eq3A_1220 = arith.constant 4 : i32
    %eq3A_1221 = vector.broadcast %eq3A_1220 : i32 to vector<16xi32>
    %eq3A_1222 = arith.cmpi eq, %iota3A, %eq3A_1221 : vector<16xi32>
    %get3A_1223 = arith.constant 832 : index
    %get3A_1224 = tpu.vector_load %arg16[%get3A_1223] {strides = array<i32>} : memref<1024xf32, #tpu.memory_space<vmem>>, vector<16xf32>,
    %reduce_sum3A_1225 = arith.constant true
    %reduce_sum3A_1226 = vector.broadcast %reduce_sum3A_1225 : i1 to vector<16xi1>
    %reduce_sum3A_1227 = tpu.scan <sum>, %get3A_1224 masked %reduce_sum3A_1226 : vector<16xf32>, vector<16xi1> -> vector<16xf32>
    %reduce_sum3A_1228 = vector.extract %reduce_sum3A_1227[15] : f32 from vector<16xf32>
    %broadcast_in_dim3A_1229 = vector.broadcast %reduce_sum3A_1228 : f32 to vector<16xf32>
    %select_n3A_1230 = arith.select %eq3A_1222, %broadcast_in_dim3A_1229, %select_n3A_1219 : vector<16xi1>, vector<16xf32>
    %eq3A_1231 = arith.constant 5 : i32
    %eq3A_1232 = vector.broadcast %eq3A_1231 : i32 to vector<16xi32>
    %eq3A_1233 = arith.cmpi eq, %iota3A, %eq3A_1232 : vector<16xi32>
    %get3A_1234 = arith.constant 848 : index
    %get3A_1235 = tpu.vector_load %arg16[%get3A_1234] {strides = array<i32>} : memref<1024xf32, #tpu.memory_space<vmem>>, vector<16xf32>,
    %reduce_sum3A_1236 = arith.constant true
    %reduce_sum3A_1237 = vector.broadcast %reduce_sum3A_1236 : i1 to vector<16xi1>
    %reduce_sum3A_1238 = tpu.scan <sum>, %get3A_1235 masked %reduce_sum3A_1237 : vector<16xf32>, vector<16xi1> -> vector<16xf32>
    %reduce_sum3A_1239 = vector.extract %reduce_sum3A_1238[15] : f32 from vector<16xf32>
    %broadcast_in_dim3A_1240 = vector.broadcast %reduce_sum3A_1239 : f32 to vector<16xf32>
    %select_n3A_1241 = arith.select %eq3A_1233, %broadcast_in_dim3A_1240, %select_n3A_1230 : vector<16xi1>, vector<16xf32>
    %eq3A_1242 = arith.constant 6 : i32
    %eq3A_1243 = vector.broadcast %eq3A_1242 : i32 to vector<16xi32>
    %eq3A_1244 = arith.cmpi eq, %iota3A, %eq3A_1243 : vector<16xi32>
    %get3A_1245 = arith.constant 864 : index
    %get3A_1246 = tpu.vector_load %arg16[%get3A_1245] {strides = array<i32>} : memref<1024xf32, #tpu.memory_space<vmem>>, vector<16xf32>,
    %reduce_sum3A_1247 = arith.constant true
    %reduce_sum3A_1248 = vector.broadcast %reduce_sum3A_1247 : i1 to vector<16xi1>
    %reduce_sum3A_1249 = tpu.scan <sum>, %get3A_1246 masked %reduce_sum3A_1248 : vector<16xf32>, vector<16xi1> -> vector<16xf32>
    %reduce_sum3A_1250 = vector.extract %reduce_sum3A_1249[15] : f32 from vector<16xf32>
    %broadcast_in_dim3A_1251 = vector.broadcast %reduce_sum3A_1250 : f32 to vector<16xf32>
    %select_n3A_1252 = arith.select %eq3A_1244, %broadcast_in_dim3A_1251, %select_n3A_1241 : vector<16xi1>, vector<16xf32>
    %eq3A_1253 = arith.constant 7 : i32
    %eq3A_1254 = vector.broadcast %eq3A_1253 : i32 to vector<16xi32>
    %eq3A_1255 = arith.cmpi eq, %iota3A, %eq3A_1254 : vector<16xi32>
    %get3A_1256 = arith.constant 880 : index
    %get3A_1257 = tpu.vector_load %arg16[%get3A_1256] {strides = array<i32>} : memref<1024xf32, #tpu.memory_space<vmem>>, vector<16xf32>,
    %reduce_sum3A_1258 = arith.constant true
    %reduce_sum3A_1259 = vector.broadcast %reduce_sum3A_1258 : i1 to vector<16xi1>
    %reduce_sum3A_1260 = tpu.scan <sum>, %get3A_1257 masked %reduce_sum3A_1259 : vector<16xf32>, vector<16xi1> -> vector<16xf32>
    %reduce_sum3A_1261 = vector.extract %reduce_sum3A_1260[15] : f32 from vector<16xf32>
    %broadcast_in_dim3A_1262 = vector.broadcast %reduce_sum3A_1261 : f32 to vector<16xf32>
    %select_n3A_1263 = arith.select %eq3A_1255, %broadcast_in_dim3A_1262, %select_n3A_1252 : vector<16xi1>, vector<16xf32>
    %eq3A_1264 = arith.constant 8 : i32
    %eq3A_1265 = vector.broadcast %eq3A_1264 : i32 to vector<16xi32>
    %eq3A_1266 = arith.cmpi eq, %iota3A, %eq3A_1265 : vector<16xi32>
    %get3A_1267 = arith.constant 896 : index
    %get3A_1268 = tpu.vector_load %arg16[%get3A_1267] {strides = array<i32>} : memref<1024xf32, #tpu.memory_space<vmem>>, vector<16xf32>,
    %reduce_sum3A_1269 = arith.constant true
    %reduce_sum3A_1270 = vector.broadcast %reduce_sum3A_1269 : i1 to vector<16xi1>
    %reduce_sum3A_1271 = tpu.scan <sum>, %get3A_1268 masked %reduce_sum3A_1270 : vector<16xf32>, vector<16xi1> -> vector<16xf32>
    %reduce_sum3A_1272 = vector.extract %reduce_sum3A_1271[15] : f32 from vector<16xf32>
    %broadcast_in_dim3A_1273 = vector.broadcast %reduce_sum3A_1272 : f32 to vector<16xf32>
    %select_n3A_1274 = arith.select %eq3A_1266, %broadcast_in_dim3A_1273, %select_n3A_1263 : vector<16xi1>, vector<16xf32>
    %eq3A_1275 = arith.constant 9 : i32
    %eq3A_1276 = vector.broadcast %eq3A_1275 : i32 to vector<16xi32>
    %eq3A_1277 = arith.cmpi eq, %iota3A, %eq3A_1276 : vector<16xi32>
    %get3A_1278 = arith.constant 912 : index
    %get3A_1279 = tpu.vector_load %arg16[%get3A_1278] {strides = array<i32>} : memref<1024xf32, #tpu.memory_space<vmem>>, vector<16xf32>,
    %reduce_sum3A_1280 = arith.constant true
    %reduce_sum3A_1281 = vector.broadcast %reduce_sum3A_1280 : i1 to vector<16xi1>
    %reduce_sum3A_1282 = tpu.scan <sum>, %get3A_1279 masked %reduce_sum3A_1281 : vector<16xf32>, vector<16xi1> -> vector<16xf32>
    %reduce_sum3A_1283 = vector.extract %reduce_sum3A_1282[15] : f32 from vector<16xf32>
    %broadcast_in_dim3A_1284 = vector.broadcast %reduce_sum3A_1283 : f32 to vector<16xf32>
    %select_n3A_1285 = arith.select %eq3A_1277, %broadcast_in_dim3A_1284, %select_n3A_1274 : vector<16xi1>, vector<16xf32>
    %eq3A_1286 = arith.constant 10 : i32
    %eq3A_1287 = vector.broadcast %eq3A_1286 : i32 to vector<16xi32>
    %eq3A_1288 = arith.cmpi eq, %iota3A, %eq3A_1287 : vector<16xi32>
    %get3A_1289 = arith.constant 928 : index
    %get3A_1290 = tpu.vector_load %arg16[%get3A_1289] {strides = array<i32>} : memref<1024xf32, #tpu.memory_space<vmem>>, vector<16xf32>,
    %reduce_sum3A_1291 = arith.constant true
    %reduce_sum3A_1292 = vector.broadcast %reduce_sum3A_1291 : i1 to vector<16xi1>
    %reduce_sum3A_1293 = tpu.scan <sum>, %get3A_1290 masked %reduce_sum3A_1292 : vector<16xf32>, vector<16xi1> -> vector<16xf32>
    %reduce_sum3A_1294 = vector.extract %reduce_sum3A_1293[15] : f32 from vector<16xf32>
    %broadcast_in_dim3A_1295 = vector.broadcast %reduce_sum3A_1294 : f32 to vector<16xf32>
    %select_n3A_1296 = arith.select %eq3A_1288, %broadcast_in_dim3A_1295, %select_n3A_1285 : vector<16xi1>, vector<16xf32>
    %eq3A_1297 = arith.constant 11 : i32
    %eq3A_1298 = vector.broadcast %eq3A_1297 : i32 to vector<16xi32>
    %eq3A_1299 = arith.cmpi eq, %iota3A, %eq3A_1298 : vector<16xi32>
    %get3A_1300 = arith.constant 944 : index
    %get3A_1301 = tpu.vector_load %arg16[%get3A_1300] {strides = array<i32>} : memref<1024xf32, #tpu.memory_space<vmem>>, vector<16xf32>,
    %reduce_sum3A_1302 = arith.constant true
    %reduce_sum3A_1303 = vector.broadcast %reduce_sum3A_1302 : i1 to vector<16xi1>
    %reduce_sum3A_1304 = tpu.scan <sum>, %get3A_1301 masked %reduce_sum3A_1303 : vector<16xf32>, vector<16xi1> -> vector<16xf32>
    %reduce_sum3A_1305 = vector.extract %reduce_sum3A_1304[15] : f32 from vector<16xf32>
    %broadcast_in_dim3A_1306 = vector.broadcast %reduce_sum3A_1305 : f32 to vector<16xf32>
    %select_n3A_1307 = arith.select %eq3A_1299, %broadcast_in_dim3A_1306, %select_n3A_1296 : vector<16xi1>, vector<16xf32>
    %eq3A_1308 = arith.constant 12 : i32
    %eq3A_1309 = vector.broadcast %eq3A_1308 : i32 to vector<16xi32>
    %eq3A_1310 = arith.cmpi eq, %iota3A, %eq3A_1309 : vector<16xi32>
    %get3A_1311 = arith.constant 960 : index
    %get3A_1312 = tpu.vector_load %arg16[%get3A_1311] {strides = array<i32>} : memref<1024xf32, #tpu.memory_space<vmem>>, vector<16xf32>,
    %reduce_sum3A_1313 = arith.constant true
    %reduce_sum3A_1314 = vector.broadcast %reduce_sum3A_1313 : i1 to vector<16xi1>
    %reduce_sum3A_1315 = tpu.scan <sum>, %get3A_1312 masked %reduce_sum3A_1314 : vector<16xf32>, vector<16xi1> -> vector<16xf32>
    %reduce_sum3A_1316 = vector.extract %reduce_sum3A_1315[15] : f32 from vector<16xf32>
    %broadcast_in_dim3A_1317 = vector.broadcast %reduce_sum3A_1316 : f32 to vector<16xf32>
    %select_n3A_1318 = arith.select %eq3A_1310, %broadcast_in_dim3A_1317, %select_n3A_1307 : vector<16xi1>, vector<16xf32>
    %eq3A_1319 = arith.constant 13 : i32
    %eq3A_1320 = vector.broadcast %eq3A_1319 : i32 to vector<16xi32>
    %eq3A_1321 = arith.cmpi eq, %iota3A, %eq3A_1320 : vector<16xi32>
    %get3A_1322 = arith.constant 976 : index
    %get3A_1323 = tpu.vector_load %arg16[%get3A_1322] {strides = array<i32>} : memref<1024xf32, #tpu.memory_space<vmem>>, vector<16xf32>,
    %reduce_sum3A_1324 = arith.constant true
    %reduce_sum3A_1325 = vector.broadcast %reduce_sum3A_1324 : i1 to vector<16xi1>
    %reduce_sum3A_1326 = tpu.scan <sum>, %get3A_1323 masked %reduce_sum3A_1325 : vector<16xf32>, vector<16xi1> -> vector<16xf32>
    %reduce_sum3A_1327 = vector.extract %reduce_sum3A_1326[15] : f32 from vector<16xf32>
    %broadcast_in_dim3A_1328 = vector.broadcast %reduce_sum3A_1327 : f32 to vector<16xf32>
    %select_n3A_1329 = arith.select %eq3A_1321, %broadcast_in_dim3A_1328, %select_n3A_1318 : vector<16xi1>, vector<16xf32>
    %eq3A_1330 = arith.constant 14 : i32
    %eq3A_1331 = vector.broadcast %eq3A_1330 : i32 to vector<16xi32>
    %eq3A_1332 = arith.cmpi eq, %iota3A, %eq3A_1331 : vector<16xi32>
    %get3A_1333 = arith.constant 992 : index
    %get3A_1334 = tpu.vector_load %arg16[%get3A_1333] {strides = array<i32>} : memref<1024xf32, #tpu.memory_space<vmem>>, vector<16xf32>,
    %reduce_sum3A_1335 = arith.constant true
    %reduce_sum3A_1336 = vector.broadcast %reduce_sum3A_1335 : i1 to vector<16xi1>
    %reduce_sum3A_1337 = tpu.scan <sum>, %get3A_1334 masked %reduce_sum3A_1336 : vector<16xf32>, vector<16xi1> -> vector<16xf32>
    %reduce_sum3A_1338 = vector.extract %reduce_sum3A_1337[15] : f32 from vector<16xf32>
    %broadcast_in_dim3A_1339 = vector.broadcast %reduce_sum3A_1338 : f32 to vector<16xf32>
    %select_n3A_1340 = arith.select %eq3A_1332, %broadcast_in_dim3A_1339, %select_n3A_1329 : vector<16xi1>, vector<16xf32>
    %eq3A_1341 = arith.constant 15 : i32
    %eq3A_1342 = vector.broadcast %eq3A_1341 : i32 to vector<16xi32>
    %eq3A_1343 = arith.cmpi eq, %iota3A, %eq3A_1342 : vector<16xi32>
    %get3A_1344 = arith.constant 1008 : index
    %get3A_1345 = tpu.vector_load %arg16[%get3A_1344] {strides = array<i32>} : memref<1024xf32, #tpu.memory_space<vmem>>, vector<16xf32>,
    %reduce_sum3A_1346 = arith.constant true
    %reduce_sum3A_1347 = vector.broadcast %reduce_sum3A_1346 : i1 to vector<16xi1>
    %reduce_sum3A_1348 = tpu.scan <sum>, %get3A_1345 masked %reduce_sum3A_1347 : vector<16xf32>, vector<16xi1> -> vector<16xf32>
    %reduce_sum3A_1349 = vector.extract %reduce_sum3A_1348[15] : f32 from vector<16xf32>
    %broadcast_in_dim3A_1350 = vector.broadcast %reduce_sum3A_1349 : f32 to vector<16xf32>
    %select_n3A_1351 = arith.select %eq3A_1343, %broadcast_in_dim3A_1350, %select_n3A_1340 : vector<16xi1>, vector<16xf32>
    %swap3A_1352 = arith.constant 48 : index
    %swap3A_1353 = tpu.vector_load %arg17[%swap3A_1352] {strides = array<i32>} : memref<64xf32, #tpu.memory_space<vmem>>, vector<16xf32>,
    tpu.vector_store %arg17[%swap3A_1352], %select_n3A_1351 {strides = array<i32>} : memref<64xf32, #tpu.memory_space<vmem>>, vector<16xf32>,
    %mul3A_1354 = arith.constant 64 : i32
    %mul3A_1355 = arith.muli %add3A, %mul3A_1354 : i32
    "tpu.region"() ({
      %run_scoped3A = tpu.sem_alloc : memref<!tpu.dma_semaphore, #tpu.memory_space<semaphore_mem>>
      %dma_start3A_1364 = tpu.memref_slice %arg7[%mul3A_1355] : memref<2048xf32, #tpu.memory_space<hbm>> -> memref<64xf32, #tpu.memory_space<hbm>>
      %dma_start3A_1365 = tpu.memref_slice %arg7[%mul3A_1355] : memref<2048xf32, #tpu.memory_space<hbm>> -> memref<64xf32, #tpu.memory_space<hbm>>
      tpu.enqueue_dma source(%arg17 : memref<64xf32, #tpu.memory_space<vmem>>) target(%dma_start3A_1365 : memref<64xf32, #tpu.memory_space<hbm>>) target_semaphore(%run_scoped3A : memref<!tpu.dma_semaphore, #tpu.memory_space<semaphore_mem>>)
      %dma_wait3A = tpu.memref_slice %arg7[%mul3A_1355] : memref<2048xf32, #tpu.memory_space<hbm>> -> memref<64xf32, #tpu.memory_space<hbm>>
      %dma_wait3A_1366 = tpu.memref_slice %arg7[%mul3A_1355] : memref<2048xf32, #tpu.memory_space<hbm>> -> memref<64xf32, #tpu.memory_space<hbm>>
      tpu.wait_dma2 semaphore(%run_scoped3A : memref<!tpu.dma_semaphore, #tpu.memory_space<semaphore_mem>>) src(%arg17 : memref<64xf32, #tpu.memory_space<vmem>>) dst(%dma_wait3A_1366 : memref<64xf32, #tpu.memory_space<hbm>>)
      tpu.yield
    }) : () -> ()
    %add3A_1356 = vector.broadcast %reduce_max3A_628 : f32 to vector<16xf32>
    %add3A_1357 = arith.addf %broadcast_in_dim3A_35, %add3A_1356 : vector<16xf32>
    %swap3A_1358 = arith.constant 0 : index
    %swap3A_1359 = tpu.vector_load %arg18[%swap3A_1358] {strides = array<i32>} : memref<32xf32, #tpu.memory_space<vmem>>, vector<16xf32>,
    tpu.vector_store %arg18[%swap3A_1358], %add3A_1357 {strides = array<i32>} : memref<32xf32, #tpu.memory_space<vmem>>, vector<16xf32>,
    %swap3A_1360 = arith.constant 16 : index
    %swap3A_1361 = tpu.vector_load %arg18[%swap3A_1360] {strides = array<i32>} : memref<32xf32, #tpu.memory_space<vmem>>, vector<16xf32>,
    tpu.vector_store %arg18[%swap3A_1360], %scan3A_641 {strides = array<i32>} : memref<32xf32, #tpu.memory_space<vmem>>, vector<16xf32>,
    %mul3A_1362 = arith.constant 32 : i32
    %mul3A_1363 = arith.muli %add3A, %mul3A_1362 : i32
    "tpu.region"() ({
      %run_scoped3A = tpu.sem_alloc : memref<!tpu.dma_semaphore, #tpu.memory_space<semaphore_mem>>
      %dma_start3A_1364 = tpu.memref_slice %arg8[%mul3A_1363] : memref<1024xf32, #tpu.memory_space<hbm>> -> memref<32xf32, #tpu.memory_space<hbm>>
      %dma_start3A_1365 = tpu.memref_slice %arg8[%mul3A_1363] : memref<1024xf32, #tpu.memory_space<hbm>> -> memref<32xf32, #tpu.memory_space<hbm>>
      tpu.enqueue_dma source(%arg18 : memref<32xf32, #tpu.memory_space<vmem>>) target(%dma_start3A_1365 : memref<32xf32, #tpu.memory_space<hbm>>) target_semaphore(%run_scoped3A : memref<!tpu.dma_semaphore, #tpu.memory_space<semaphore_mem>>)
      %dma_wait3A = tpu.memref_slice %arg8[%mul3A_1363] : memref<1024xf32, #tpu.memory_space<hbm>> -> memref<32xf32, #tpu.memory_space<hbm>>
      %dma_wait3A_1366 = tpu.memref_slice %arg8[%mul3A_1363] : memref<1024xf32, #tpu.memory_space<hbm>> -> memref<32xf32, #tpu.memory_space<hbm>>
      tpu.wait_dma2 semaphore(%run_scoped3A : memref<!tpu.dma_semaphore, #tpu.memory_space<semaphore_mem>>) src(%arg18 : memref<32xf32, #tpu.memory_space<vmem>>) dst(%dma_wait3A_1366 : memref<32xf32, #tpu.memory_space<hbm>>)
      tpu.yield
    }) : () -> ()
    return
  }
}

module attributes {stable_mosaic.version = 14 : i64} {
  func.func @_tc_body(%arg0: i32, %arg1: i32, %arg2: memref<1x1x64xf32, #tpu.memory_space<vmem>>, %arg3: memref<1x64x4096xf32, #tpu.memory_space<vmem>>, %arg4: memref<1x64x4096xf32, #tpu.memory_space<vmem>>, %arg5: memref<1x1x4096xi32, #tpu.memory_space<vmem>>, %arg6: memref<1xf32, #tpu.memory_space<smem>>, %arg7: memref<1x1x1x64xf32, #tpu.memory_space<vmem>>, %arg8: memref<1x1x1x128xf32, #tpu.memory_space<vmem>>) attributes {dimension_semantics = [#tpu.dimension_semantics<arbitrary>, #tpu.dimension_semantics<arbitrary>], iteration_bounds = array<i64: 8, 10>, scalar_prefetch = 0 : i64, scratch_operands = 0 : i64, tpu.core_type = #tpu.core_type<tc>, window_params = [{transform_indices = @transform_0, window_bounds = array<i64: 1, 1, 64>}, {transform_indices = @transform_1, window_bounds = array<i64: 1, 64, 4096>}, {transform_indices = @transform_2, window_bounds = array<i64: 1, 64, 4096>}, {transform_indices = @transform_3, window_bounds = array<i64: 1, 1, 4096>}, {transform_indices = @transform_4, window_bounds = array<i64: 1>}, {transform_indices = @transform_5, window_bounds = array<i64: 1, 1, 1, 64>}, {transform_indices = @transform_6, window_bounds = array<i64: 1, 1, 1, 128>}]} {
    %get3A = arith.constant 0 : index
    %get3A_0 = memref.load %arg6[%get3A] : memref<1xf32, #tpu.memory_space<smem>>
    %get3A_1 = arith.constant 0 : index
    %get3A_2 = arith.constant 0 : index
    %get3A_3 = arith.constant 0 : index
    %get3A_4 = vector.load %arg2[%get3A_1, %get3A_2, %get3A_3] : memref<1x1x64xf32, #tpu.memory_space<vmem>>, vector<1x1x64xf32>
    %get3A_5 = vector.shape_cast %get3A_4 : vector<1x1x64xf32> to vector<1x64xf32>
    %convert_element_type3A = arith.truncf %get3A_5 : vector<1x64xf32> to vector<1x64xbf16>
    %get3A_6 = arith.constant 0 : index
    %get3A_7 = arith.constant 0 : index
    %get3A_8 = arith.constant 0 : index
    %get3A_9 = vector.load %arg3[%get3A_6, %get3A_7, %get3A_8] : memref<1x64x4096xf32, #tpu.memory_space<vmem>>, vector<1x64x4096xf32>
    %get3A_10 = vector.shape_cast %get3A_9 : vector<1x64x4096xf32> to vector<64x4096xf32>
    %convert_element_type3A_11 = arith.truncf %get3A_10 : vector<64x4096xf32> to vector<64x4096xbf16>
    %dot_general3A = arith.constant dense<0.000000e+00> : vector<1x4096xf32>
    %dot_general3A_12 = tpu.matmul %convert_element_type3A, %convert_element_type3A_11, %dot_general3A {dimension_numbers = #tpu.dot_dimension_numbers<[1], [0], [0], [1], [0, 0, 1, 1], [], []>, transpose_lhs_hint = false} : vector<1x64xbf16>, vector<64x4096xbf16>, vector<1x4096xf32> -> vector<1x4096xf32>
    %get3A_13 = arith.constant 0 : index
    %get3A_14 = arith.constant 0 : index
    %get3A_15 = arith.constant 0 : index
    %get3A_16 = vector.load %arg5[%get3A_13, %get3A_14, %get3A_15] : memref<1x1x4096xi32, #tpu.memory_space<vmem>>, vector<1x1x4096xi32>
    %get3A_17 = vector.shape_cast %get3A_16 : vector<1x1x4096xi32> to vector<1x4096xi32>
    %convert_element_type3A_18 = arith.sitofp %get3A_17 : vector<1x4096xi32> to vector<1x4096xf32>
    %mul3A = arith.constant 2.500000e+00 : f32
    %mul3A_19 = vector.broadcast %mul3A : f32 to vector<1x4096xf32>
    %mul3A_20 = arith.mulf %dot_general3A_12, %mul3A_19 : vector<1x4096xf32>
    %sub3A = vector.broadcast %get3A_0 : f32 to vector<1x4096xf32>
    %sub3A_21 = arith.subf %sub3A, %convert_element_type3A_18 : vector<1x4096xf32>
    %abs3A = math.absf %sub3A_21 : vector<1x4096xf32>
    %mul3A_22 = arith.constant 0.00999999977 : f32
    %mul3A_23 = vector.broadcast %mul3A_22 : f32 to vector<1x4096xf32>
    %mul3A_24 = arith.mulf %mul3A_23, %abs3A : vector<1x4096xf32>
    %sub3A_25 = arith.subf %mul3A_20, %mul3A_24 : vector<1x4096xf32>
    %reduce_max3A = vector.shape_cast %sub3A_25 : vector<1x4096xf32> to vector<1x1x4096xf32>
    %reduce_max3A_26 = arith.constant dense<0xFF800000> : vector<1xf32>
    %reduce_max3A_27 = vector.multi_reduction <maximumf>, %reduce_max3A, %reduce_max3A_26 [1, 2] : vector<1x1x4096xf32> to vector<1xf32>
    %reduce_max3A_28 = vector.shape_cast %reduce_max3A_27 : vector<1xf32> to vector<1x1x1xf32>
    %reduce_max3A_29 = vector.extract %reduce_max3A_28[0, 0, 0] : f32 from vector<1x1x1xf32>
    %sub3A_30 = vector.broadcast %reduce_max3A_29 : f32 to vector<1x4096xf32>
    %sub3A_31 = arith.subf %sub3A_25, %sub3A_30 : vector<1x4096xf32>
    %exp3A = math.exp %sub3A_31 : vector<1x4096xf32>
    %reduce_sum3A = vector.shape_cast %exp3A : vector<1x4096xf32> to vector<1x1x4096xf32>
    %reduce_sum3A_32 = arith.constant dense<0.000000e+00> : vector<1xf32>
    %reduce_sum3A_33 = vector.multi_reduction <add>, %reduce_sum3A, %reduce_sum3A_32 [1, 2] : vector<1x1x4096xf32> to vector<1xf32>
    %reduce_sum3A_34 = vector.shape_cast %reduce_sum3A_33 : vector<1xf32> to vector<1x1x1xf32>
    %reduce_sum3A_35 = vector.extract %reduce_sum3A_34[0, 0, 0] : f32 from vector<1x1x1xf32>
    %convert_element_type3A_36 = arith.truncf %exp3A : vector<1x4096xf32> to vector<1x4096xbf16>
    %get3A_37 = arith.constant 0 : index
    %get3A_38 = arith.constant 0 : index
    %get3A_39 = arith.constant 0 : index
    %get3A_40 = vector.load %arg4[%get3A_37, %get3A_38, %get3A_39] : memref<1x64x4096xf32, #tpu.memory_space<vmem>>, vector<1x64x4096xf32>
    %get3A_41 = vector.shape_cast %get3A_40 : vector<1x64x4096xf32> to vector<64x4096xf32>
    %convert_element_type3A_42 = arith.truncf %get3A_41 : vector<64x4096xf32> to vector<64x4096xbf16>
    %dot_general3A_43 = arith.constant dense<0.000000e+00> : vector<1x64xf32>
    %dot_general3A_44 = tpu.matmul %convert_element_type3A_36, %convert_element_type3A_42, %dot_general3A_43 {dimension_numbers = #tpu.dot_dimension_numbers<[1], [1], [0], [0], [0, 0, 1, 0], [], []>, transpose_lhs_hint = false} : vector<1x4096xbf16>, vector<64x4096xbf16>, vector<1x64xf32> -> vector<1x64xf32>
    %reshape3A = vector.shape_cast %dot_general3A_44 : vector<1x64xf32> to vector<1x1x1x64xf32>
    %swap3A = arith.constant 0 : index
    %swap3A_45 = arith.constant 0 : index
    %swap3A_46 = arith.constant 0 : index
    %swap3A_47 = arith.constant 0 : index
    %swap3A_48 = vector.load %arg7[%swap3A, %swap3A_45, %swap3A_46, %swap3A_47] : memref<1x1x1x64xf32, #tpu.memory_space<vmem>>, vector<1x1x1x64xf32>
    tpu.vector_store %arg7[%swap3A, %swap3A_45, %swap3A_46, %swap3A_47], %reshape3A {strides = array<i32>} : memref<1x1x1x64xf32, #tpu.memory_space<vmem>>, vector<1x1x1x64xf32>,
    %iota3A = tpu.iota {dimensions = array<i32: 3>} : vector<1x1x1x128xi32>
    %eq3A = arith.constant 0 : i32
    %eq3A_49 = vector.broadcast %eq3A : i32 to vector<1x1x1x128xi32>
    %eq3A_50 = arith.cmpi eq, %iota3A, %eq3A_49 : vector<1x1x1x128xi32>
    %eq3A_51 = arith.constant 1 : i32
    %eq3A_52 = vector.broadcast %eq3A_51 : i32 to vector<1x1x1x128xi32>
    %eq3A_53 = arith.cmpi eq, %iota3A, %eq3A_52 : vector<1x1x1x128xi32>
    %jit3A = arith.constant 0.000000e+00 : f32
    %broadcast_in_dim3A = vector.broadcast %reduce_sum3A_35 : f32 to vector<1x1x1x128xf32>
    %broadcast_in_dim3A_54 = vector.broadcast %jit3A : f32 to vector<1x1x1x128xf32>
    %select_n3A = arith.select %eq3A_53, %broadcast_in_dim3A, %broadcast_in_dim3A_54 : vector<1x1x1x128xi1>, vector<1x1x1x128xf32>
    %broadcast_in_dim3A_55 = vector.broadcast %reduce_max3A_29 : f32 to vector<1x1x1x128xf32>
    %select_n3A_56 = arith.select %eq3A_50, %broadcast_in_dim3A_55, %select_n3A : vector<1x1x1x128xi1>, vector<1x1x1x128xf32>
    %swap3A_57 = arith.constant 0 : index
    %swap3A_58 = arith.constant 0 : index
    %swap3A_59 = arith.constant 0 : index
    %swap3A_60 = arith.constant 0 : index
    %swap3A_61 = vector.load %arg8[%swap3A_57, %swap3A_58, %swap3A_59, %swap3A_60] : memref<1x1x1x128xf32, #tpu.memory_space<vmem>>, vector<1x1x1x128xf32>
    tpu.vector_store %arg8[%swap3A_57, %swap3A_58, %swap3A_59, %swap3A_60], %select_n3A_56 {strides = array<i32>} : memref<1x1x1x128xf32, #tpu.memory_space<vmem>>, vector<1x1x1x128xf32>,
    return
  }
  func.func @transform_0(%arg0: i32, %arg1: i32) -> (i32, i32, i32) {
    %c0_i32 = arith.constant 0 : i32
    %c0_i32_0 = arith.constant 0 : i32
    %c0_i32_1 = arith.constant 0 : i32
    return %arg0, %c0_i32, %c0_i32_0 : i32, i32, i32
  }
  func.func @transform_1(%arg0: i32, %arg1: i32) -> (i32, i32, i32) {
    %c0_i32 = arith.constant 0 : i32
    %c0_i32_0 = arith.constant 0 : i32
    return %arg0, %c0_i32, %arg1 : i32, i32, i32
  }
  func.func @transform_2(%arg0: i32, %arg1: i32) -> (i32, i32, i32) {
    %c0_i32 = arith.constant 0 : i32
    %c0_i32_0 = arith.constant 0 : i32
    return %arg0, %c0_i32, %arg1 : i32, i32, i32
  }
  func.func @transform_3(%arg0: i32, %arg1: i32) -> (i32, i32, i32) {
    %mul3A = arith.constant 10 : i32
    %mul3A_0 = arith.muli %arg0, %mul3A : i32
    %add3A = arith.addi %mul3A_0, %arg1 : i32
    %c0_i32 = arith.constant 0 : i32
    %c0_i32_1 = arith.constant 0 : i32
    %c0_i32_2 = arith.constant 0 : i32
    return %add3A, %c0_i32, %c0_i32_1 : i32, i32, i32
  }
  func.func @transform_4(%arg0: i32, %arg1: i32) -> i32 {
    %c0_i32 = arith.constant 0 : i32
    %c0_i32_0 = arith.constant 0 : i32
    return %c0_i32 : i32
  }
  func.func @transform_5(%arg0: i32, %arg1: i32) -> (i32, i32, i32, i32) {
    %c0_i32 = arith.constant 0 : i32
    %c0_i32_0 = arith.constant 0 : i32
    %c0_i32_1 = arith.constant 0 : i32
    return %arg0, %arg1, %c0_i32, %c0_i32_0 : i32, i32, i32, i32
  }
  func.func @transform_6(%arg0: i32, %arg1: i32) -> (i32, i32, i32, i32) {
    %c0_i32 = arith.constant 0 : i32
    %c0_i32_0 = arith.constant 0 : i32
    %c0_i32_1 = arith.constant 0 : i32
    return %arg0, %arg1, %c0_i32, %c0_i32_0 : i32, i32, i32, i32
  }
}

</mosaic_0001>

<sc_bundles>
// kernel: kernel.4.cloned.1.call-start
scs
__scs_entry_jumppad:
0x0: {  	(pc) =	sbr.rel $0x88, $3  }
0x1: {  	(tag) =	ssettag $0x0;
	lr =	simm.s32 $0x1  }
0x2: {  	[smem:$0x3F9C] =	sst lr;
	_ =	strace $0xD0000000  }
0x3: {  	_ = 	snop  }
0x4: {  	_ = 	snop  }
0x5: {  	_ = 	snop  }
0x6: {  	_ = 	snop  }
0x7: {  	_ = 	snop  }
__scs_overlays_trampoline_lowered:
0x8: {  	[smem:$0x3FAB] =	sst s0  }
0x9: {  	[smem:$0x3FAC] =	sst s1  }
0xa: {  	[smem:$0x3FAD] =	sst s2  }
0xb: {  	[smem:$0x3FAE] =	sst s3  }
0xc: {  	[smem:$0x3FAF] =	sst s4  }
0xd: {  	[smem:$0x3FB0] =	sst s5  }
0xe: {  	[smem:$0x3FB1] =	sst s6  }
0xf: {  	[smem:$0x3FB2] =	sst s7  }
0x10: {  	[smem:$0x3FB3] =	sst s8  }
0x11: {  	[smem:$0x3FB4] =	sst s9;
	s0 =	simm.s32 @!p0 $0x0  }
0x12: {  	s1 =	sld [smem:$0x3F9A];
	s0 =	simm.s32 @p0 $0x1  }
0x13: {  	[smem:$0x3FB5] =	sst s0;
	s0 =	simm.s32 @!p1 $0x0  }
0x14: {  	s2 =	sld [smem:$0x3F99];
	s0 =	simm.s32 @p1 $0x1  }
0x15: {  	[smem:$0x3FB6] =	sst s0;
	s0 =	simm.s32 @!p2 $0x0  }
0x16: {  	s3 =	sld [smem:$0x3FDB];
	s0 =	simm.s32 @p2 $0x1  }
0x17: {  	s4 =	simm.s32 $0x1BF5;
	[smem:$0x3FB8] =	sst s0  }
0x18: {  	s0 =	sld [smem:$0x3F9B];
	_ =	swait.ge [sflag:s4], $0x0  }
0x19: {  	s7 =	sld [smem:$0x3F9C]  }
0x1a: {  	s8 =	sadd.s32 $0xFFFFE003, lr  }
0x1b: {  	s9 =	sadd.s32 $0xFFFFFEF7, lr;
	s5 =	simm.s32 $0xFFFFFFFF;
	p2 =	slt.u32 s8, $0xFFFFF086  }
0x1c: {  	p1 =	slt.u32 s9, $0xF7A;
	s5 =	simm.s32 @!p2 $0x0  }
0x1d: {  	s5 =	simm.s32 @p1 $0x1;
	p0 =	seq.s32 s7, s2  }
0x1e: {  	s7 =	smul.u32 @!p0 $0xF7A, s2;
	p2 =	seq.s32 @!p0 s5, $0x0  }
0x1f: {  	s9 =	smul.u32 $0xF7A, s1;
	s8 =	simm.s32 @!p0 $0x1BF5;
	p2 =	por !p2, p0  }
0x20: {  	[sflag:s8] =	ssyncset.s32 @!p0 $0xFFFFF086;
	s6 =	sadd.s32 @!p0 s3, s7;
	s7 =	simm.s32 @!p0 $0x108  }
0x21: {  	s3 =	sadd.s32 s3, s9;
	s6 =	sadd.s32 @!p0 $0x88, s6;
	s7 =	simm.s32 @p2 $0x1082  }
0x22: {  	[simem:s7], [sflag:s8] =	dma.local @!p0 [hbm:s6], $0xF7A  }
0x23: {  	s9 =	sor.u32 $0xD0000000, s2;
	s6 =	simm.s32 $0x108;
	_ =	swait.ge @!p0 [sflag:s8], $0x0  }
0x24: {  	s3 =	sadd.s32 $0x88, s3;
	s6 =	simm.s32 @!p1 $0x1082;
	[sflag:s4] =	ssyncset.s32 $0xFFFFF086  }
0x25: {  	[simem:s6], [sflag:s4] =	dma.local [hbm:s3], $0xF7A  }
0x26: {  	[smem:$0x3F9C] =	sst s1;
	(tag) =	ssettag s2;
	_ =	strace s9  }
0x27: {  	s1 =	sld [smem:$0x3FAC]  }
0x28: {  	s2 =	sld [smem:$0x3FAD]  }
0x29: {  	s4 =	sld [smem:$0x3FAF]  }
0x2a: {  	p0 =	seq.s32 s5, $0x0;
	s5 =	sld [smem:$0x3FB0]  }
0x2b: {  	s6 =	sld [smem:$0x3FB1]  }
0x2c: {  	s7 =	sld [smem:$0x3FB2]  }
0x2d: {  	s3 =	simm.s32 $0x108;
	s8 =	sld [smem:$0x3FB3]  }
0x2e: {  	s3 =	simm.s32 @!p0 $0x1082;
	s9 =	sld [smem:$0x3FB4]  }
0x2f: {  	lr =	sadd.s32 s0, s3;
	s0 =	sld [smem:$0x3FAB]  }
0x30: {  	s3 =	sld [smem:$0x3FAE]  }
0x31: {  	[smem:$0x3FB7] =	sst s10  }
0x32: {  	s10 =	sld [smem:$0x3FB5];
	_ =	sdelay $0x3  }
0x33: {  	p0 =	seq.s32 s10, $0x1;
	s10 =	sld [smem:$0x3FB7];
	_ =	sdelay $0x3  }
0x34: {  	[smem:$0x3FB7] =	sst s10  }
0x35: {  	s10 =	sld [smem:$0x3FB6];
	_ =	sdelay $0x3  }
0x36: {  	p1 =	seq.s32 s10, $0x1;
	s10 =	sld [smem:$0x3FB7];
	_ =	sdelay $0x3  }
0x37: {  	[smem:$0x3FB7] =	sst s10  }
0x38: {  	s10 =	sld [smem:$0x3FB8]  }
0x39: {  	_ = 	snop;
	(pc) =	sbr.ind lr, $3  }
0x3a: {  	_ = 	snop  }
0x3b: {  	_ = 	snop  }
0x3c: {  	p2 =	seq.s32 s10, $0x1;
	s10 =	sld [smem:$0x3FB7]  }
0x3d: {  	_ =	shalt  }
0x3e: {  	_ =	shalt  }
0x3f: {  	_ =	shalt  }
0x40: {  	_ =	shalt  }
0x41: {  	_ =	shalt  }
0x42: {  	_ =	shalt  }
0x43: {  	_ =	shalt  }
0x44: {  	_ =	shalt  }
0x45: {  	_ =	shalt  }
0x46: {  	_ =	shalt  }
0x47: {  	_ =	shalt  }
0x48: {  	_ =	shalt  }
0x49: {  	_ =	shalt  }
0x4a: {  	_ =	shalt  }
0x4b: {  	_ =	shalt  }
0x4c: {  	_ =	shalt  }
0x4d: {  	_ =	shalt  }
0x4e: {  	_ =	shalt  }
0x4f: {  	_ =	shalt  }
0x50: {  	_ =	shalt  }
0x51: {  	_ =	shalt  }
0x52: {  	_ =	shalt  }
0x53: {  	_ =	shalt  }
0x54: {  	_ =	shalt  }
0x55: {  	_ =	shalt  }
0x56: {  	_ =	shalt  }
0x57: {  	_ =	shalt  }
0x58: {  	_ =	shalt  }
0x59: {  	_ =	shalt  }
0x5a: {  	_ =	shalt  }
0x5b: {  	_ =	shalt  }
0x5c: {  	_ =	shalt  }
0x5d: {  	_ =	shalt  }
0x5e: {  	_ =	shalt  }
0x5f: {  	_ =	shalt  }
0x60: {  	_ =	shalt  }
0x61: {  	_ =	shalt  }
0x62: {  	_ =	shalt  }
0x63: {  	_ =	shalt  }
0x64: {  	_ =	shalt  }
0x65: {  	_ =	shalt  }
0x66: {  	_ =	shalt  }
0x67: {  	_ =	shalt  }
0x68: {  	_ =	shalt  }
0x69: {  	_ =	shalt  }
0x6a: {  	_ =	shalt  }
0x6b: {  	_ =	shalt  }
0x6c: {  	_ =	shalt  }
0x6d: {  	_ =	shalt  }
0x6e: {  	_ =	shalt  }
0x6f: {  	_ =	shalt  }
0x70: {  	_ =	shalt  }
0x71: {  	_ =	shalt  }
0x72: {  	_ =	shalt  }
0x73: {  	_ =	shalt  }
0x74: {  	_ =	shalt  }
0x75: {  	_ =	shalt  }
0x76: {  	_ =	shalt  }
0x77: {  	_ =	shalt  }
0x78: {  	_ =	shalt  }
0x79: {  	_ =	shalt  }
0x7a: {  	_ =	shalt  }
0x7b: {  	_ =	shalt  }
0x7c: {  	_ =	shalt  }
0x7d: {  	_ =	shalt  }
0x7e: {  	_ =	shalt  }
0x7f: {  	_ =	shalt  }
0x80: {  	_ =	shalt  }
0x81: {  	_ =	shalt  }
0x82: {  	_ =	shalt  }
0x83: {  	_ =	shalt  }
0x84: {  	_ =	shalt  }
0x85: {  	_ =	shalt  }
0x86: {  	_ =	shalt  }
0x87: {  	_ =	shalt  }
.Lfunc_end0:
.L_simem_size_0:
called_computation_lowered:
.L_overlay_start_0:
0x88: {  	s2 =	sld [smem:$0x3FD9]  }
0x89: {  	s3 =	sld [smem:$0x3FFE];
	_ =	sdelay $0x1  }
0x8a: {  	s1 =	srdreg.scid  }
0x8b: {  	s0 =	sand.u32 $0x1, s1  }
0x8c: {  	s17 =	sshll.u32 s0, $0xA;
	s2 =	sadd.s32 s3, s2  }
0x8d: {  	s2 =	sadd.s32 s2, s17  }
0x8e: {  	[smem:$0x3FC3] =	sst s2  }
0x8f: {  	_ = 	snop  }
0x90: {  	s2 =	sld [smem:$0x3FC9]  }
0x91: {  	s18 =	sld [smem:$0x3FC8]  }
0x92: {  	s4 =	sld [smem:$0x3FC7]  }
0x93: {  	s5 =	sld [smem:$0x3FC5]  }
0x94: {  	s6 =	sld [smem:$0x3FD0];
	(tm) =	ssettm $0x1  }
0x95: {  	s7 =	sld [smem:$0x3FFB];
	_ =	sdelay $0x3  }
0x96: {  	_ =	strace s7  }
0x97: {  	s7 =	sld [smem:$0x3FFC];
	_ =	sdelay $0x3  }
0x98: {  	_ =	strace s7  }
0x99: {  	s7 =	sld [smem:$0x3FFD];
	_ =	sdelay $0x3  }
0x9a: {  	_ =	strace s7  }
0x9b: {  	_ =	strace $0x8FFFFFFF  }
0x9c: {  	s19 =	sld [smem:$0x3FDB];
	_ =	sdelay $0x1  }
0x9d: {  	s8 =	simm.s32 $_scs_section_size  }
0x9e: {  	s9 =	simm.s32 $_size__tile_overlayer_lowered;
	s10 =	simm.s32 $_tile_overlayer_lowered  }
0x9f: {  	s22 =	simm.s32 $0x1BFF;
	s21 =	sshll.u32 s10, $0x1;
	s7 =	sadd.s32 s8, s19  }
0xa0: {  	s11 =	simm.s32 $0x0;
	s20 =	sshll.u32 s9, $0x1;
	s9 =	sadd.s32 s21, s7  }
0xa1: {  	[timem:s11], [sflag:s22] =	dma.local [hbm:s9], s20  }
0xa2: {  	_ =	swait.ge [sflag:s22], s20  }
0xa3: {  	s8 =	ssub.s32 $0x0, s20;
	[sflag:s22] =	ssyncset.done $0x0  }
0xa4: {  	[sflag:s22] =	ssyncadd.s32 s8;
	_ =	sdelay $0x1  }
0xa5: {  	s23 =	simm.s32 $0x1B8B  }
0xa6: {  	_ =	swait.ge [sflag:s23], $0x1  }
0xa7: {  	[sflag:s23] =	ssyncset.done $0x0  }
0xa8: {  	s25 =	simm.s32 $0x1B8E;
	s24 =	sld [smem:$0x3FFE];
	[sflag:s23] =	ssyncadd.s32 $0xFFFFFFFF  }
0xa9: {  	s26 =	simm.s32 $execute0_lowered;
	[smem:$0x3FD2] =	sst s25  }
0xaa: {  	s9 =	sshll.u32 s26, $0x1;
	_ =	strace $0x80000046;
	[dreg:$0x1] =	wrdreg $0xFFFFFFFF  }
0xab: {  	s28 =	simm.s32 $_size_execute0_lowered;
	s7 =	sadd.s32 s7, s9;
	[dreg:$0x0] =	wrdreg $0x0  }
0xac: {  	s9 =	sshll.u32 s28, $0x1;
	[dreg:$0x2] =	wrdreg s7  }
0xad: {  	[dreg:$0x3] =	wrdreg s9  }
0xae: {  	[dreg:$0x4] =	wrdreg $0xC0  }
0xaf: {  	_ =	task [dreg:s11], $0x5FFFF  }
0xb0: {  	[dreg:$0x1] =	wrdreg $0xFFFFFFFF  }
0xb1: {  	[dreg:$0x0] =	wrdreg $0x60  }
0xb2: {  	[dreg:$0x2] =	wrdreg s2  }
0xb3: {  	[dreg:$0x3] =	wrdreg s18  }
0xb4: {  	[dreg:$0x4] =	wrdreg s4  }
0xb5: {  	[dreg:$0x5] =	wrdreg s5  }
0xb6: {  	[dreg:$0x6] =	wrdreg s24  }
0xb7: {  	[dreg:$0x7] =	wrdreg s6  }
0xb8: {  	[dreg:$0x8] =	wrdreg $0x9  }
0xb9: {  	_ =	task.clear_ibuf [dreg:s11], $0x9FFFF;
	_ =	strace $0x90000046  }
0xba: {  	s29 =	simm.s32 $0x9;
	_ =	strace $0x80000048  }
0xbb: {  	_ =	swait.ge [sflag:s29], $0x1  }
0xbc: {  	[sflag:s29] =	ssyncadd.s32 $0xFFFFFFFF  }
0xbd: {  	_ =	strace $0x90000048  }
0xbe: {  	_ =	sfence  }
0xbf: {  	s30 =	sld [smem:$0x0];
	_ =	sdelay $0x2  }
0xc0: {  	s31 =	sshll.u32 s1, $0xD;
	s1 =	sshrl.u32 s1, $0x2  }
0xc1: {  	s3 =	sand.u32 $0x4000, s31;
	s1 =	sadd.s32 s1, s30  }
0xc2: {  	s0 =	sor.u32 s3, s0;
	s1 =	sshll.u32 s1, $0x11  }
0xc3: {  	s0 =	sor.u32 s1, s0  }
0xc4: {  	s0 =	sadd.s32 $0x8F2B, s0  }
0xc5: {  	[sflag:s0] =	ssyncadd.remote.s32 $0x1  }
0xc6: {  	_ =	sfence.sel $0xFFFF  }
0xc7: {  	[dreg:$0x0] =	wrdreg $0xFFFFFFFF;
	(pc) =	sbr.abs _section_cstart, $3  }
0xc8: {  	[dreg:$0x1] =	wrdreg $0xFFFFFFFF  }
0xc9: {  	_ =	task.clear_ibuf [dreg:s11], $0x2FFFF;
	_ =	strace $0x9FFFFFFF  }
0xca: {  	(tm) =	ssettm $0x7FFFFFFF  }
0xcb: {  	_ =	shalt  }
tec
execute0_lowered:
.L_overlay_start_1:
0x0: {  	(tag) =	ssettag $0x1  }
0x1: {  	s0 =	rddreg [dreg:$0x0]  }
0x2: {  	s1 =	rddreg [dreg:$0x1]  }
0x3: {  	s3 =	rddreg [dreg:$0x2]  }
0x4: {  	s6 =	rddreg [dreg:$0x3]  }
0x5: {  	s4 =	rddreg [dreg:$0x4];
	s2 =	srdreg.scid  }
0x6: {  	s14 =	rddreg [dreg:$0x5];
	s8 =	stileid.u32  }
0x7: {  	s9 =	simm.s32 $0x1;
	s29 =	simm.s32 $0x0;
	s5 =	sand.u32 $0x1, s2  }
0x8: {  	s2 =	simm.s32 $0x0;
	s12 =	sand.u32 $0x3, s8;
	s13 =	sadd.s32 $0x200, s4  }
0x9: {  	s7 =	sshll.u32 s5, $0x4;
	[smem:$0x7FF] =	sst s2;
	p1 =	sne.s32 s12, $0x0  }
0xa: {  	s5 =	ssub.s32 $0x2, s5;
	s15 =	sor.u32 s8, s7;
	_ =	strace $0x80000047  }
0xb: {  	[dreg:$0x7] =	wrdreg s13;
	s11 =	sshrl.u32 s5, $0x1;
	s7 =	smul.u32 $0x1800, s12  }
0xc: {  	p0 =	seq.s32 s15, $0x0;
	s16 =	sshll.u32 s15, $0x3;
	s10 =	sshrl.u32 s15, $0x2  }
0xd: {  	s31 =	sshll.u32 s15, $0x2;
	p0 =	por !p1, !p0;
	s13 =	sadd.s32 s16, s4  }
0xe: {  	s16 =	ssub.s32 s5, s11;
	s18 =	sadd.s32 $0xA000, s7;
	s4 =	simm.s32 $0x1  }
0xf: {  	s14 =	sadd.s32 s14, s31;
	p0 =	por !p0, !p0;
	s22 =	sshll.u32 s18, $0x3  }
0x10: {  	s28 =	sadd.s32 s1, s18;
	s30 =	sadd.s32 s3, s18;
	s9 =	simm.s32 @!p0 $0x0  }
0x11: {  	s13 =	sadd.s32 $0x400, s13;
	s15 =	smax.u32 s16, $0x1;
	s9 =	ssub.s32 s10, s9  }
0x12: {  	s17 =	sshrl.u32 s9, $0x3;
	s20 =	sshll.u32 s9, $0x7;
	s23 =	sshll.u32 s9, $0x13  }
0x13: {  	s19 =	sshll.u32 s17, $0xA;
	s7 =	sand.u32 $0x380, s20;
	s21 =	sshll.u32 s17, $0x13  }
0x14: {  	s25 =	sand.u32 $0x1FF80000, s23;
	s17 =	simm.s32 $0x3;
	s23 =	simm.s32 $0x80000  }
0x15: {  	v0 =	vimm.f32 $0.0e+00;
	s5 =	sor.u32 s7, s19;
	s8 =	sadd.s32 s22, s21;
	s26 =	sor.u32 s18, s25  }
0x16: {  	vm0 =	vmmov $0x1;
	vm1 =	vmmov $0x3;
	vm2 =	vmmov $0x7;
	s11 =	sadd.s32 s25, s30;
	s22 =	simm.s32 $0x1000;
	s5 =	sshrl.u32 s5, $0x3  }
0x17: {  	vm3 =	vmmov $0xf;
	vm4 =	vmmov $0x1f;
	vm5 =	vmmov $0x3f;
	s7 =	sor.u32 s7, s8;
	s8 =	sadd.s32 s25, s28;
	s10 =	sadd.s32 s3, s26  }
0x18: {  	vm6 =	vmmov $0x7f;
	vm7 =	vmmov $0xff;
	vm8 =	vmmov $0x1ff;
	s25 =	simm.s32 $0x2;
	s0 =	sadd.s32 s0, s5;
	s24 =	sshrl.u32 s7, $0x3  }
0x19: {  	vm9 =	vmmov $0x3ff;
	vm10 =	vmmov $0x7ff;
	vm11 =	vmmov $0xfff;
	s7 =	sadd.s32 s1, s26;
	s12 =	sadd.s32 $0x400, s10;
	[dreg:$0x8] =	wrdreg s0  }
0x1a: {  	vm12 =	vmmov $0x1fff;
	vm13 =	vmmov $0x3fff;
	vm14 =	vmmov $0x7fff;
	s6 =	sadd.s32 s6, s24;
	s9 =	sadd.s32 $0x400, s7;
	s24 =	simm.s32 $0x8000  }
.LBB2_1:
0x1b: {  	s0 =	rddreg [dreg:$0x8];
	s1 =	simm.s32 $0x13000  }
0x1c: {  	[tilespmem:s1], [sflag:$0x3] =	stream.linear.gather [hbm4b:s0+s2], $0x80, $0x38;
	[tilespmem:$0x13A00] =	vst v63  }
0x1d: {  	_ =	swait.ge [sflag:s17], $0x80  }
0x1e: {  	[sflag:s17] =	ssyncset.done $0x0  }
0x1f: {  	s26 =	simm.s32 $0x13080;
	s21 =	rddreg [dreg:$0x7];
	[sflag:s17] =	ssyncadd.s32 $0xFFFFFF80  }
0x20: {  	[tilespmem:s26], [sflag:$0x3] =	stream.linear.gather [hbm4b:s21+s2], $0x80, $0x38;
	[tilespmem:$0x13A00] =	vst v63  }
0x21: {  	_ =	swait.ge [sflag:s17], $0x80  }
0x22: {  	s28 =	simm.s32 $0x80;
	[sflag:s17] =	ssyncset.done $0x0  }
0x23: {  	s31 =	simm.s32 $0x400;
	s3 =	simm.s32 $0x11800;
	[sflag:s17] =	ssyncadd.s32 $0xFFFFFF80  }
0x24: {  	[tilespmem:s3], [sflag:$0x3] =	stream.strided.gather [hbm4b:s6+s28], $0x1800, s31, s28, $0x38;
	[tilespmem:$0x13A00] =	vst v63  }
0x25: {  	_ =	swait.ge [sflag:s17], $0x1800  }
0x26: {  	[sflag:s17] =	ssyncset.done $0x0  }
0x27: {  	[sflag:s17] =	ssyncadd.s32 $0xFFFFE800  }
0x28: {  	v1 =	vld [tilespmem:$0x13000];
	_ =	sdelay $0x4  }
0x29: {  	v2 =	vshrl.u32 v1, $0x10  }
0x2a: {  	v2 =	vand.u32 $0x1, v2  }
0x2b: {  	v1 =	vadd.s32 v2, v1  }
0x2c: {  	v1 =	vadd.s32 $0x7FFF, v1  }
0x2d: {  	v1 =	vand.u32 $0xFFFF0000, v1  }
0x2e: {  	v1 =	vadd.f32 $0.0e+00, v1;
	_ =	sdelay $0x1  }
0x2f: {  	v2 =	vbroadcast v1, $0x0  }
0x30: {  	[tilespmem:$0x13500] =	vst v0  }
0x31: {  	[tilespmem:$0x13100] =	vst v2;
	v2 =	vbroadcast v1, $0x1  }
0x32: {  	[tilespmem:$0x13510] =	vst v0  }
0x33: {  	[tilespmem:$0x13110] =	vst v2;
	v2 =	vbroadcast v1, $0x2  }
0x34: {  	[tilespmem:$0x13520] =	vst v0  }
0x35: {  	[tilespmem:$0x13120] =	vst v2;
	v2 =	vbroadcast v1, $0x3  }
0x36: {  	[tilespmem:$0x13530] =	vst v0  }
0x37: {  	[tilespmem:$0x13130] =	vst v2;
	v2 =	vbroadcast v1, $0x4  }
0x38: {  	[tilespmem:$0x13540] =	vst v0  }
0x39: {  	[tilespmem:$0x13140] =	vst v2;
	v2 =	vbroadcast v1, $0x5  }
0x3a: {  	[tilespmem:$0x13550] =	vst v0  }
0x3b: {  	[tilespmem:$0x13150] =	vst v2;
	v2 =	vbroadcast v1, $0x6  }
0x3c: {  	[tilespmem:$0x13560] =	vst v0  }
0x3d: {  	[tilespmem:$0x13160] =	vst v2;
	v2 =	vbroadcast v1, $0x7  }
0x3e: {  	[tilespmem:$0x13570] =	vst v0  }
0x3f: {  	[tilespmem:$0x13170] =	vst v2;
	v2 =	vbroadcast v1, $0x8  }
0x40: {  	[tilespmem:$0x13580] =	vst v0  }
0x41: {  	[tilespmem:$0x13180] =	vst v2;
	v2 =	vbroadcast v1, $0x9  }
0x42: {  	[tilespmem:$0x13590] =	vst v0  }
0x43: {  	v3 =	vld [tilespmem:$0x13010];
	[tilespmem:$0x13190] =	vst v2;
	v2 =	vbroadcast v1, $0xA  }
0x44: {  	[tilespmem:$0x135A0] =	vst v0  }
0x45: {  	[tilespmem:$0x131A0] =	vst v2;
	v2 =	vbroadcast v1, $0xB  }
0x46: {  	[tilespmem:$0x135B0] =	vst v0  }
0x47: {  	[tilespmem:$0x131B0] =	vst v2;
	v2 =	vbroadcast v1, $0xC  }
0x48: {  	[tilespmem:$0x135C0] =	vst v0;
	v4 =	vshrl.u32 v3, $0x10  }
0x49: {  	v4 =	vand.u32 $0x1, v4;
	[tilespmem:$0x131C0] =	vst v2;
	v2 =	vbroadcast v1, $0xD  }
0x4a: {  	[tilespmem:$0x135D0] =	vst v0;
	v3 =	vadd.s32 v4, v3  }
0x4b: {  	v3 =	vadd.s32 $0x7FFF, v3;
	[tilespmem:$0x131D0] =	vst v2;
	v2 =	vbroadcast v1, $0xE  }
0x4c: {  	[tilespmem:$0x135E0] =	vst v0;
	v3 =	vand.u32 $0xFFFF0000, v3  }
0x4d: {  	v1 =	vbroadcast v1, $0xF;
	[tilespmem:$0x131E0] =	vst v2;
	v2 =	vadd.f32 $0.0e+00, v3  }
0x4e: {  	[tilespmem:$0x135F0] =	vst v0  }
0x4f: {  	[tilespmem:$0x131F0] =	vst v1;
	v1 =	vbroadcast v2, $0x0  }
0x50: {  	[tilespmem:$0x13600] =	vst v0  }
0x51: {  	[tilespmem:$0x13200] =	vst v1;
	v1 =	vbroadcast v2, $0x1  }
0x52: {  	[tilespmem:$0x13610] =	vst v0  }
0x53: {  	[tilespmem:$0x13210] =	vst v1;
	v1 =	vbroadcast v2, $0x2  }
0x54: {  	[tilespmem:$0x13620] =	vst v0  }
0x55: {  	[tilespmem:$0x13220] =	vst v1;
	v1 =	vbroadcast v2, $0x3  }
0x56: {  	[tilespmem:$0x13630] =	vst v0  }
0x57: {  	[tilespmem:$0x13230] =	vst v1;
	v1 =	vbroadcast v2, $0x4  }
0x58: {  	[tilespmem:$0x13640] =	vst v0  }
0x59: {  	[tilespmem:$0x13240] =	vst v1;
	v1 =	vbroadcast v2, $0x5  }
0x5a: {  	[tilespmem:$0x13650] =	vst v0  }
0x5b: {  	[tilespmem:$0x13250] =	vst v1;
	v1 =	vbroadcast v2, $0x6  }
0x5c: {  	[tilespmem:$0x13660] =	vst v0  }
0x5d: {  	[tilespmem:$0x13260] =	vst v1;
	v1 =	vbroadcast v2, $0x7  }
0x5e: {  	[tilespmem:$0x13670] =	vst v0  }
0x5f: {  	[tilespmem:$0x13270] =	vst v1;
	v1 =	vbroadcast v2, $0x8  }
0x60: {  	[tilespmem:$0x13680] =	vst v0  }
0x61: {  	[tilespmem:$0x13280] =	vst v1;
	v1 =	vbroadcast v2, $0x9  }
0x62: {  	[tilespmem:$0x13690] =	vst v0  }
0x63: {  	v3 =	vld [tilespmem:$0x13020];
	[tilespmem:$0x13290] =	vst v1;
	v1 =	vbroadcast v2, $0xA  }
0x64: {  	[tilespmem:$0x136A0] =	vst v0  }
0x65: {  	[tilespmem:$0x132A0] =	vst v1;
	v1 =	vbroadcast v2, $0xB  }
0x66: {  	[tilespmem:$0x136B0] =	vst v0  }
0x67: {  	[tilespmem:$0x132B0] =	vst v1;
	v1 =	vbroadcast v2, $0xC  }
0x68: {  	[tilespmem:$0x136C0] =	vst v0;
	v62 =	vshrl.u32 v3, $0x10  }
0x69: {  	v4 =	vand.u32 $0x1, v62;
	[tilespmem:$0x132C0] =	vst v1;
	v1 =	vbroadcast v2, $0xD  }
0x6a: {  	[tilespmem:$0x136D0] =	vst v0;
	v3 =	vadd.s32 v4, v3  }
0x6b: {  	v3 =	vadd.s32 $0x7FFF, v3;
	[tilespmem:$0x132D0] =	vst v1;
	v1 =	vbroadcast v2, $0xE  }
0x6c: {  	[tilespmem:$0x136E0] =	vst v0;
	v3 =	vand.u32 $0xFFFF0000, v3  }
0x6d: {  	[tilespmem:$0x132E0] =	vst v1;
	v1 =	vbroadcast v2, $0xF;
	v2 =	vadd.f32 $0.0e+00, v3  }
0x6e: {  	[tilespmem:$0x136F0] =	vst v0  }
0x6f: {  	[tilespmem:$0x132F0] =	vst v1;
	v1 =	vbroadcast v2, $0x0  }
0x70: {  	[tilespmem:$0x13700] =	vst v0  }
0x71: {  	[tilespmem:$0x13300] =	vst v1;
	v1 =	vbroadcast v2, $0x1  }
0x72: {  	[tilespmem:$0x13710] =	vst v0  }
0x73: {  	[tilespmem:$0x13310] =	vst v1;
	v1 =	vbroadcast v2, $0x2  }
0x74: {  	[tilespmem:$0x13720] =	vst v0  }
0x75: {  	[tilespmem:$0x13320] =	vst v1;
	v1 =	vbroadcast v2, $0x3  }
0x76: {  	[tilespmem:$0x13730] =	vst v0  }
0x77: {  	[tilespmem:$0x13330] =	vst v1;
	v1 =	vbroadcast v2, $0x4  }
0x78: {  	[tilespmem:$0x13740] =	vst v0  }
0x79: {  	[tilespmem:$0x13340] =	vst v1;
	v1 =	vbroadcast v2, $0x5  }
0x7a: {  	[tilespmem:$0x13750] =	vst v0  }
0x7b: {  	[tilespmem:$0x13350] =	vst v1;
	v1 =	vbroadcast v2, $0x6  }
0x7c: {  	[tilespmem:$0x13760] =	vst v0  }
0x7d: {  	[tilespmem:$0x13360] =	vst v1;
	v1 =	vbroadcast v2, $0x7  }
0x7e: {  	[tilespmem:$0x13770] =	vst v0  }
0x7f: {  	[tilespmem:$0x13370] =	vst v1;
	v1 =	vbroadcast v2, $0x8  }
0x80: {  	[tilespmem:$0x13780] =	vst v0  }
0x81: {  	[tilespmem:$0x13380] =	vst v1;
	v1 =	vbroadcast v2, $0x9  }
0x82: {  	[tilespmem:$0x13790] =	vst v0  }
0x83: {  	v3 =	vld [tilespmem:$0x13030];
	[tilespmem:$0x13390] =	vst v1;
	v1 =	vbroadcast v2, $0xA  }
0x84: {  	[tilespmem:$0x137A0] =	vst v0  }
0x85: {  	[tilespmem:$0x133A0] =	vst v1;
	v1 =	vbroadcast v2, $0xB  }
0x86: {  	[tilespmem:$0x137B0] =	vst v0  }
0x87: {  	[tilespmem:$0x133B0] =	vst v1;
	v1 =	vbroadcast v2, $0xC  }
0x88: {  	[tilespmem:$0x137C0] =	vst v0;
	v63 =	vshrl.u32 v3, $0x10  }
0x89: {  	v4 =	vand.u32 $0x1, v63;
	[tilespmem:$0x133C0] =	vst v1;
	v1 =	vbroadcast v2, $0xD  }
0x8a: {  	[tilespmem:$0x137D0] =	vst v0;
	v3 =	vadd.s32 v4, v3  }
0x8b: {  	v3 =	vadd.s32 $0x7FFF, v3;
	[tilespmem:$0x133D0] =	vst v1;
	v1 =	vbroadcast v2, $0xE  }
0x8c: {  	[tilespmem:$0x137E0] =	vst v0;
	v3 =	vand.u32 $0xFFFF0000, v3  }
0x8d: {  	[tilespmem:$0x133E0] =	vst v1;
	v1 =	vbroadcast v2, $0xF;
	v2 =	vadd.f32 $0.0e+00, v3  }
0x8e: {  	[tilespmem:$0x137F0] =	vst v0  }
0x8f: {  	[tilespmem:$0x133F0] =	vst v1;
	v1 =	vbroadcast v2, $0x0  }
0x90: {  	[tilespmem:$0x13800] =	vst v0  }
0x91: {  	[tilespmem:$0x13400] =	vst v1;
	v1 =	vbroadcast v2, $0x1  }
0x92: {  	[tilespmem:$0x13810] =	vst v0  }
0x93: {  	[tilespmem:$0x13410] =	vst v1;
	v1 =	vbroadcast v2, $0x2  }
0x94: {  	[tilespmem:$0x13820] =	vst v0  }
0x95: {  	[tilespmem:$0x13420] =	vst v1;
	v1 =	vbroadcast v2, $0x3  }
0x96: {  	[tilespmem:$0x13830] =	vst v0  }
0x97: {  	[tilespmem:$0x13430] =	vst v1;
	v1 =	vbroadcast v2, $0x4  }
0x98: {  	[tilespmem:$0x13840] =	vst v0  }
0x99: {  	[tilespmem:$0x13440] =	vst v1;
	v1 =	vbroadcast v2, $0x5  }
0x9a: {  	[tilespmem:$0x13850] =	vst v0  }
0x9b: {  	[tilespmem:$0x13450] =	vst v1;
	v1 =	vbroadcast v2, $0x6  }
0x9c: {  	[tilespmem:$0x13860] =	vst v0  }
0x9d: {  	[tilespmem:$0x13460] =	vst v1;
	v1 =	vbroadcast v2, $0x7  }
0x9e: {  	[tilespmem:$0x13870] =	vst v0  }
0x9f: {  	[tilespmem:$0x13470] =	vst v1;
	v1 =	vbroadcast v2, $0x8  }
0xa0: {  	[tilespmem:$0x13880] =	vst v0  }
0xa1: {  	[tilespmem:$0x13480] =	vst v1;
	v1 =	vbroadcast v2, $0x9  }
0xa2: {  	[tilespmem:$0x13890] =	vst v0  }
0xa3: {  	[tilespmem:$0x13490] =	vst v1;
	v1 =	vbroadcast v2, $0xA  }
0xa4: {  	[tilespmem:$0x138A0] =	vst v0  }
0xa5: {  	[tilespmem:$0x134A0] =	vst v1;
	v1 =	vbroadcast v2, $0xB  }
0xa6: {  	[tilespmem:$0x138B0] =	vst v0  }
0xa7: {  	[tilespmem:$0x134B0] =	vst v1;
	v1 =	vbroadcast v2, $0xC  }
0xa8: {  	[tilespmem:$0x138C0] =	vst v0  }
0xa9: {  	[tilespmem:$0x134C0] =	vst v1;
	v1 =	vbroadcast v2, $0xD  }
0xaa: {  	[tilespmem:$0x138D0] =	vst v0  }
0xab: {  	[tilespmem:$0x134D0] =	vst v1;
	v1 =	vbroadcast v2, $0xE  }
0xac: {  	[tilespmem:$0x138E0] =	vst v0  }
0xad: {  	[tilespmem:$0x134E0] =	vst v1;
	v1 =	vbroadcast v2, $0xF  }
0xae: {  	[tilespmem:$0x138F0] =	vst v0  }
0xaf: {  	s30 =	simm.s32 $0x0;
	[tilespmem:$0x134F0] =	vst v1  }
0xb0: {  	v2 =	vimm.f32 $-3.000000010e+38;
	v1 =	vld [tilespmem:$0x13080];
	[tilespmem:s2], [sflag:$0x1] =	stream.strided.gather [hbm4b:s7+s22], $0x8000, s23, s22, $0x38  }
.LBB2_2:
0xb1: {  	s0 =	sshll.u32 s30, $0xA;
	_ =	swait.ge [sflag:s4], $0x8000  }
0xb2: {  	[sflag:s4] =	ssyncset.done $0x0;
	s31 =	sor.u32 $0x200, s0  }
0xb3: {  	[sflag:s4] =	ssyncadd.s32 $0xFFFF8000;
	s1 =	sadd.s32 s31, s8  }
0xb4: {  	[tilespmem:s24], [sflag:$0x2] =	stream.strided.gather [hbm4b:s1+s22], $0x8000, s23, s22, $0x38;
	[tilespmem:$0x13A00] =	vst v63  }
0xb5: {  	s16 =	simm.s32 $0x0;
	s1 =	simm.s32 $0x0  }
.LBB2_3:
0xb6: {  	s19 =	sshll.u32 s16, $0x6;
	s3 =	sshll.u32 s16, $0x9  }
0xb7: {  	s18 =	sand.u32 $0x40, s19;
	s3 =	sand.u32 $0xC00, s3  }
0xb8: {  	s26 =	sand.u32 $0x7000, s1;
	s20 =	sor.u32 s18, s3  }
0xb9: {  	s21 =	sand.u32 $0x380, s1;
	s3 =	sor.u32 s26, s20  }
0xba: {  	s3 =	sadd.s32 s21, s3  }
0xbb: {  	v4 =	vld [tilespmem:s3+$0x30];
	_ =	sdelay $0x1  }
0xbc: {  	v11 =	vld [tilespmem:s3+$0x0]  }
0xbd: {  	v9 =	vld [tilespmem:s3+$0x10];
	_ =	sdelay $0x1  }
0xbe: {  	v6 =	vld [tilespmem:s3+$0x20];
	v5 =	vshrl.u32 v4, $0x10  }
0xbf: {  	s21 =	simm.s32 $0x13100;
	v5 =	vand.u32 $0x1, v5  }
0xc0: {  	v3 =	vimm.f32 $0.0e+00;
	v8 =	vadd.s32 v5, v4;
	v4 =	vld [tilespmem:s21+$0x0]  }
0xc1: {  	v10 =	vimm.f32 $0.0e+00;
	s26 =	simm.s32 $0x200;
	v7 =	vshrl.u32 v11, $0x10;
	v12 =	vshrl.u32 v9, $0x10  }
0xc2: {  	s28 =	simm.s32 $0x400;
	s3 =	sand.u32 $0x7000, s26;
	s26 =	simm.s32 $0x80;
	v13 =	vand.u32 $0x1, v7;
	v7 =	vimm.f32 $0.0e+00;
	v5 =	vimm.f32 $0.0e+00  }
.LBB2_4:
0xc3: {  	p0 =	sne.s32 s28, $0x7E00;
	s5 =	sand.u32 $0x380, s26;
	s3 =	sor.u32 s3, s20;
	v12 =	vand.u32 $0x1, v12;
	v14 =	vshrl.u32 v6, $0x10;
	v8 =	vadd.s32 $0x7FFF, v8  }
0xc4: {  	v13 =	vadd.s32 v13, v11;
	s3 =	sadd.s32 s5, s3;
	v11 =	vand.u32 $0x1, v14;
	v8 =	vand.u32 $0xFFFF0000, v8  }
0xc5: {  	v9 =	vadd.s32 v12, v9;
	v14 =	vld [tilespmem:s3+$0x30];
	v6 =	vadd.s32 v11, v6;
	v8 =	vmul.f32 v8, v4  }
0xc6: {  	v12 =	vadd.s32 $0x7FFF, v13;
	v13 =	vadd.s32 $0x7FFF, v9;
	v11 =	vld [tilespmem:s3+$0x0];
	v15 =	vadd.s32 $0x7FFF, v6  }
0xc7: {  	v12 =	vand.u32 $0xFFFF0000, v12;
	v13 =	vand.u32 $0xFFFF0000, v13;
	v9 =	vld [tilespmem:s3+$0x10];
	v3 =	vadd.f32 v8, v3  }
.Ltmp0:
0xc8: {  	v8 =	vmul.f32 v12, v4;
	v12 =	vmul.f32 v13, v4;
	v13 =	vand.u32 $0xFFFF0000, v15;
	v6 =	vld [tilespmem:s3+$0x20];
	(pc) =	sbr.rel @p0 .LBB2_4-.Ltmp0, $4  }
0xc9: {  	s21 =	sadd.s32 $0x10, s21;
	v13 =	vmul.f32 v13, v4  }
0xca: {  	v10 =	vadd.f32 v8, v10;
	v7 =	vadd.f32 v12, v7;
	v4 =	vld [tilespmem:s21+$0x0];
	v15 =	vshrl.u32 v14, $0x10  }
0xcb: {  	v5 =	vadd.f32 v13, v5;
	v8 =	vshrl.u32 v11, $0x10;
	v15 =	vand.u32 $0x1, v15  }
0xcc: {  	s26 =	sadd.s32 $0x80, s26;
	s3 =	sand.u32 $0x7000, s28;
	s28 =	sadd.s32 $0x200, s28;
	v13 =	vand.u32 $0x1, v8;
	v12 =	vshrl.u32 v9, $0x10;
	v8 =	vadd.s32 v15, v14  }
0xcd: {  	s5 =	sand.u32 $0x380, s26;
	s3 =	sor.u32 s3, s20  }
0xce: {  	s3 =	sadd.s32 s5, s3  }
0xcf: {  	v14 =	vld [tilespmem:s3+$0x0];
	_ =	sdelay $0x2  }
0xd0: {  	s28 =	sor.u32 s0, s19  }
0xd1: {  	s20 =	sadd.s32 $0x10, s21;
	v15 =	vld [tilespmem:s28+$0x11800]  }
0xd2: {  	v11 =	vadd.s32 v13, v11;
	v37 =	vld [tilespmem:s20+$0x0];
	v16 =	vshrl.u32 v14, $0x10  }
0xd3: {  	v11 =	vadd.s32 $0x7FFF, v11;
	v16 =	vand.u32 $0x1, v16  }
0xd4: {  	v11 =	vand.u32 $0xFFFF0000, v11;
	v14 =	vadd.s32 v16, v14  }
0xd5: {  	v11 =	vmul.f32 v11, v4;
	v14 =	vadd.s32 $0x7FFF, v14  }
0xd6: {  	v15 =	vcvt.s32.f32 v15;
	v14 =	vand.u32 $0xFFFF0000, v14  }
0xd7: {  	v10 =	vadd.f32 v11, v10;
	v38 =	vmul.f32 v14, v37  }
0xd8: {  	v39 =	vsub.f32 v1, v15  }
0xd9: {  	v10 =	vadd.f32 v38, v10  }
0xda: {  	v40 =	vand.u32 $0x7FFFFFFF, v39  }
0xdb: {  	v11 =	vmul.f32 $9.999999770e-03, v40;
	v10 =	vmul.f32 $2.500000000e+00, v10  }
0xdc: {  	v41 =	vld [tilespmem:s3+$0x10]  }
0xdd: {  	v10 =	vsub.f32 v10, v11  }
0xde: {  	s21 =	sand.u32 $0x1D80, s28;
	v42 =	vld [tilespmem:s3+$0x30]  }
0xdf: {  	v43 =	vld [tilespmem:s3+$0x20];
	s18 =	sor.u32 s18, s21;
	[tilespmem:s28+$0x10000] =	vst v10  }
0xe0: {  	v12 =	vand.u32 $0x1, v12;
	v44 =	vld [tilespmem:s18+$0x11810]  }
0xe1: {  	v9 =	vadd.s32 v12, v9;
	v45 =	vshrl.u32 v41, $0x10  }
0xe2: {  	v9 =	vadd.s32 $0x7FFF, v9;
	v12 =	vand.u32 $0x1, v45  }
0xe3: {  	v9 =	vand.u32 $0xFFFF0000, v9;
	v12 =	vadd.s32 v12, v41  }
0xe4: {  	v9 =	vmul.f32 v9, v4;
	v12 =	vadd.s32 $0x7FFF, v12  }
0xe5: {  	v12 =	vand.u32 $0xFFFF0000, v12;
	v46 =	vcvt.s32.f32 v44  }
0xe6: {  	v7 =	vadd.f32 v9, v7;
	v47 =	vmul.f32 v12, v37  }
0xe7: {  	v48 =	vsub.f32 v1, v46  }
0xe8: {  	v7 =	vadd.f32 v47, v7  }
0xe9: {  	v49 =	vand.u32 $0x7FFFFFFF, v48  }
0xea: {  	v7 =	vmul.f32 $2.500000000e+00, v7;
	v9 =	vmul.f32 $9.999999770e-03, v49;
	_ =	sdelay $0x1  }
0xeb: {  	v7 =	vsub.f32 v7, v9  }
0xec: {  	s3 =	sor.u32 $0x10010, s18  }
0xed: {  	v50 =	vshrl.u32 v6, $0x10;
	[tilespmem:s3+$0x0] =	vst v7  }
0xee: {  	v9 =	vand.u32 $0x1, v50;
	v51 =	vld [tilespmem:s18+$0x11820]  }
0xef: {  	v53 =	vshrl.u32 v43, $0x10;
	v52 =	vadd.s32 v9, v6  }
0xf0: {  	v9 =	vand.u32 $0x1, v53;
	v6 =	vadd.s32 $0x7FFF, v52  }
0xf1: {  	v9 =	vadd.s32 v9, v43;
	v6 =	vand.u32 $0xFFFF0000, v6  }
0xf2: {  	v9 =	vadd.s32 $0x7FFF, v9;
	v6 =	vmul.f32 v6, v4  }
0xf3: {  	v9 =	vand.u32 $0xFFFF0000, v9;
	v54 =	vcvt.s32.f32 v51  }
0xf4: {  	v55 =	vmul.f32 v9, v37;
	v5 =	vadd.f32 v6, v5  }
0xf5: {  	v56 =	vsub.f32 v1, v54  }
0xf6: {  	v5 =	vadd.f32 v55, v5  }
0xf7: {  	v57 =	vand.u32 $0x7FFFFFFF, v56  }
0xf8: {  	v5 =	vmul.f32 $2.500000000e+00, v5;
	v6 =	vmul.f32 $9.999999770e-03, v57;
	_ =	sdelay $0x1  }
0xf9: {  	v5 =	vsub.f32 v5, v6  }
0xfa: {  	s26 =	sor.u32 $0x10020, s18  }
0xfb: {  	[tilespmem:s26+$0x0] =	vst v5  }
0xfc: {  	v58 =	vld [tilespmem:s18+$0x11830]  }
0xfd: {  	v59 =	vshrl.u32 v42, $0x10  }
0xfe: {  	v8 =	vadd.s32 $0x7FFF, v8;
	v9 =	vand.u32 $0x1, v59  }
0xff: {  	v8 =	vand.u32 $0xFFFF0000, v8;
	v9 =	vadd.s32 v9, v42  }
0x100: {  	v60 =	vmul.f32 v8, v4;
	v61 =	vadd.s32 $0x7FFF, v9  }
0x101: {  	v8 =	vand.u32 $0xFFFF0000, v61;
	v6 =	vcvt.s32.f32 v58  }
0x102: {  	v3 =	vadd.f32 v60, v3;
	v62 =	vmul.f32 v8, v37  }
0x103: {  	v6 =	vsub.f32 v1, v6  }
0x104: {  	s16 =	sadd.s32 $0x1, s16;
	v3 =	vadd.f32 v62, v3  }
0x105: {  	p0 =	sne.s32 s16, $0x8;
	v63 =	vand.u32 $0x7FFFFFFF, v6  }
.Ltmp1:
0x106: {  	v3 =	vmul.f32 $2.500000000e+00, v3;
	v4 =	vmul.f32 $9.999999770e-03, v63;
	(pc) =	sbr.rel @p0 .LBB2_3-.Ltmp1, $4  }
0x107: {  	v2 =	vmax.f32 v2, v10  }
0x108: {  	v2 =	vmax.f32 v2, v7;
	v3 =	vsub.f32 v3, v4  }
0x109: {  	s28 =	sor.u32 $0x10030, s18;
	v2 =	vmax.f32 v2, v5  }
0x10a: {  	[tilespmem:s28+$0x0] =	vst v3;
	v2 =	vmax.f32 v2, v3  }
0x10b: {  	_ =	swait.ge [sflag:s25], $0x8000;
	p0 =	seq.s32 s30, $0x5  }
0x10c: {  	[sflag:s25] =	ssyncset.done $0x0;
	s0 =	sadd.s32 @!p0 s0, s9;
	s1 =	simm.s32 @!p0 $0x1000  }
0x10d: {  	s3 =	simm.s32 @!p0 $0x80000;
	s5 =	simm.s32 @!p0 $0x0;
	[sflag:s25] =	ssyncadd.s32 $0xFFFF8000  }
0x10e: {  	[tilespmem:s5], [sflag:$0x1] =	stream.strided.gather @!p0 [hbm4b:s0+s1], $0x8000, s3, s1, $0x38;
	[tilespmem:$0x13A00] =	vst v63  }
0x10f: {  	s0 =	simm.s32 $0x0;
	s1 =	simm.s32 $0x0  }
.LBB2_7:
0x110: {  	s18 =	sshll.u32 s1, $0x6;
	s3 =	sshll.u32 s1, $0x9  }
0x111: {  	s16 =	sand.u32 $0x40, s18;
	s3 =	sand.u32 $0xC00, s3  }
0x112: {  	s3 =	sor.u32 s16, s3  }
0x113: {  	s26 =	sand.u32 $0x7000, s0;
	s19 =	sor.u32 $0x8000, s3  }
0x114: {  	s5 =	sand.u32 $0x380, s0;
	s3 =	sadd.s32 s26, s19  }
0x115: {  	s3 =	sadd.s32 s5, s3  }
0x116: {  	v4 =	vld [tilespmem:s3+$0x30];
	_ =	sdelay $0x1  }
0x117: {  	v11 =	vld [tilespmem:s3+$0x0]  }
0x118: {  	v9 =	vld [tilespmem:s3+$0x10];
	_ =	sdelay $0x1  }
0x119: {  	v6 =	vld [tilespmem:s3+$0x20];
	v5 =	vshrl.u32 v4, $0x10  }
0x11a: {  	s20 =	simm.s32 $0x13100;
	v5 =	vand.u32 $0x1, v5  }
0x11b: {  	v3 =	vimm.f32 $0.0e+00;
	v8 =	vadd.s32 v5, v4;
	v4 =	vld [tilespmem:s20+$0x0]  }
0x11c: {  	s28 =	simm.s32 $0x200;
	v10 =	vimm.f32 $0.0e+00;
	v7 =	vshrl.u32 v11, $0x10;
	v12 =	vshrl.u32 v9, $0x10  }
0x11d: {  	s21 =	simm.s32 $0x80;
	s26 =	simm.s32 $0x400;
	s3 =	sand.u32 $0x7000, s28;
	v13 =	vand.u32 $0x1, v7;
	v7 =	vimm.f32 $0.0e+00;
	v5 =	vimm.f32 $0.0e+00  }
.LBB2_8:
0x11e: {  	p0 =	sne.s32 s26, $0x7E00;
	s5 =	sand.u32 $0x380, s21;
	s3 =	sadd.s32 s3, s19;
	v12 =	vand.u32 $0x1, v12;
	v14 =	vshrl.u32 v6, $0x10;
	v8 =	vadd.s32 $0x7FFF, v8  }
0x11f: {  	v13 =	vadd.s32 v13, v11;
	s3 =	sadd.s32 s5, s3;
	v11 =	vand.u32 $0x1, v14;
	v8 =	vand.u32 $0xFFFF0000, v8  }
0x120: {  	v9 =	vadd.s32 v12, v9;
	v14 =	vld [tilespmem:s3+$0x30];
	v6 =	vadd.s32 v11, v6;
	v8 =	vmul.f32 v8, v4  }
0x121: {  	v12 =	vadd.s32 $0x7FFF, v13;
	v13 =	vadd.s32 $0x7FFF, v9;
	v11 =	vld [tilespmem:s3+$0x0];
	v15 =	vadd.s32 $0x7FFF, v6  }
0x122: {  	v12 =	vand.u32 $0xFFFF0000, v12;
	v13 =	vand.u32 $0xFFFF0000, v13;
	v9 =	vld [tilespmem:s3+$0x10];
	v3 =	vadd.f32 v8, v3  }
.Ltmp2:
0x123: {  	v8 =	vmul.f32 v12, v4;
	v12 =	vmul.f32 v13, v4;
	v13 =	vand.u32 $0xFFFF0000, v15;
	v6 =	vld [tilespmem:s3+$0x20];
	(pc) =	sbr.rel @p0 .LBB2_8-.Ltmp2, $4  }
0x124: {  	s20 =	sadd.s32 $0x10, s20;
	v13 =	vmul.f32 v13, v4  }
0x125: {  	v10 =	vadd.f32 v8, v10;
	v7 =	vadd.f32 v12, v7;
	v4 =	vld [tilespmem:s20+$0x0];
	v15 =	vshrl.u32 v14, $0x10  }
0x126: {  	v5 =	vadd.f32 v13, v5;
	v8 =	vshrl.u32 v11, $0x10;
	v15 =	vand.u32 $0x1, v15  }
0x127: {  	s21 =	sadd.s32 $0x80, s21;
	s3 =	sand.u32 $0x7000, s26;
	s26 =	sadd.s32 $0x200, s26;
	v13 =	vand.u32 $0x1, v8;
	v12 =	vshrl.u32 v9, $0x10;
	v8 =	vadd.s32 v15, v14  }
0x128: {  	s5 =	sand.u32 $0x380, s21;
	s3 =	sadd.s32 s3, s19  }
0x129: {  	s3 =	sadd.s32 s5, s3  }
0x12a: {  	v14 =	vld [tilespmem:s3+$0x0];
	_ =	sdelay $0x2  }
0x12b: {  	s19 =	sor.u32 s31, s18  }
0x12c: {  	s20 =	sadd.s32 $0x10, s20;
	v15 =	vld [tilespmem:s19+$0x11800]  }
0x12d: {  	v11 =	vadd.s32 v13, v11;
	v37 =	vld [tilespmem:s20+$0x0];
	v16 =	vshrl.u32 v14, $0x10  }
0x12e: {  	v11 =	vadd.s32 $0x7FFF, v11;
	v16 =	vand.u32 $0x1, v16  }
0x12f: {  	v11 =	vand.u32 $0xFFFF0000, v11;
	v14 =	vadd.s32 v16, v14  }
0x130: {  	v11 =	vmul.f32 v11, v4;
	v14 =	vadd.s32 $0x7FFF, v14  }
0x131: {  	v15 =	vcvt.s32.f32 v15;
	v14 =	vand.u32 $0xFFFF0000, v14  }
0x132: {  	v10 =	vadd.f32 v11, v10;
	v38 =	vmul.f32 v14, v37  }
0x133: {  	v39 =	vsub.f32 v1, v15  }
0x134: {  	v10 =	vadd.f32 v38, v10  }
0x135: {  	v40 =	vand.u32 $0x7FFFFFFF, v39  }
0x136: {  	v11 =	vmul.f32 $9.999999770e-03, v40;
	v10 =	vmul.f32 $2.500000000e+00, v10  }
0x137: {  	v41 =	vld [tilespmem:s3+$0x10]  }
0x138: {  	v10 =	vsub.f32 v10, v11  }
0x139: {  	s21 =	sand.u32 $0x1F80, s19;
	v42 =	vld [tilespmem:s3+$0x30]  }
0x13a: {  	v43 =	vld [tilespmem:s3+$0x20];
	s16 =	sor.u32 s16, s21;
	[tilespmem:s19+$0x10000] =	vst v10  }
0x13b: {  	v12 =	vand.u32 $0x1, v12;
	v44 =	vld [tilespmem:s16+$0x11810]  }
0x13c: {  	v9 =	vadd.s32 v12, v9;
	v45 =	vshrl.u32 v41, $0x10  }
0x13d: {  	v9 =	vadd.s32 $0x7FFF, v9;
	v12 =	vand.u32 $0x1, v45  }
0x13e: {  	v9 =	vand.u32 $0xFFFF0000, v9;
	v12 =	vadd.s32 v12, v41  }
0x13f: {  	v9 =	vmul.f32 v9, v4;
	v12 =	vadd.s32 $0x7FFF, v12  }
0x140: {  	v12 =	vand.u32 $0xFFFF0000, v12;
	v46 =	vcvt.s32.f32 v44  }
0x141: {  	v7 =	vadd.f32 v9, v7;
	v47 =	vmul.f32 v12, v37  }
0x142: {  	v48 =	vsub.f32 v1, v46  }
0x143: {  	v7 =	vadd.f32 v47, v7  }
0x144: {  	v49 =	vand.u32 $0x7FFFFFFF, v48  }
0x145: {  	v7 =	vmul.f32 $2.500000000e+00, v7;
	v9 =	vmul.f32 $9.999999770e-03, v49;
	_ =	sdelay $0x1  }
0x146: {  	v7 =	vsub.f32 v7, v9  }
0x147: {  	s3 =	sor.u32 $0x10010, s16  }
0x148: {  	v50 =	vshrl.u32 v6, $0x10;
	[tilespmem:s3+$0x0] =	vst v7  }
0x149: {  	v9 =	vand.u32 $0x1, v50;
	v51 =	vld [tilespmem:s16+$0x11820]  }
0x14a: {  	v53 =	vshrl.u32 v43, $0x10;
	v52 =	vadd.s32 v9, v6  }
0x14b: {  	v9 =	vand.u32 $0x1, v53;
	v6 =	vadd.s32 $0x7FFF, v52  }
0x14c: {  	v9 =	vadd.s32 v9, v43;
	v6 =	vand.u32 $0xFFFF0000, v6  }
0x14d: {  	v9 =	vadd.s32 $0x7FFF, v9;
	v6 =	vmul.f32 v6, v4  }
0x14e: {  	v9 =	vand.u32 $0xFFFF0000, v9;
	v54 =	vcvt.s32.f32 v51  }
0x14f: {  	v55 =	vmul.f32 v9, v37;
	v5 =	vadd.f32 v6, v5  }
0x150: {  	v56 =	vsub.f32 v1, v54  }
0x151: {  	v5 =	vadd.f32 v55, v5  }
0x152: {  	v57 =	vand.u32 $0x7FFFFFFF, v56  }
0x153: {  	v5 =	vmul.f32 $2.500000000e+00, v5;
	v6 =	vmul.f32 $9.999999770e-03, v57;
	_ =	sdelay $0x1  }
0x154: {  	v5 =	vsub.f32 v5, v6  }
0x155: {  	s26 =	sor.u32 $0x10020, s16  }
0x156: {  	[tilespmem:s26+$0x0] =	vst v5  }
0x157: {  	v58 =	vld [tilespmem:s16+$0x11830]  }
0x158: {  	v59 =	vshrl.u32 v42, $0x10  }
0x159: {  	v8 =	vadd.s32 $0x7FFF, v8;
	v9 =	vand.u32 $0x1, v59  }
0x15a: {  	v8 =	vand.u32 $0xFFFF0000, v8;
	v9 =	vadd.s32 v9, v42  }
0x15b: {  	v60 =	vmul.f32 v8, v4;
	v61 =	vadd.s32 $0x7FFF, v9  }
0x15c: {  	v8 =	vand.u32 $0xFFFF0000, v61;
	v6 =	vcvt.s32.f32 v58  }
0x15d: {  	v3 =	vadd.f32 v60, v3;
	v62 =	vmul.f32 v8, v37  }
0x15e: {  	v6 =	vsub.f32 v1, v6  }
0x15f: {  	s1 =	sadd.s32 $0x1, s1;
	v3 =	vadd.f32 v62, v3  }
0x160: {  	p0 =	sne.s32 s1, $0x8;
	v63 =	vand.u32 $0x7FFFFFFF, v6  }
.Ltmp3:
0x161: {  	v3 =	vmul.f32 $2.500000000e+00, v3;
	v4 =	vmul.f32 $9.999999770e-03, v63;
	(pc) =	sbr.rel @p0 .LBB2_7-.Ltmp3, $4  }
0x162: {  	v2 =	vmax.f32 v2, v10  }
0x163: {  	v2 =	vmax.f32 v2, v7;
	v3 =	vsub.f32 v3, v4  }
0x164: {  	s28 =	sor.u32 $0x10030, s16;
	v2 =	vmax.f32 v2, v5  }
0x165: {  	[tilespmem:s28+$0x0] =	vst v3;
	v2 =	vmax.f32 v2, v3  }
0x166: {  	s30 =	sadd.s32 $0x1, s30  }
0x167: {  	p0 =	sne.s32 s30, $0x6  }
.Ltmp4:
0x168: {  	_ = 	snop;
	(pc) =	sbr.rel @p0 .LBB2_2-.Ltmp4, $1  }
0x169: {  	_ =	sdelay $0x3  }
0x16a: {  	(xrf0) =	vmax.scan.msk.f32 $0xffff, v2;
	_ =	sdelay $0x5  }
0x16b: {  	s30 =	simm.s32 $0x0;
	v2, _, _ =	vpop (xrf0)  }
0x16c: {  	v1 =	vimm.f32 $0.0e+00;
	[tilespmem:s30], [sflag:$0x1] =	stream.strided.gather [hbm4b:s10+s22], $0x8000, s23, s22, $0x38;
	v3 =	vbroadcast v2, $0xF;
	[tilespmem:$0x13A00] =	vst v63  }
.LBB2_12:
0x16d: {  	s0 =	sshll.u32 s30, $0xA;
	_ =	swait.ge [sflag:s4], $0x8000  }
0x16e: {  	[sflag:s4] =	ssyncset.done $0x0;
	s31 =	sor.u32 $0x200, s0  }
0x16f: {  	[sflag:s4] =	ssyncadd.s32 $0xFFFF8000;
	s1 =	sadd.s32 s31, s11  }
0x170: {  	[tilespmem:s24], [sflag:$0x2] =	stream.strided.gather [hbm4b:s1+s22], $0x8000, s23, s22, $0x38;
	[tilespmem:$0x13A00] =	vst v63  }
0x171: {  	s16 =	simm.s32 $0x0;
	s1 =	sadd.s32 $0x10000, s0  }
.LBB2_13:
0x172: {  	s3 =	sshll.u32 s16, $0x6  }
0x173: {  	s5 =	sand.u32 $0x180, s3  }
0x174: {  	s18 =	sand.u32 $0x40, s3;
	s19 =	sadd.s32 s5, s1  }
0x175: {  	s3 =	sadd.s32 s18, s19  }
0x176: {  	v4 =	vld [tilespmem:s3+$0x0];
	_ =	sdelay $0x2  }
0x177: {  	v5 =	vld [tilespmem:s3+$0x10];
	_ =	sdelay $0x1  }
0x178: {  	v6 =	vld [tilespmem:s3+$0x20];
	v4 =	vsub.f32 v4, v3;
	_ =	sdelay $0x1  }
0x179: {  	v4 =	vmax.f32 v4, $-8.700000000e+01  }
0x17a: {  	v5 =	vsub.f32 v5, v3;
	v4 =	vmul.f32 $1.442695020e+00, v4  }
0x17b: {  	v8 =	vld [tilespmem:s3+$0x30]  }
0x17c: {  	v6 =	vsub.f32 v6, v3;
	v5 =	vmax.f32 v5, $-8.700000000e+01;
	v7 =	vadd.f32 $1.258291200e+07, v4  }
0x17d: {  	v5 =	vmul.f32 $1.442695020e+00, v5  }
0x17e: {  	v6 =	vmax.f32 v6, $-8.700000000e+01;
	v7 =	vadd.f32 $-1.258291200e+07, v7  }
0x17f: {  	v6 =	vmul.f32 $1.442695020e+00, v6;
	v9 =	vadd.f32 $1.258291200e+07, v5  }
0x180: {  	v8 =	vsub.f32 v8, v3;
	v4 =	vsub.f32 v4, v7  }
0x181: {  	v10 =	vadd.f32 $1.258291200e+07, v6;
	v9 =	vadd.f32 $-1.258291200e+07, v9  }
0x182: {  	v4 =	vmul.f32 $6.931471820e-01, v4  }
0x183: {  	v8 =	vmax.f32 v8, $-8.700000000e+01;
	v10 =	vadd.f32 $-1.258291200e+07, v10;
	v5 =	vsub.f32 v5, v9  }
0x184: {  	v8 =	vmul.f32 $1.442695020e+00, v8;
	v11 =	vmul.f32 $1.388888920e-03, v4  }
0x185: {  	v6 =	vsub.f32 v6, v10;
	v5 =	vmul.f32 $6.931471820e-01, v5  }
0x186: {  	v12 =	vadd.f32 $1.258291200e+07, v8;
	v11 =	vadd.f32 $8.333333770e-03, v11  }
0x187: {  	v6 =	vmul.f32 $6.931471820e-01, v6;
	v13 =	vmul.f32 $1.388888920e-03, v5  }
0x188: {  	v12 =	vadd.f32 $-1.258291200e+07, v12;
	v11 =	vmul.f32 v11, v4  }
0x189: {  	v14 =	vmul.f32 $1.388888920e-03, v6;
	v13 =	vadd.f32 $8.333333770e-03, v13  }
0x18a: {  	v8 =	vsub.f32 v8, v12;
	v11 =	vadd.f32 $4.166666790e-02, v11  }
0x18b: {  	v14 =	vadd.f32 $8.333333770e-03, v14;
	v13 =	vmul.f32 v13, v5  }
0x18c: {  	v8 =	vmul.f32 $6.931471820e-01, v8;
	v11 =	vmul.f32 v11, v4  }
0x18d: {  	v14 =	vmul.f32 v14, v6;
	v13 =	vadd.f32 $4.166666790e-02, v13  }
0x18e: {  	v15 =	vmul.f32 $1.388888920e-03, v8;
	v11 =	vadd.f32 $1.666666720e-01, v11  }
0x18f: {  	v14 =	vadd.f32 $4.166666790e-02, v14;
	v13 =	vmul.f32 v13, v5  }
0x190: {  	v15 =	vadd.f32 $8.333333770e-03, v15;
	v11 =	vmul.f32 v11, v4  }
0x191: {  	v14 =	vmul.f32 v14, v6;
	v13 =	vadd.f32 $1.666666720e-01, v13  }
0x192: {  	v15 =	vmul.f32 v15, v8;
	v11 =	vadd.f32 $5.000000000e-01, v11  }
0x193: {  	v14 =	vadd.f32 $1.666666720e-01, v14;
	v13 =	vmul.f32 v13, v5  }
0x194: {  	v15 =	vadd.f32 $4.166666790e-02, v15;
	v11 =	vmul.f32 v11, v4  }
0x195: {  	v14 =	vmul.f32 v14, v6;
	v13 =	vadd.f32 $5.000000000e-01, v13  }
0x196: {  	v7 =	vtrunc.f32 v7;
	v15 =	vmul.f32 v15, v8;
	v11 =	vadd.f32 $1.000000000e+00, v11  }
0x197: {  	s20 =	sshll.u32 s16, $0x9;
	v9 =	vtrunc.f32 v9;
	v14 =	vadd.f32 $5.000000000e-01, v14;
	v13 =	vmul.f32 v13, v5  }
0x198: {  	s21 =	simm.s32 $0x0;
	s3 =	sand.u32 $0xC00, s20;
	v7 =	vcvt.f32.s32 v7;
	v4 =	vmul.f32 v11, v4;
	v11 =	vadd.f32 $1.666666720e-01, v15  }
0x199: {  	s26 =	sand.u32 $0x7000, s21;
	s18 =	sor.u32 s18, s3;
	v10 =	vtrunc.f32 v10;
	v14 =	vmul.f32 v14, v6;
	v13 =	vadd.f32 $1.000000000e+00, v13  }
0x19a: {  	s5 =	sand.u32 $0x380, s21;
	s3 =	sor.u32 s26, s18;
	v9 =	vcvt.f32.s32 v9;
	v7 =	vshll.u32 v7, $0x17;
	v11 =	vmul.f32 v11, v8  }
0x19b: {  	s3 =	sadd.s32 s5, s3;
	v60 =	vadd.f32 $1.000000000e+00, v14;
	v5 =	vmul.f32 v13, v5;
	v4 =	vadd.f32 $1.000000000e+00, v4  }
0x19c: {  	v61 =	vld [tilespmem:s3+$0x0];
	v9 =	vshll.u32 v9, $0x17;
	v7 =	vadd.s32 $0x3F800000, v7;
	v11 =	vadd.f32 $5.000000000e-01, v11  }
0x19d: {  	v6 =	vmul.f32 v60, v6;
	v5 =	vadd.f32 $1.000000000e+00, v5;
	v4 =	vmul.f32 v7, v4  }
0x19e: {  	s19 =	simm.s32 $0x13500;
	v7 =	vadd.s32 $0x3F800000, v9;
	v9 =	vcvt.f32.s32 v10;
	v10 =	vld [tilespmem:s3+$0x10];
	v11 =	vmul.f32 v11, v8  }
0x19f: {  	v62 =	vld [tilespmem:s19+$0x0]  }
0x1a0: {  	v6 =	vadd.f32 $1.000000000e+00, v6;
	v5 =	vmul.f32 v7, v5;
	v7 =	vadd.f32 $1.000000000e+00, v11  }
0x1a1: {  	v63 =	vld [tilespmem:s3+$0x20];
	v9 =	vshll.u32 v9, $0x17;
	v14 =	vmul.f32 v61, v4;
	v11 =	vtrunc.f32 v12  }
0x1a2: {  	v7 =	vmul.f32 v7, v8;
	v8 =	vadd.s32 $0x3F800000, v9;
	v9 =	vcvt.f32.s32 v11  }
0x1a3: {  	v10 =	vmul.f32 v10, v5;
	v11 =	vld [tilespmem:s3+$0x30];
	v6 =	vmul.f32 v8, v6  }
0x1a4: {  	v8 =	vadd.f32 v14, v62;
	v7 =	vadd.f32 $1.000000000e+00, v7;
	v9 =	vshll.u32 v9, $0x17  }
0x1a5: {  	v9 =	vadd.s32 $0x3F800000, v9  }
0x1a6: {  	v8 =	vadd.f32 v10, v8;
	v7 =	vmul.f32 v9, v7;
	v9 =	vmul.f32 v63, v6;
	_ =	sdelay $0x1  }
0x1a7: {  	v8 =	vadd.f32 v9, v8;
	v9 =	vmul.f32 v11, v7  }
0x1a8: {  	s28 =	simm.s32 $0x200  }
0x1a9: {  	s21 =	simm.s32 $0x80;
	s20 =	simm.s32 $0x400;
	s3 =	sand.u32 $0x7000, s28;
	v8 =	vadd.f32 v9, v8  }
.LBB2_14:
0x1aa: {  	p0 =	sne.s32 s20, $0x7E00;
	s5 =	sand.u32 $0x380, s21;
	s3 =	sor.u32 s3, s18  }
0x1ab: {  	s3 =	sadd.s32 s5, s3;
	[tilespmem:s19+$0x0] =	vst v8  }
0x1ac: {  	s19 =	sadd.s32 $0x10, s19;
	v8 =	vld [tilespmem:s3+$0x0]  }
0x1ad: {  	v9 =	vld [tilespmem:s19+$0x0]  }
0x1ae: {  	v10 =	vld [tilespmem:s3+$0x10];
	_ =	sdelay $0x1  }
0x1af: {  	v11 =	vld [tilespmem:s3+$0x20]  }
0x1b0: {  	v8 =	vmul.f32 v8, v4  }
0x1b1: {  	v12 =	vld [tilespmem:s3+$0x30]  }
0x1b2: {  	v8 =	vadd.f32 v8, v9;
	v9 =	vmul.f32 v10, v5;
	_ =	sdelay $0x1  }
.Ltmp5:
0x1b3: {  	v8 =	vadd.f32 v9, v8;
	v9 =	vmul.f32 v11, v6;
	(pc) =	sbr.rel @p0 .LBB2_14-.Ltmp5, $3  }
0x1b4: {  	_ = 	snop  }
0x1b5: {  	v8 =	vadd.f32 v9, v8;
	v9 =	vmul.f32 v12, v7;
	_ =	sdelay $0x1  }
0x1b6: {  	s21 =	sadd.s32 $0x80, s21;
	s3 =	sand.u32 $0x7000, s20;
	s20 =	sadd.s32 $0x200, s20;
	v8 =	vadd.f32 v9, v8  }
0x1b7: {  	s5 =	sand.u32 $0x380, s21;
	s3 =	sor.u32 s3, s18  }
0x1b8: {  	s3 =	sadd.s32 s5, s3;
	[tilespmem:s19+$0x0] =	vst v8  }
0x1b9: {  	s28 =	sadd.s32 $0x10, s19;
	v8 =	vld [tilespmem:s3+$0x0]  }
0x1ba: {  	v9 =	vld [tilespmem:s28+$0x0]  }
0x1bb: {  	v10 =	vld [tilespmem:s3+$0x10];
	_ =	sdelay $0x1  }
0x1bc: {  	v11 =	vld [tilespmem:s3+$0x20]  }
0x1bd: {  	v8 =	vmul.f32 v8, v4  }
0x1be: {  	v12 =	vld [tilespmem:s3+$0x30]  }
0x1bf: {  	v60 =	vmul.f32 v10, v5;
	v8 =	vadd.f32 v8, v9;
	_ =	sdelay $0x1  }
0x1c0: {  	s16 =	sadd.s32 $0x1, s16;
	v61 =	vmul.f32 v11, v6;
	v8 =	vadd.f32 v60, v8  }
0x1c1: {  	p0 =	sne.s32 s16, $0x8;
	v4 =	vadd.f32 v5, v4  }
.Ltmp6:
0x1c2: {  	v62 =	vmul.f32 v12, v7;
	v5 =	vadd.f32 v7, v6;
	v8 =	vadd.f32 v61, v8;
	(pc) =	sbr.rel @p0 .LBB2_13-.Ltmp6, $3  }
0x1c3: {  	_ = 	snop  }
0x1c4: {  	v4 =	vadd.f32 v5, v4;
	v63 =	vadd.f32 v62, v8;
	_ =	sdelay $0x1  }
0x1c5: {  	v1 =	vadd.f32 v4, v1;
	[tilespmem:s28+$0x0] =	vst v63  }
0x1c6: {  	_ =	swait.ge [sflag:s25], $0x8000;
	p0 =	seq.s32 s30, $0x5  }
0x1c7: {  	[sflag:s25] =	ssyncset.done $0x0;
	s0 =	sadd.s32 @!p0 s0, s12;
	s1 =	simm.s32 @!p0 $0x1000  }
0x1c8: {  	s3 =	simm.s32 @!p0 $0x80000;
	s5 =	simm.s32 @!p0 $0x0;
	[sflag:s25] =	ssyncadd.s32 $0xFFFF8000  }
0x1c9: {  	[tilespmem:s5], [sflag:$0x1] =	stream.strided.gather @!p0 [hbm4b:s0+s1], $0x8000, s3, s1, $0x38;
	[tilespmem:$0x13A00] =	vst v63  }
0x1ca: {  	s16 =	simm.s32 $0x0;
	s0 =	sadd.s32 $0x10000, s31;
	s1 =	simm.s32 $0x0  }
.LBB2_17:
0x1cb: {  	s3 =	sshll.u32 s16, $0x6  }
0x1cc: {  	s5 =	sand.u32 $0x180, s3  }
0x1cd: {  	s18 =	sand.u32 $0x40, s3;
	s20 =	sadd.s32 s5, s0  }
0x1ce: {  	s3 =	sadd.s32 s18, s20  }
0x1cf: {  	v4 =	vld [tilespmem:s3+$0x0];
	_ =	sdelay $0x2  }
0x1d0: {  	v5 =	vld [tilespmem:s3+$0x10];
	_ =	sdelay $0x1  }
0x1d1: {  	v6 =	vld [tilespmem:s3+$0x20];
	v4 =	vsub.f32 v4, v3;
	_ =	sdelay $0x1  }
0x1d2: {  	v4 =	vmax.f32 v4, $-8.700000000e+01  }
0x1d3: {  	v5 =	vsub.f32 v5, v3;
	v4 =	vmul.f32 $1.442695020e+00, v4  }
0x1d4: {  	v8 =	vld [tilespmem:s3+$0x30]  }
0x1d5: {  	v6 =	vsub.f32 v6, v3;
	v5 =	vmax.f32 v5, $-8.700000000e+01;
	v7 =	vadd.f32 $1.258291200e+07, v4  }
0x1d6: {  	v5 =	vmul.f32 $1.442695020e+00, v5  }
0x1d7: {  	v6 =	vmax.f32 v6, $-8.700000000e+01;
	v7 =	vadd.f32 $-1.258291200e+07, v7  }
0x1d8: {  	v6 =	vmul.f32 $1.442695020e+00, v6;
	v9 =	vadd.f32 $1.258291200e+07, v5  }
0x1d9: {  	v8 =	vsub.f32 v8, v3;
	v4 =	vsub.f32 v4, v7  }
0x1da: {  	v10 =	vadd.f32 $1.258291200e+07, v6;
	v9 =	vadd.f32 $-1.258291200e+07, v9  }
0x1db: {  	v4 =	vmul.f32 $6.931471820e-01, v4  }
0x1dc: {  	v8 =	vmax.f32 v8, $-8.700000000e+01;
	v10 =	vadd.f32 $-1.258291200e+07, v10;
	v5 =	vsub.f32 v5, v9  }
0x1dd: {  	v8 =	vmul.f32 $1.442695020e+00, v8;
	v11 =	vmul.f32 $1.388888920e-03, v4  }
0x1de: {  	v6 =	vsub.f32 v6, v10;
	v5 =	vmul.f32 $6.931471820e-01, v5  }
0x1df: {  	v12 =	vadd.f32 $1.258291200e+07, v8;
	v11 =	vadd.f32 $8.333333770e-03, v11  }
0x1e0: {  	v6 =	vmul.f32 $6.931471820e-01, v6;
	v13 =	vmul.f32 $1.388888920e-03, v5  }
0x1e1: {  	v12 =	vadd.f32 $-1.258291200e+07, v12;
	v11 =	vmul.f32 v11, v4  }
0x1e2: {  	v14 =	vmul.f32 $1.388888920e-03, v6;
	v13 =	vadd.f32 $8.333333770e-03, v13  }
0x1e3: {  	v8 =	vsub.f32 v8, v12;
	v11 =	vadd.f32 $4.166666790e-02, v11  }
0x1e4: {  	v14 =	vadd.f32 $8.333333770e-03, v14;
	v13 =	vmul.f32 v13, v5  }
0x1e5: {  	v8 =	vmul.f32 $6.931471820e-01, v8;
	v11 =	vmul.f32 v11, v4  }
0x1e6: {  	v14 =	vmul.f32 v14, v6;
	v13 =	vadd.f32 $4.166666790e-02, v13  }
0x1e7: {  	v15 =	vmul.f32 $1.388888920e-03, v8;
	v11 =	vadd.f32 $1.666666720e-01, v11  }
0x1e8: {  	v14 =	vadd.f32 $4.166666790e-02, v14;
	v13 =	vmul.f32 v13, v5  }
0x1e9: {  	v15 =	vadd.f32 $8.333333770e-03, v15;
	v11 =	vmul.f32 v11, v4  }
0x1ea: {  	v14 =	vmul.f32 v14, v6;
	v13 =	vadd.f32 $1.666666720e-01, v13  }
0x1eb: {  	v15 =	vmul.f32 v15, v8;
	v11 =	vadd.f32 $5.000000000e-01, v11  }
0x1ec: {  	v14 =	vadd.f32 $1.666666720e-01, v14;
	v13 =	vmul.f32 v13, v5  }
0x1ed: {  	v15 =	vadd.f32 $4.166666790e-02, v15;
	v11 =	vmul.f32 v11, v4  }
0x1ee: {  	v14 =	vmul.f32 v14, v6;
	v13 =	vadd.f32 $5.000000000e-01, v13  }
0x1ef: {  	s21 =	sshll.u32 s16, $0x9;
	v7 =	vtrunc.f32 v7;
	v15 =	vmul.f32 v15, v8;
	v11 =	vadd.f32 $1.000000000e+00, v11  }
0x1f0: {  	s3 =	sand.u32 $0xC00, s21;
	v9 =	vtrunc.f32 v9;
	v14 =	vadd.f32 $5.000000000e-01, v14;
	v13 =	vmul.f32 v13, v5  }
0x1f1: {  	s3 =	sor.u32 s18, s3;
	v7 =	vcvt.f32.s32 v7;
	v4 =	vmul.f32 v11, v4;
	v11 =	vadd.f32 $1.666666720e-01, v15  }
0x1f2: {  	s26 =	sand.u32 $0x7000, s1;
	s18 =	sor.u32 $0x8000, s3;
	v10 =	vtrunc.f32 v10;
	v14 =	vmul.f32 v14, v6;
	v13 =	vadd.f32 $1.000000000e+00, v13  }
0x1f3: {  	s28 =	sand.u32 $0x380, s1;
	s3 =	sadd.s32 s26, s18;
	v9 =	vcvt.f32.s32 v9;
	v7 =	vshll.u32 v7, $0x17;
	v11 =	vmul.f32 v11, v8  }
0x1f4: {  	s3 =	sadd.s32 s28, s3;
	v60 =	vadd.f32 $1.000000000e+00, v14;
	v5 =	vmul.f32 v13, v5;
	v4 =	vadd.f32 $1.000000000e+00, v4  }
0x1f5: {  	v61 =	vld [tilespmem:s3+$0x0];
	v9 =	vshll.u32 v9, $0x17;
	v7 =	vadd.s32 $0x3F800000, v7;
	v11 =	vadd.f32 $5.000000000e-01, v11  }
0x1f6: {  	v6 =	vmul.f32 v60, v6;
	v5 =	vadd.f32 $1.000000000e+00, v5;
	v4 =	vmul.f32 v7, v4  }
0x1f7: {  	s19 =	simm.s32 $0x13500;
	v7 =	vadd.s32 $0x3F800000, v9;
	v9 =	vcvt.f32.s32 v10;
	v10 =	vld [tilespmem:s3+$0x10];
	v11 =	vmul.f32 v11, v8  }
0x1f8: {  	v62 =	vld [tilespmem:s19+$0x0]  }
0x1f9: {  	v6 =	vadd.f32 $1.000000000e+00, v6;
	v5 =	vmul.f32 v7, v5;
	v7 =	vadd.f32 $1.000000000e+00, v11  }
0x1fa: {  	v63 =	vld [tilespmem:s3+$0x20];
	v9 =	vshll.u32 v9, $0x17;
	v14 =	vmul.f32 v61, v4;
	v11 =	vtrunc.f32 v12  }
0x1fb: {  	v7 =	vmul.f32 v7, v8;
	v8 =	vadd.s32 $0x3F800000, v9;
	v9 =	vcvt.f32.s32 v11  }
0x1fc: {  	v10 =	vmul.f32 v10, v5;
	v11 =	vld [tilespmem:s3+$0x30];
	v6 =	vmul.f32 v8, v6  }
0x1fd: {  	v8 =	vadd.f32 v14, v62;
	v7 =	vadd.f32 $1.000000000e+00, v7;
	v9 =	vshll.u32 v9, $0x17  }
0x1fe: {  	v9 =	vadd.s32 $0x3F800000, v9  }
0x1ff: {  	v8 =	vadd.f32 v10, v8;
	v7 =	vmul.f32 v9, v7;
	v9 =	vmul.f32 v63, v6;
	_ =	sdelay $0x1  }
0x200: {  	v8 =	vadd.f32 v9, v8;
	v9 =	vmul.f32 v11, v7  }
0x201: {  	s31 =	simm.s32 $0x200  }
0x202: {  	s20 =	simm.s32 $0x400;
	s21 =	simm.s32 $0x80;
	s3 =	sand.u32 $0x7000, s31;
	v8 =	vadd.f32 v9, v8  }
.LBB2_18:
0x203: {  	p0 =	sne.s32 s20, $0x7E00;
	s5 =	sand.u32 $0x380, s21;
	s3 =	sadd.s32 s3, s18  }
0x204: {  	s3 =	sadd.s32 s5, s3;
	[tilespmem:s19+$0x0] =	vst v8  }
0x205: {  	s19 =	sadd.s32 $0x10, s19;
	v8 =	vld [tilespmem:s3+$0x0]  }
0x206: {  	v9 =	vld [tilespmem:s19+$0x0]  }
0x207: {  	v10 =	vld [tilespmem:s3+$0x10];
	_ =	sdelay $0x1  }
0x208: {  	v11 =	vld [tilespmem:s3+$0x20]  }
0x209: {  	v8 =	vmul.f32 v8, v4  }
0x20a: {  	v12 =	vld [tilespmem:s3+$0x30]  }
0x20b: {  	v8 =	vadd.f32 v8, v9;
	v9 =	vmul.f32 v10, v5;
	_ =	sdelay $0x1  }
.Ltmp7:
0x20c: {  	v8 =	vadd.f32 v9, v8;
	v9 =	vmul.f32 v11, v6;
	(pc) =	sbr.rel @p0 .LBB2_18-.Ltmp7, $3  }
0x20d: {  	_ = 	snop  }
0x20e: {  	v8 =	vadd.f32 v9, v8;
	v9 =	vmul.f32 v12, v7;
	_ =	sdelay $0x1  }
0x20f: {  	s21 =	sadd.s32 $0x80, s21;
	s3 =	sand.u32 $0x7000, s20;
	s20 =	sadd.s32 $0x200, s20;
	v8 =	vadd.f32 v9, v8  }
0x210: {  	s5 =	sand.u32 $0x380, s21;
	s3 =	sadd.s32 s3, s18  }
0x211: {  	s3 =	sadd.s32 s5, s3;
	[tilespmem:s19+$0x0] =	vst v8  }
0x212: {  	s31 =	sadd.s32 $0x10, s19;
	v8 =	vld [tilespmem:s3+$0x0]  }
0x213: {  	v9 =	vld [tilespmem:s31+$0x0]  }
0x214: {  	v10 =	vld [tilespmem:s3+$0x10];
	_ =	sdelay $0x1  }
0x215: {  	v11 =	vld [tilespmem:s3+$0x20]  }
0x216: {  	v8 =	vmul.f32 v8, v4  }
0x217: {  	v12 =	vld [tilespmem:s3+$0x30]  }
0x218: {  	v60 =	vmul.f32 v10, v5;
	v8 =	vadd.f32 v8, v9;
	_ =	sdelay $0x1  }
0x219: {  	s16 =	sadd.s32 $0x1, s16;
	v61 =	vmul.f32 v11, v6;
	v8 =	vadd.f32 v60, v8  }
0x21a: {  	p0 =	sne.s32 s16, $0x8;
	v4 =	vadd.f32 v5, v4  }
.Ltmp8:
0x21b: {  	v62 =	vmul.f32 v12, v7;
	v5 =	vadd.f32 v7, v6;
	v8 =	vadd.f32 v61, v8;
	(pc) =	sbr.rel @p0 .LBB2_17-.Ltmp8, $3  }
0x21c: {  	_ = 	snop  }
0x21d: {  	v4 =	vadd.f32 v5, v4;
	v63 =	vadd.f32 v62, v8;
	_ =	sdelay $0x1  }
0x21e: {  	v1 =	vadd.f32 v4, v1;
	[tilespmem:s31+$0x0] =	vst v63  }
0x21f: {  	s30 =	sadd.s32 $0x1, s30  }
0x220: {  	p0 =	sne.s32 s30, $0x6  }
.Ltmp9:
0x221: {  	_ = 	snop;
	(pc) =	sbr.rel @p0 .LBB2_12-.Ltmp9, $1  }
0x222: {  	_ =	sdelay $0x3  }
0x223: {  	v3 =	vld [tilespmem:$0x13500]  }
0x224: {  	v4 =	vld [tilespmem:$0x13510]  }
0x225: {  	v5 =	vld [tilespmem:$0x13520]  }
0x226: {  	v6 =	vld [tilespmem:$0x13530]  }
0x227: {  	v7 =	vld [tilespmem:$0x13540]  }
0x228: {  	(xrf2) =	vadd.scan.msk.f32 $0xffff, v3;
	v3 =	vld [tilespmem:$0x13550]  }
0x229: {  	v33 =	vld [tilespmem:$0x13560];
	(xrf2) =	vadd.scan.msk.f32 $0xffff, v4  }
0x22a: {  	v34 =	vld [tilespmem:$0x13570];
	(xrf2) =	vadd.scan.msk.f32 $0xffff, v5  }
0x22b: {  	v35 =	vld [tilespmem:$0x13580];
	(xrf2) =	vadd.scan.msk.f32 $0xffff, v6  }
0x22c: {  	v36 =	vld [tilespmem:$0x13590];
	(xrf2) =	vadd.scan.msk.f32 $0xffff, v7  }
0x22d: {  	(xrf2) =	vadd.scan.msk.f32 $0xffff, v3;
	v3 =	vld [tilespmem:$0x135A0]  }
0x22e: {  	v37 =	vld [tilespmem:$0x135B0];
	(xrf2) =	vadd.scan.msk.f32 $0xffff, v33  }
0x22f: {  	v38 =	vld [tilespmem:$0x135C0];
	(xrf2) =	vadd.scan.msk.f32 $0xffff, v34  }
0x230: {  	v39 =	vld [tilespmem:$0x135D0];
	(xrf2) =	vadd.scan.msk.f32 $0xffff, v35  }
0x231: {  	v40 =	vld [tilespmem:$0x135E0];
	(xrf2) =	vadd.scan.msk.f32 $0xffff, v36  }
0x232: {  	v8, _, _ =	vpop (xrf2);
	(xrf2) =	vadd.scan.msk.f32 $0xffff, v3;
	v3 =	vld [tilespmem:$0x135F0]  }
0x233: {  	v41 =	vld [tilespmem:$0x13600];
	v9, _, _ =	vpop (xrf2);
	(xrf2) =	vadd.scan.msk.f32 $0xffff, v37  }
0x234: {  	v42 =	vld [tilespmem:$0x13610];
	v10, _, _ =	vpop (xrf2);
	(xrf2) =	vadd.scan.msk.f32 $0xffff, v38  }
0x235: {  	v43 =	vld [tilespmem:$0x13620];
	v11, _, _ =	vpop (xrf2);
	(xrf2) =	vadd.scan.msk.f32 $0xffff, v39  }
0x236: {  	v44 =	vld [tilespmem:$0x13630];
	v12, _, _ =	vpop (xrf2);
	(xrf2) =	vadd.scan.msk.f32 $0xffff, v40  }
0x237: {  	v13, _, _ =	vpop (xrf2);
	(xrf2) =	vadd.scan.msk.f32 $0xffff, v3;
	v3 =	vld [tilespmem:$0x13640]  }
0x238: {  	v45 =	vld [tilespmem:$0x13650];
	v14, _, _ =	vpop (xrf2);
	(xrf2) =	vadd.scan.msk.f32 $0xffff, v41  }
0x239: {  	v46 =	vld [tilespmem:$0x13660];
	v15, _, _ =	vpop (xrf2);
	(xrf2) =	vadd.scan.msk.f32 $0xffff, v42  }
0x23a: {  	v47 =	vld [tilespmem:$0x13670];
	v16, _, _ =	vpop (xrf2);
	(xrf2) =	vadd.scan.msk.f32 $0xffff, v43  }
0x23b: {  	v48 =	vld [tilespmem:$0x13680];
	v17, _, _ =	vpop (xrf2);
	(xrf2) =	vadd.scan.msk.f32 $0xffff, v44  }
0x23c: {  	v18, _, _ =	vpop (xrf2);
	(xrf2) =	vadd.scan.msk.f32 $0xffff, v3;
	v3 =	vld [tilespmem:$0x13690]  }
0x23d: {  	v20 =	vld [tilespmem:$0x136A0];
	v19, _, _ =	vpop (xrf2);
	(xrf2) =	vadd.scan.msk.f32 $0xffff, v45  }
0x23e: {  	v49 =	vld [tilespmem:$0x136B0];
	v21, _, _ =	vpop (xrf2);
	(xrf2) =	vadd.scan.msk.f32 $0xffff, v46  }
0x23f: {  	v50 =	vld [tilespmem:$0x136C0];
	v22, _, _ =	vpop (xrf2);
	(xrf2) =	vadd.scan.msk.f32 $0xffff, v47  }
0x240: {  	v51 =	vld [tilespmem:$0x136D0];
	v23, _, _ =	vpop (xrf2);
	(xrf2) =	vadd.scan.msk.f32 $0xffff, v48  }
0x241: {  	v4, _, _ =	vpop (xrf2);
	(xrf2) =	vadd.scan.msk.f32 $0xffff, v3;
	v3 =	vld [tilespmem:$0x136E0]  }
0x242: {  	v52 =	vld [tilespmem:$0x136F0];
	v24, _, _ =	vpop (xrf2);
	(xrf2) =	vadd.scan.msk.f32 $0xffff, v20  }
0x243: {  	v53 =	vld [tilespmem:$0x13700];
	v25, _, _ =	vpop (xrf2);
	(xrf2) =	vadd.scan.msk.f32 $0xffff, v49  }
0x244: {  	v54 =	vld [tilespmem:$0x13710];
	v26, _, _ =	vpop (xrf2);
	(xrf2) =	vadd.scan.msk.f32 $0xffff, v50  }
0x245: {  	v55 =	vld [tilespmem:$0x13720];
	v27, _, _ =	vpop (xrf2);
	(xrf2) =	vadd.scan.msk.f32 $0xffff, v51  }
0x246: {  	v28, _, _ =	vpop (xrf2);
	(xrf2) =	vadd.scan.msk.f32 $0xffff, v3;
	v3 =	vld [tilespmem:$0x13730]  }
0x247: {  	v56 =	vld [tilespmem:$0x13740];
	v8 =	vbroadcast v8, $0xF;
	v9 =	vbroadcast v9, $0xF;
	v29, _, _ =	vpop (xrf2);
	(xrf2) =	vadd.scan.msk.f32 $0xffff, v52  }
0x248: {  	v57 =	vld [tilespmem:$0x13750];
	v10 =	vbroadcast v10, $0xF;
	v30, _, _ =	vpop (xrf2);
	(xrf2) =	vadd.scan.msk.f32 $0xffff, v53  }
0x249: {  	v58 =	vld [tilespmem:$0x13760];
	v8 =	vsel vm0, v8, v9;
	v59 =	vbroadcast v11, $0xF;
	v31, _, _ =	vpop (xrf2);
	(xrf2) =	vadd.scan.msk.f32 $0xffff, v54  }
0x24a: {  	v60 =	vld [tilespmem:$0x13770];
	v8 =	vsel vm1, v8, v10;
	v61 =	vbroadcast v12, $0xF;
	v11, _, _ =	vpop (xrf2);
	(xrf2) =	vadd.scan.msk.f32 $0xffff, v55  }
0x24b: {  	v8 =	vsel vm2, v8, v59;
	v62 =	vbroadcast v13, $0xF;
	v12, _, _ =	vpop (xrf2);
	(xrf2) =	vadd.scan.msk.f32 $0xffff, v3;
	v3 =	vld [tilespmem:$0x13780]  }
0x24c: {  	v63 =	vld [tilespmem:$0x13790];
	v8 =	vsel vm3, v8, v61;
	v36 =	vbroadcast v14, $0xF;
	v13, _, _ =	vpop (xrf2);
	(xrf2) =	vadd.scan.msk.f32 $0xffff, v56  }
0x24d: {  	v37 =	vld [tilespmem:$0x137A0];
	v8 =	vsel vm4, v8, v62;
	v38 =	vbroadcast v15, $0xF;
	v14, _, _ =	vpop (xrf2);
	(xrf2) =	vadd.scan.msk.f32 $0xffff, v57  }
0x24e: {  	v39 =	vld [tilespmem:$0x137B0];
	v8 =	vsel vm5, v8, v36;
	v40 =	vbroadcast v16, $0xF;
	v15, _, _ =	vpop (xrf2);
	(xrf2) =	vadd.scan.msk.f32 $0xffff, v58  }
0x24f: {  	v41 =	vld [tilespmem:$0x137C0];
	v8 =	vsel vm6, v8, v38;
	v42 =	vbroadcast v17, $0xF;
	v16, _, _ =	vpop (xrf2);
	(xrf2) =	vadd.scan.msk.f32 $0xffff, v60  }
0x250: {  	v32 =	vld [tilespmem:$0x137D0];
	v8 =	vsel vm7, v8, v40;
	v43 =	vbroadcast v18, $0xF;
	v17, _, _ =	vpop (xrf2);
	(xrf2) =	vadd.scan.msk.f32 $0xffff, v3  }
0x251: {  	v44 =	vld [tilespmem:$0x137E0];
	v8 =	vsel vm8, v8, v42;
	v48 =	vbroadcast v19, $0xF;
	v3, _, _ =	vpop (xrf2);
	(xrf2) =	vadd.scan.msk.f32 $0xffff, v63  }
0x252: {  	v47 =	vld [tilespmem:$0x137F0];
	v8 =	vsel vm9, v8, v43;
	v21 =	vbroadcast v21, $0xF;
	v45 =	vbroadcast v24, $0xF;
	v24, _, _ =	vpop (xrf2);
	(xrf2) =	vadd.scan.msk.f32 $0xffff, v37  }
0x253: {  	v22 =	vbroadcast v22, $0xF;
	v8 =	vsel vm10, v8, v48;
	v51 =	vld [tilespmem:$0x13800];
	v50, _, _ =	vpop (xrf2);
	(xrf2) =	vadd.scan.msk.f32 $0xffff, v39  }
0x254: {  	v23 =	vbroadcast v23, $0xF;
	v8 =	vsel vm11, v8, v21;
	v46 =	vbroadcast v25, $0xF;
	v54 =	vld [tilespmem:$0x13810];
	v53, _, _ =	vpop (xrf2);
	(xrf2) =	vadd.scan.msk.f32 $0xffff, v41  }
0x255: {  	v8 =	vsel vm12, v8, v22;
	v57 =	vld [tilespmem:$0x13820];
	v56, _, _ =	vpop (xrf2);
	(xrf2) =	vadd.scan.msk.f32 $0xffff, v32  }
0x256: {  	v49 =	vbroadcast v26, $0xF;
	v8 =	vsel vm13, v8, v23;
	v9 =	vsel vm0, v45, v46;
	v60 =	vld [tilespmem:$0x13830];
	v59, _, _ =	vpop (xrf2);
	(xrf2) =	vadd.scan.msk.f32 $0xffff, v44  }
0x257: {  	v4 =	vsel vm14, v8, v4;
	v52 =	vbroadcast v27, $0xF;
	v61 =	vbroadcast v30, $0xF;
	v63 =	vld [tilespmem:$0x13840];
	v62, _, _ =	vpop (xrf2);
	(xrf2) =	vadd.scan.msk.f32 $0xffff, v47  }
0x258: {  	v34 =	vld [tilespmem:$0x13850];
	v9 =	vsel vm1, v9, v49;
	v55 =	vbroadcast v28, $0xF;
	v35 =	vbroadcast v11, $0xF;
	v33, _, _ =	vpop (xrf2);
	(xrf2) =	vadd.scan.msk.f32 $0xffff, v51  }
0x259: {  	v9 =	vsel vm2, v9, v52;
	v12 =	vbroadcast v12, $0xF;
	v58 =	vbroadcast v29, $0xF;
	v37 =	vld [tilespmem:$0x13860];
	v36, _, _ =	vpop (xrf2);
	(xrf2) =	vadd.scan.msk.f32 $0xffff, v54  }
0x25a: {  	v9 =	vsel vm3, v9, v55;
	v40 =	vbroadcast v13, $0xF;
	v16 =	vbroadcast v16, $0xF;
	v39 =	vld [tilespmem:$0x13870];
	v38, _, _ =	vpop (xrf2);
	(xrf2) =	vadd.scan.msk.f32 $0xffff, v57  }
0x25b: {  	v42 =	vld [tilespmem:$0x13880];
	v9 =	vsel vm4, v9, v58;
	v27 =	vbroadcast v17, $0xF;
	v32 =	vbroadcast v31, $0xF;
	v41, _, _ =	vpop (xrf2);
	(xrf2) =	vadd.scan.msk.f32 $0xffff, v60  }
0x25c: {  	v46 =	vld [tilespmem:$0x13890];
	v9 =	vsel vm5, v9, v61;
	v48 =	vbroadcast v50, $0xF;
	v52 =	vbroadcast v53, $0xF;
	v45, _, _ =	vpop (xrf2);
	(xrf2) =	vadd.scan.msk.f32 $0xffff, v63  }
0x25d: {  	v50 =	vld [tilespmem:$0x138A0];
	v44 =	vbroadcast v14, $0xF;
	v55 =	vbroadcast v56, $0xF;
	v9 =	vsel vm6, v9, v32;
	v49, _, _ =	vpop (xrf2);
	(xrf2) =	vadd.scan.msk.f32 $0xffff, v34  }
0x25e: {  	v47 =	vbroadcast v24, $0xF;
	v59 =	vbroadcast v59, $0xF;
	v9 =	vsel vm7, v9, v35;
	v54 =	vld [tilespmem:$0x138B0];
	v53, _, _ =	vpop (xrf2);
	(xrf2) =	vadd.scan.msk.f32 $0xffff, v37  }
0x25f: {  	v51 =	vbroadcast v15, $0xF;
	v62 =	vbroadcast v62, $0xF;
	v43 =	vsel vm8, v9, v12;
	v57 =	vld [tilespmem:$0x138C0];
	v56, _, _ =	vpop (xrf2);
	(xrf2) =	vadd.scan.msk.f32 $0xffff, v39  }
0x260: {  	v61 =	vld [tilespmem:$0x138D0];
	v10 =	vsel vm0, v47, v48;
	v28 =	vbroadcast v33, $0xF;
	v8 =	vsel vm9, v43, v40;
	v60, _, _ =	vpop (xrf2);
	(xrf2) =	vadd.scan.msk.f32 $0xffff, v42  }
0x261: {  	v25 =	vld [tilespmem:$0x138E0];
	v58 =	vsel vm1, v10, v52;
	v30 =	vbroadcast v36, $0xF;
	v8 =	vsel vm10, v8, v44;
	v63, _, _ =	vpop (xrf2);
	(xrf2) =	vadd.scan.msk.f32 $0xffff, v46  }
0x262: {  	v9 =	vsel vm2, v58, v55;
	v31 =	vbroadcast v38, $0xF;
	v8 =	vsel vm11, v8, v51;
	v26, _, _ =	vpop (xrf2);
	(xrf2) =	vadd.scan.msk.f32 $0xffff, v50  }
0x263: {  	v9 =	vsel vm3, v9, v59;
	v13 =	vbroadcast v41, $0xF;
	v8 =	vsel vm12, v8, v16;
	v29, _, _ =	vpop (xrf2);
	(xrf2) =	vadd.scan.msk.f32 $0xffff, v54  }
0x264: {  	v33 =	vld [tilespmem:$0x138F0];
	v9 =	vsel vm4, v9, v62;
	v10 =	vbroadcast v26, $0xF;
	v14 =	vbroadcast v29, $0xF;
	v32, _, _ =	vpop (xrf2);
	(xrf2) =	vadd.scan.msk.f32 $0xffff, v57  }
0x265: {  	v40 =	vbroadcast v45, $0xF;
	v9 =	vsel vm5, v9, v28;
	v34, _, _ =	vpop (xrf2);
	(xrf2) =	vadd.scan.msk.f32 $0xffff, v61;
	v35 =	vbroadcast v32, $0xF  }
0x266: {  	v6 =	vsel vm13, v8, v27;
	v10 =	vsel vm0, v10, v14;
	v8 =	vbroadcast v34, $0xF;
	v36, _, _ =	vpop (xrf2);
	(xrf2) =	vadd.scan.msk.f32 $0xffff, v25  }
0x267: {  	v7 =	vsel vm6, v9, v30;
	v37, _, _ =	vpop (xrf2);
	v9 =	vsel vm1, v10, v35;
	v38 =	vbroadcast v36, $0xF  }
0x268: {  	v7 =	vsel vm7, v7, v31;
	v39, _, _ =	vpop (xrf2);
	v8 =	vsel vm2, v9, v8;
	v5 =	vbroadcast v37, $0xF  }
0x269: {  	v56 =	vbroadcast v56, $0xF;
	(xrf2) =	vadd.scan.msk.f32 $0xffff, v33;
	v8 =	vsel vm3, v8, v38;
	v41 =	vbroadcast v39, $0xF;
	v42, _, _ =	vpop (xrf2)  }
0x26a: {  	v7 =	vsel vm8, v7, v13;
	v43, _, _ =	vpop (xrf2);
	v5 =	vsel vm4, v8, v5;
	v44 =	vbroadcast v42, $0xF  }
0x26b: {  	v46 =	vbroadcast v49, $0xF;
	v45, _, _ =	vpop (xrf2);
	v5 =	vsel vm5, v5, v41;
	v47 =	vbroadcast v43, $0xF  }
0x26c: {  	v49 =	vbroadcast v53, $0xF;
	v48, _, _ =	vpop (xrf2);
	v5 =	vsel vm6, v5, v44;
	v50 =	vbroadcast v45, $0xF  }
0x26d: {  	v59 =	vbroadcast v60, $0xF;
	v51, _, _ =	vpop (xrf2);
	v5 =	vsel vm7, v5, v47;
	v52 =	vbroadcast v48, $0xF  }
0x26e: {  	v7 =	vsel vm9, v7, v40;
	v53, _, _ =	vpop (xrf2);
	v5 =	vsel vm8, v5, v50;
	v54 =	vbroadcast v51, $0xF  }
0x26f: {  	v7 =	vsel vm10, v7, v46;
	v55, _, _ =	vpop (xrf2);
	v5 =	vsel vm9, v5, v52;
	v57 =	vbroadcast v53, $0xF  }
0x270: {  	v7 =	vsel vm11, v7, v49;
	v58, _, _ =	vpop (xrf2);
	v5 =	vsel vm10, v5, v54;
	v9 =	vbroadcast v55, $0xF  }
0x271: {  	v7 =	vsel vm12, v7, v56;
	v5 =	vsel vm11, v5, v57;
	v60 =	vbroadcast v58, $0xF  }
0x272: {  	[tilespmem:$0x13900] =	vst v4;
	v3 =	vsel vm14, v6, v3;
	v61 =	vsel vm13, v7, v59;
	v5 =	vsel vm12, v5, v9  }
0x273: {  	[tilespmem:$0x13910] =	vst v3;
	v3 =	vsel vm14, v61, v63;
	v63, _, _ =	vpop (xrf2);
	v62 =	vsel vm13, v5, v60  }
0x274: {  	[tilespmem:$0x13920] =	vst v3;
	v3 =	vsel vm14, v62, v63  }
0x275: {  	s0 =	simm.s32 $0x13900;
	[tilespmem:$0x13930] =	vst v3  }
0x276: {  	v2 =	vadd.f32 $0.0e+00, v2;
	[hbm4b:s13+s2] =	stream.linear.scatter [tilespmem:s0], [sflag:$0x3], $0x40, $0x38;
	[tilespmem:$0x13A00] =	vst v63  }
0x277: {  	_ =	swait.ge [sflag:s17], $0x40  }
0x278: {  	v2 =	vbroadcast v2, $0xF;
	[sflag:s17] =	ssyncset.done $0x0  }
0x279: {  	s29 =	sadd.s32 $0x1, s29;
	[sflag:s17] =	ssyncadd.s32 $0xFFFFFFC0  }
0x27a: {  	p0 =	sne.s32 s29, s15;
	[tilespmem:$0x13980] =	vst v2  }
.Ltmp10:
0x27b: {  	s31 =	simm.s32 $0x13980;
	[tilespmem:$0x13990] =	vst v1;
	(pc) =	sbr.rel @p0 .LBB2_1-.Ltmp10, $4  }
0x27c: {  	[hbm4b:s14+s2] =	stream.linear.scatter [tilespmem:s31], [sflag:$0x3], $0x20, $0x38;
	[tilespmem:$0x13A00] =	vst v63  }
0x27d: {  	_ =	swait.ge [sflag:s17], $0x20  }
0x27e: {  	[sflag:s17] =	ssyncset.done $0x0  }
0x27f: {  	[sflag:s17] =	ssyncadd.s32 $0xFFFFFFE0  }
0x280: {  	_ =	sfence.sel $0x180000  }
0x281: {  	[bflag:$0x0] =	sbarrier.arrive $0xFFFF  }
0x282: {  	_ =	strace $0x90000047  }
0x283: {  	s0 =	stileid.u32;
	[bflag:$0x2] =	sbarrier.arrive $0xFFFF  }
0x284: {  	p0 =	sne.s32 s0, $0x0;
	s0 =	rddreg [dreg:$0x6]  }
0x285: {  	s0 =	sadd.s32 @!p0 $0x100000, s0  }
0x286: {  	[sflag:s0] =	ssyncadd.tile.s32 @!p0 $0x1;
	_ =	shalt  }
.Lfunc_end2:
_tile_overlayer_lowered:
.L_overlay_start_2:
0x287: {  	(tag) =	ssettag $0x2  }
0x288: {  	s0 =	rddreg [dreg:$0x0];
	s2 =	stileid.u32  }
0x289: {  	s1 =	rddreg [dreg:$0x1];
	p0 =	sne.s32 s2, $0x0  }
0x28a: {  	s3 =	rddreg [dreg:$0x2];
	[bflag:$0x3] =	sbarrier.arrive $0xFFFF;
	s2 =	simm.s32 @!p0 $0x1C03  }
0x28b: {  	[timem:s3], [sflag:s2] =	dma.local @!p0 [hbm:s0], s1  }
0x28c: {  	s0 =	simm.s32 @!p0 $0x3  }
0x28d: {  	_ =	swait.ge @!p0 [sflag:s0], s1  }
0x28e: {  	s1 =	ssub.s32 @!p0 $0x0, s1;
	[sflag:s0] =	ssyncset.done @!p0 $0x0  }
0x28f: {  	[sflag:s0] =	ssyncadd.s32 @!p0 s1  }
0x290: {  	[bflag:$0x3] =	sbarrier.arrive $0xFFFF  }
0x291: {  	_ =	shalt  }

</sc_bundles>
